<compile_context>
chip_gen: v7x
topology: tpu7x:2x2x1
jax: 0.10.2.dev20260603
libtpu: 0.0.44.dev20260713+nightly
codegen_flags: <defaults>
</compile_context>

<pallas_src>
import functools

import jax
import jax.numpy as jnp
from jax import lax
from jax.experimental import pallas as pl
from jax.experimental.pallas import tpu as pltpu
from jax.experimental.pallas import tpu_sc as plsc

N = 10000
E = 320000
NCORES = 2
NSUB = 16
STRIPE = 632
CHUNK = 125

DEG_EDGES_PER_W = E // (NCORES * NSUB)
DEG_CHUNKS = DEG_EDGES_PER_W // CHUNK
AGG_EDGES_PER_T = E // NSUB
AGG_CHUNKS = AGG_EDGES_PER_T // CHUNK

_MESH = plsc.VectorSubcoreMesh(core_axis_name="c", subcore_axis_name="s")
_SC_PARAMS = pltpu.CompilerParams(use_tc_tiling_on_sc=False)


def _deg_body(dst_hbm, zeros_hbm, ones_hbm, out_hbm, idx_v, ones_v, acc_sh,
              *sems):
    c = lax.axis_index("c")
    s = lax.axis_index("s")
    wid = s * NCORES + c
    base = pl.multiple_of(jnp.minimum(s * STRIPE, N - STRIPE), 8)
    pltpu.sync_copy(zeros_hbm.at[:, pl.ds(0, 16)],
                    acc_sh.at[pl.ds(base, STRIPE)])
    pltpu.sync_copy(dst_hbm.at[wid], idx_v)
    pltpu.sync_copy(ones_hbm, ones_v)
    plsc.subcore_barrier()

    def body(j4, carry):
        for b in range(4):
            j = 4 * j4 + b

            @pl.when(j >= 4)
            def _():
                pltpu.make_async_copy(
                    ones_v, acc_sh.at[pl.ds(0, CHUNK)], sems[b]).wait()

            pltpu.async_copy(ones_v, acc_sh.at[idx_v.at[j]], sems[b], add=True)
        return carry

    lax.fori_loop(0, DEG_CHUNKS // 4, body, 0)
    for b in range(4):
        pltpu.make_async_copy(ones_v, acc_sh.at[pl.ds(0, CHUNK)],
                              sems[b]).wait()
    plsc.subcore_barrier()
    pltpu.sync_copy(acc_sh.at[pl.ds(base, STRIPE)],
                    out_hbm.at[c, pl.ds(base, STRIPE)])


_deg_kernel = pl.kernel(
    _deg_body,
    out_type=jax.ShapeDtypeStruct((NCORES, N, 16), jnp.float32),
    mesh=_MESH,
    compiler_params=_SC_PARAMS,
    scratch_types=[
        pltpu.VMEM((DEG_CHUNKS, CHUNK), jnp.int32),
        pltpu.VMEM((CHUNK, 16), jnp.float32),
        pltpu.VMEM_SHARED((N, 16), jnp.float32),
    ] + [pltpu.SemaphoreType.DMA] * 4,
)


def _agg_core(zeros_hbm, tab_hbm, src_hbm, dst_hbm, out_hbm,
              src_v, dst_v, rows, acc_sh, sems, dh, nbuf, la, chunks,
              epilogue=None):
    semg = sems[:nbuf]
    sems_ = sems[nbuf:]
    c = lax.axis_index("c")
    s = lax.axis_index("s")
    base = pl.multiple_of(jnp.minimum(s * STRIPE, N - STRIPE), 8)
    pltpu.sync_copy(zeros_hbm.at[:, pl.ds(0, dh)],
                    acc_sh.at[pl.ds(base, STRIPE)])
    pltpu.sync_copy(src_hbm.at[c, s], src_v)
    pltpu.sync_copy(dst_hbm.at[s], dst_v)
    plsc.subcore_barrier()

    def gather(j, b):
        pltpu.async_copy(tab_hbm.at[src_v.at[j]], rows.at[b], semg[b])

    def wait_gather(b):
        pltpu.make_async_copy(tab_hbm.at[pl.ds(0, CHUNK)], rows.at[b],
                              semg[b]).wait()

    def scatter(j, b):
        pltpu.async_copy(rows.at[b], acc_sh.at[dst_v.at[j]], sems_[b],
                         add=True)

    def wait_scatter(b):
        pltpu.make_async_copy(rows.at[b], acc_sh.at[pl.ds(0, CHUNK)],
                              sems_[b]).wait()

    for j in range(la):
        gather(j, j % nbuf)

    def body(jn, carry):
        for b in range(nbuf):
            j = nbuf * jn + b
            jg = j + la
            sg = (b + la) % nbuf

            @pl.when(jg < chunks)
            def _():
                @pl.when(jg >= nbuf)
                def _():
                    wait_scatter(sg)

                gather(jg, sg)

            wait_gather(b)
            scatter(j, b)
        return carry

    lax.fori_loop(0, chunks // nbuf, body, 0)
    for b in range(nbuf):
        wait_scatter(b)
    plsc.subcore_barrier()
    if epilogue is None:
        pltpu.sync_copy(acc_sh.at[pl.ds(base, STRIPE)],
                        out_hbm.at[pl.ds(base, STRIPE), pl.ds(dh * c, dh)])
    else:
        epilogue(c, base)


def _agg_body(zeros_hbm, tab_hbm, src_hbm, dst_hbm, out_hbm,
              src_v, dst_v, rows, acc_sh, *sems, dh, nbuf, la, chunks):
    _agg_core(zeros_hbm, tab_hbm, src_hbm, dst_hbm, out_hbm,
              src_v, dst_v, rows, acc_sh, sems, dh, nbuf, la, chunks)


def _agg_fin_body(zeros_hbm, tab_hbm, src_hbm, dst_hbm, dinv_hbm, b2_hbm,
                  out_hbm, src_v, dst_v, rows, zbuf, dbuf, b2v, acc_sh,
                  *sems, dh, nbuf, la, chunks):
    def epilogue(c, base):
        pltpu.sync_copy(acc_sh.at[pl.ds(base, STRIPE)], zbuf)
        pltpu.sync_copy(dinv_hbm.at[pl.ds(base, STRIPE), pl.ds(0, 16)], dbuf)
        pltpu.sync_copy(b2_hbm.at[c], b2v)
        b2lo = b2v[0, :]
        b2hi = b2v[1, :]

        def row(r, carry):
            dv = dbuf[r, :]
            zbuf[r, 0:16] = zbuf[r, 0:16] * dv + b2lo
            zbuf[r, 16:32] = zbuf[r, 16:32] * dv + b2hi
            return carry

        lax.fori_loop(0, STRIPE, row, 0)
        pltpu.sync_copy(zbuf,
                        out_hbm.at[pl.ds(base, STRIPE), pl.ds(32 * c, 32)])

    _agg_core(zeros_hbm, tab_hbm, src_hbm, dst_hbm, out_hbm,
              src_v, dst_v, rows, acc_sh, sems, dh, nbuf, la, chunks,
              epilogue=epilogue)


FIN_EDGES = E + N + 6000
FIN_CHUNKS = FIN_EDGES // (NSUB * CHUNK)


_agg64 = pl.kernel(
    functools.partial(_agg_body, dh=64, nbuf=5, la=2, chunks=AGG_CHUNKS),
    out_type=jax.ShapeDtypeStruct((N, 128), jnp.float32),
    mesh=_MESH,
    compiler_params=_SC_PARAMS,
    scratch_types=[
        pltpu.VMEM((AGG_CHUNKS, CHUNK), jnp.int32),
        pltpu.VMEM((AGG_CHUNKS, CHUNK), jnp.int32),
        pltpu.VMEM((5, CHUNK, 64), jnp.float32),
        pltpu.VMEM_SHARED((N, 64), jnp.float32),
    ] + [pltpu.SemaphoreType.DMA] * 10,
)

_agg_fin = pl.kernel(
    functools.partial(_agg_fin_body, dh=32, nbuf=8, la=4, chunks=FIN_CHUNKS),
    out_type=jax.ShapeDtypeStruct((N, 64), jnp.float32),
    mesh=_MESH,
    compiler_params=_SC_PARAMS,
    scratch_types=[
        pltpu.VMEM((FIN_CHUNKS, CHUNK), jnp.int32),
        pltpu.VMEM((FIN_CHUNKS, CHUNK), jnp.int32),
        pltpu.VMEM((8, CHUNK, 32), jnp.float32),
        pltpu.VMEM((STRIPE, 32), jnp.float32),
        pltpu.VMEM((STRIPE, 16), jnp.float32),
        pltpu.VMEM((2, 16), jnp.float32),
        pltpu.VMEM_SHARED((N, 32), jnp.float32),
    ] + [pltpu.SemaphoreType.DMA] * 16,
)


ROW_BLK = 1000


def _dinv_block(dpart_ref):
    deg = dpart_ref[0, :, 0:1] + dpart_ref[1, :, 0:1] + 1.0
    return lax.rsqrt(deg)


def _tc1_body(dpart_ref, x_ref, w1_ref, out_ref, dinv_ref):
    dinv = _dinv_block(dpart_ref)
    h = jnp.dot(x_ref[...], w1_ref[...], preferred_element_type=jnp.float32)
    out_ref[...] = h * dinv
    dinv_ref[...] = jnp.broadcast_to(dinv, (ROW_BLK, 128))


def _tc2_body(dinv_ref, acc_ref, hs1_ref, b1_ref, w2_ref, out_ref):
    z = jnp.maximum((acc_ref[...] + hs1_ref[...]) * dinv_ref[...]
                    + b1_ref[0, :], 0.0)
    h = jnp.dot(z, w2_ref[...], preferred_element_type=jnp.float32)
    hs = h * dinv_ref[:, 0:1]
    out_ref[...] = jnp.concatenate(
        [hs, jnp.zeros((ROW_BLK, 64), jnp.float32)], axis=1)


_N_BLKS = N // ROW_BLK

_dpart_spec = pl.BlockSpec((NCORES, ROW_BLK, 16), lambda i: (0, i, 0))

_tc1 = pl.pallas_call(
    _tc1_body,
    grid=(_N_BLKS,),
    in_specs=[
        _dpart_spec,
        pl.BlockSpec((ROW_BLK, 128), lambda i: (i, 0)),
        pl.BlockSpec((128, 128), lambda i: (0, 0)),
    ],
    out_specs=[pl.BlockSpec((ROW_BLK, 128), lambda i: (i, 0)),
               pl.BlockSpec((ROW_BLK, 128), lambda i: (i, 0))],
    out_shape=[jax.ShapeDtypeStruct((N, 128), jnp.float32),
               jax.ShapeDtypeStruct((N, 128), jnp.float32)],
)

_tc2 = pl.pallas_call(
    _tc2_body,
    grid=(_N_BLKS,),
    in_specs=[
        pl.BlockSpec((ROW_BLK, 128), lambda i: (i, 0)),
        pl.BlockSpec((ROW_BLK, 128), lambda i: (i, 0)),
        pl.BlockSpec((ROW_BLK, 128), lambda i: (i, 0)),
        pl.BlockSpec((1, 128), lambda i: (0, 0)),
        pl.BlockSpec((128, 64), lambda i: (0, 0)),
    ],
    out_specs=pl.BlockSpec((ROW_BLK, 128), lambda i: (i, 0)),
    out_shape=jax.ShapeDtypeStruct((N, 128), jnp.float32),
)


@jax.jit
def kernel(x, edge_index, W1, b1, W2, b2):
    src = edge_index[0]
    dst = edge_index[1]
    cvec = jnp.arange(NCORES, dtype=jnp.int32)[:, None]
    loop = jnp.arange(N, dtype=jnp.int32)
    dummy_n = FIN_EDGES - E - N
    dst_deg = dst.reshape(NCORES * NSUB, DEG_CHUNKS, CHUNK)
    dst_agg = dst.reshape(NSUB, AGG_CHUNKS, CHUNK)
    src2 = (2 * src[None, :] + cvec).reshape(NCORES, NSUB, AGG_CHUNKS, CHUNK)
    dummy = jnp.arange(dummy_n, dtype=jnp.int32)
    srcf = jnp.concatenate(
        [4 * src, 4 * loop, 4 * dummy + 2])[None, :] + cvec
    srcf = srcf.reshape(NCORES, NSUB, FIN_CHUNKS, CHUNK)
    dstf = jnp.concatenate([dst, loop, dummy]).reshape(
        NSUB, FIN_CHUNKS, CHUNK)
    ones_sm = jnp.broadcast_to(
        (jnp.arange(16, dtype=jnp.int32) == 0).astype(jnp.float32),
        (CHUNK, 16))
    zeros_sm = jnp.zeros((STRIPE, 128), jnp.float32)

    dpart = _deg_kernel(dst_deg, zeros_sm, ones_sm)
    hs1, dinv128 = _tc1(dpart, x, W1)
    acc1 = _agg64(zeros_sm, hs1.reshape(2 * N, 64), src2, dst_agg)
    hs2 = _tc2(dinv128, acc1, hs1, b1.reshape(1, 128), W2)
    return _agg_fin(zeros_sm, hs2.reshape(4 * N, 32), srcf, dstf,
                    dinv128, b2.reshape(NCORES, 2, 16))

# --- scband reference (transcript-rebuilt; emitter-appended) ---
"""Pipeline reference for scband-gcn-72447508349374 (READ-ONLY COPY).

The authoritative reference and input builder live on the scoring server;
editing this copy changes nothing except your own understanding.
"""

import jax, jax.numpy as jnp
import numpy as np

N_NODES = 10000
N_EDGES = 320000
D_FEAT = 128
HIDDEN = 128
N_CLASSES = 64


def gcn_conv(x, src, dst, W, b):
    n = x.shape[0]
    # add self loops
    loop = jnp.arange(n, dtype=src.dtype)
    s = jnp.concatenate([src, loop])
    d = jnp.concatenate([dst, loop])
    # symmetric normalization D^-1/2 (A+I) D^-1/2
    deg = jnp.zeros((n,), dtype=x.dtype).at[d].add(1.0)
    deg_inv_sqrt = jnp.where(deg > 0, jax.lax.rsqrt(deg), 0.0)
    norm = deg_inv_sqrt[s] * deg_inv_sqrt[d]
    h = x @ W
    msg = h[s] * norm[:, None]
    out = jnp.zeros((n, W.shape[1]), dtype=x.dtype).at[d].add(msg)
    return out + b


def setup_inputs(seed: int = 0) -> dict:
    key = jax.random.key(seed)
    k1, k2, k3, k4 = jax.random.split(key, 4)
    x = jax.random.normal(k1, (N_NODES, D_FEAT), dtype=jnp.float32)
    edge_index = jax.random.randint(k2, (2, N_EDGES), 0, N_NODES, dtype=jnp.int32)
    W1 = jax.random.normal(k3, (D_FEAT, HIDDEN), dtype=jnp.float32) / np.sqrt(D_FEAT)
    b1 = jnp.zeros((HIDDEN,), dtype=jnp.float32)
    W2 = jax.random.normal(k4, (HIDDEN, N_CLASSES), dtype=jnp.float32) / np.sqrt(HIDDEN)
    b2 = jnp.zeros((N_CLASSES,), dtype=jnp.float32)
    return {"x": x, "edge_index": edge_index, "W1": W1, "b1": b1, "W2": W2, "b2": b2}


def reference(x, edge_index, W1, b1, W2, b2):
    src, dst = edge_index[0], edge_index[1]
    h = gcn_conv(x, src, dst, W1, b1)
    h = jax.nn.relu(h)
    out = gcn_conv(h, src, dst, W2, b2)
    return out

if __name__ == "__main__":
    import jax
    _d = setup_inputs()
    print(jax.jit(kernel)(*tuple(_d.values())))

</pallas_src>

<mosaic_0001>
#map = affine_map<(d0, d1) -> (0, 0)>
#map1 = affine_map<(d0, d1) -> (0, 0, 0, 0)>
#map2 = affine_map<(d0, d1) -> (0, 0, 0)>
module attributes {stable_mosaic.version = 14 : i64} {
  func.func @_agg_body(%arg0: i32, %arg1: i32, %arg2: memref<632x128xf32, #tpu.memory_space<hbm>>, %arg3: memref<20000x64xf32, #tpu.memory_space<hbm>>, %arg4: memref<2x16x160x125xi32, #tpu.memory_space<hbm>>, %arg5: memref<16x160x125xi32, #tpu.memory_space<hbm>>, %arg6: memref<10000x128xf32, #tpu.memory_space<hbm>>, %arg7: memref<160x125xi32, #tpu.memory_space<vmem>>, %arg8: memref<160x125xi32, #tpu.memory_space<vmem>>, %arg9: memref<5x125x64xf32, #tpu.memory_space<vmem>>, %arg10: memref<10000x64xf32, #tpu.memory_space<vmem_shared>>, %arg11: memref<!tpu.dma_semaphore, #tpu.memory_space<semaphore_mem>>, %arg12: memref<!tpu.dma_semaphore, #tpu.memory_space<semaphore_mem>>, %arg13: memref<!tpu.dma_semaphore, #tpu.memory_space<semaphore_mem>>, %arg14: memref<!tpu.dma_semaphore, #tpu.memory_space<semaphore_mem>>, %arg15: memref<!tpu.dma_semaphore, #tpu.memory_space<semaphore_mem>>, %arg16: memref<!tpu.dma_semaphore, #tpu.memory_space<semaphore_mem>>, %arg17: memref<!tpu.dma_semaphore, #tpu.memory_space<semaphore_mem>>, %arg18: memref<!tpu.dma_semaphore, #tpu.memory_space<semaphore_mem>>, %arg19: memref<!tpu.dma_semaphore, #tpu.memory_space<semaphore_mem>>, %arg20: memref<!tpu.dma_semaphore, #tpu.memory_space<semaphore_mem>>) attributes {dimension_semantics = [#tpu.dimension_semantics<core_parallel>, #tpu.dimension_semantics<subcore_parallel>], iteration_bounds = array<i64: 2, 16>, scalar_prefetch = 0 : i64, scratch_operands = 14 : i64, tpu.core_type = #tpu.core_type<sc_vector_subcore>, window_params = [{transform_indices = #map}, {transform_indices = #map}, {transform_indices = #map1}, {transform_indices = #map2}, {transform_indices = #map}]} {
    %mul3A = arith.constant 632 : i32
    %mul3A_0 = arith.muli %arg1, %mul3A : i32
    %min3A = arith.constant 9368 : i32
    %min3A_1 = arith.minsi %mul3A_0, %min3A : i32
    %multiple_of3A = tpu.assume_multiple %min3A_1, 8 : i32
    "tpu.region"() ({
      %run_scoped3A = tpu.sem_alloc : memref<!tpu.dma_semaphore, #tpu.memory_space<semaphore_mem>>
      %dma_start3A_107 = arith.constant 0 : i32
      %dma_start3A_108 = tpu.memref_slice %arg10[%multiple_of3A, %dma_start3A_107] : memref<10000x64xf32, #tpu.memory_space<vmem_shared>> -> memref<632x64xf32, #tpu.memory_space<vmem_shared>>
      %dma_start3A_109 = arith.constant 0 : i32
      %dma_start3A_110 = arith.constant 0 : i32
      %dma_start3A_111 = tpu.memref_slice %arg2[%dma_start3A_109, %dma_start3A_110] : memref<632x128xf32, #tpu.memory_space<hbm>> -> memref<632x64xf32, #tpu.memory_space<hbm>>
      tpu.enqueue_dma source(%dma_start3A_111 : memref<632x64xf32, #tpu.memory_space<hbm>>) target(%dma_start3A_108 : memref<632x64xf32, #tpu.memory_space<vmem_shared>>) target_semaphore(%run_scoped3A : memref<!tpu.dma_semaphore, #tpu.memory_space<semaphore_mem>>)
      %dma_wait3A_112 = arith.constant 0 : i32
      %dma_wait3A_113 = tpu.memref_slice %arg10[%multiple_of3A, %dma_wait3A_112] : memref<10000x64xf32, #tpu.memory_space<vmem_shared>> -> memref<632x64xf32, #tpu.memory_space<vmem_shared>>
      %dma_wait3A_114 = arith.constant 0 : i32
      %dma_wait3A_115 = arith.constant 0 : i32
      %dma_wait3A_116 = tpu.memref_slice %arg2[%dma_wait3A_114, %dma_wait3A_115] : memref<632x128xf32, #tpu.memory_space<hbm>> -> memref<632x64xf32, #tpu.memory_space<hbm>>
      tpu.wait_dma2 semaphore(%run_scoped3A : memref<!tpu.dma_semaphore, #tpu.memory_space<semaphore_mem>>) src(%dma_wait3A_116 : memref<632x64xf32, #tpu.memory_space<hbm>>) dst(%dma_wait3A_113 : memref<632x64xf32, #tpu.memory_space<vmem_shared>>)
      tpu.yield
    }) : () -> ()
    "tpu.region"() ({
      %run_scoped3A = tpu.sem_alloc : memref<!tpu.dma_semaphore, #tpu.memory_space<semaphore_mem>>
      %dma_start3A_107 = arith.constant 0 : i32
      %dma_start3A_108 = arith.constant 0 : i32
      %dma_start3A_109 = tpu.memref_slice %arg4[%arg0, %arg1, %dma_start3A_107, %dma_start3A_108] : memref<2x16x160x125xi32, #tpu.memory_space<hbm>> -> memref<1x1x160x125xi32, #tpu.memory_space<hbm>>
      %dma_start3A_110 = tpu.memref_squeeze %dma_start3A_109 : memref<1x1x160x125xi32, #tpu.memory_space<hbm>> -> memref<160x125xi32, #tpu.memory_space<hbm>>
      %dma_start3A_111 = arith.constant 0 : i32
      %dma_start3A_112 = arith.constant 0 : i32
      %dma_start3A_113 = tpu.memref_slice %arg4[%arg0, %arg1, %dma_start3A_111, %dma_start3A_112] : memref<2x16x160x125xi32, #tpu.memory_space<hbm>> -> memref<1x1x160x125xi32, #tpu.memory_space<hbm>>
      %dma_start3A_114 = tpu.memref_squeeze %dma_start3A_113 : memref<1x1x160x125xi32, #tpu.memory_space<hbm>> -> memref<160x125xi32, #tpu.memory_space<hbm>>
      tpu.enqueue_dma source(%dma_start3A_114 : memref<160x125xi32, #tpu.memory_space<hbm>>) target(%arg7 : memref<160x125xi32, #tpu.memory_space<vmem>>) target_semaphore(%run_scoped3A : memref<!tpu.dma_semaphore, #tpu.memory_space<semaphore_mem>>)
      %dma_wait3A_115 = arith.constant 0 : i32
      %dma_wait3A_116 = arith.constant 0 : i32
      %dma_wait3A_117 = tpu.memref_slice %arg4[%arg0, %arg1, %dma_wait3A_115, %dma_wait3A_116] : memref<2x16x160x125xi32, #tpu.memory_space<hbm>> -> memref<1x1x160x125xi32, #tpu.memory_space<hbm>>
      %dma_wait3A_118 = tpu.memref_squeeze %dma_wait3A_117 : memref<1x1x160x125xi32, #tpu.memory_space<hbm>> -> memref<160x125xi32, #tpu.memory_space<hbm>>
      %dma_wait3A_119 = arith.constant 0 : i32
      %dma_wait3A_120 = arith.constant 0 : i32
      %dma_wait3A_121 = tpu.memref_slice %arg4[%arg0, %arg1, %dma_wait3A_119, %dma_wait3A_120] : memref<2x16x160x125xi32, #tpu.memory_space<hbm>> -> memref<1x1x160x125xi32, #tpu.memory_space<hbm>>
      %dma_wait3A_122 = tpu.memref_squeeze %dma_wait3A_121 : memref<1x1x160x125xi32, #tpu.memory_space<hbm>> -> memref<160x125xi32, #tpu.memory_space<hbm>>
      tpu.wait_dma2 semaphore(%run_scoped3A : memref<!tpu.dma_semaphore, #tpu.memory_space<semaphore_mem>>) src(%dma_wait3A_122 : memref<160x125xi32, #tpu.memory_space<hbm>>) dst(%arg7 : memref<160x125xi32, #tpu.memory_space<vmem>>)
      tpu.yield
    }) : () -> ()
    "tpu.region"() ({
      %run_scoped3A = tpu.sem_alloc : memref<!tpu.dma_semaphore, #tpu.memory_space<semaphore_mem>>
      %dma_start3A_107 = arith.constant 0 : i32
      %dma_start3A_108 = arith.constant 0 : i32
      %dma_start3A_109 = tpu.memref_slice %arg5[%arg1, %dma_start3A_107, %dma_start3A_108] : memref<16x160x125xi32, #tpu.memory_space<hbm>> -> memref<1x160x125xi32, #tpu.memory_space<hbm>>
      %dma_start3A_110 = tpu.memref_squeeze %dma_start3A_109 : memref<1x160x125xi32, #tpu.memory_space<hbm>> -> memref<160x125xi32, #tpu.memory_space<hbm>>
      %dma_start3A_111 = arith.constant 0 : i32
      %dma_start3A_112 = arith.constant 0 : i32
      %dma_start3A_113 = tpu.memref_slice %arg5[%arg1, %dma_start3A_111, %dma_start3A_112] : memref<16x160x125xi32, #tpu.memory_space<hbm>> -> memref<1x160x125xi32, #tpu.memory_space<hbm>>
      %dma_start3A_114 = tpu.memref_squeeze %dma_start3A_113 : memref<1x160x125xi32, #tpu.memory_space<hbm>> -> memref<160x125xi32, #tpu.memory_space<hbm>>
      tpu.enqueue_dma source(%dma_start3A_114 : memref<160x125xi32, #tpu.memory_space<hbm>>) target(%arg8 : memref<160x125xi32, #tpu.memory_space<vmem>>) target_semaphore(%run_scoped3A : memref<!tpu.dma_semaphore, #tpu.memory_space<semaphore_mem>>)
      %dma_wait3A_115 = arith.constant 0 : i32
      %dma_wait3A_116 = arith.constant 0 : i32
      %dma_wait3A_117 = tpu.memref_slice %arg5[%arg1, %dma_wait3A_115, %dma_wait3A_116] : memref<16x160x125xi32, #tpu.memory_space<hbm>> -> memref<1x160x125xi32, #tpu.memory_space<hbm>>
      %dma_wait3A_118 = tpu.memref_squeeze %dma_wait3A_117 : memref<1x160x125xi32, #tpu.memory_space<hbm>> -> memref<160x125xi32, #tpu.memory_space<hbm>>
      %dma_wait3A_119 = arith.constant 0 : i32
      %dma_wait3A_120 = arith.constant 0 : i32
      %dma_wait3A_121 = tpu.memref_slice %arg5[%arg1, %dma_wait3A_119, %dma_wait3A_120] : memref<16x160x125xi32, #tpu.memory_space<hbm>> -> memref<1x160x125xi32, #tpu.memory_space<hbm>>
      %dma_wait3A_122 = tpu.memref_squeeze %dma_wait3A_121 : memref<1x160x125xi32, #tpu.memory_space<hbm>> -> memref<160x125xi32, #tpu.memory_space<hbm>>
      tpu.wait_dma2 semaphore(%run_scoped3A : memref<!tpu.dma_semaphore, #tpu.memory_space<semaphore_mem>>) src(%dma_wait3A_122 : memref<160x125xi32, #tpu.memory_space<hbm>>) dst(%arg8 : memref<160x125xi32, #tpu.memory_space<vmem>>)
      tpu.yield
    }) : () -> ()
    %barrier3A = arith.constant 0 : index
    tpu.barrier barrier_id(%barrier3A)
    %dma_start3A = arith.constant 0 : i32
    %dma_start3A_2 = arith.constant 0 : i32
    %dma_start3A_3 = arith.constant 0 : i32
    %dma_start3A_4 = arith.constant 0 : i32
    %dma_start3A_5 = tpu.memref_slice %arg9[%dma_start3A_2, %dma_start3A_3, %dma_start3A_4] : memref<5x125x64xf32, #tpu.memory_space<vmem>> -> memref<1x125x64xf32, #tpu.memory_space<vmem>>
    %dma_start3A_6 = tpu.memref_squeeze %dma_start3A_5 : memref<1x125x64xf32, #tpu.memory_space<vmem>> -> memref<125x64xf32, #tpu.memory_space<vmem>>
    %dma_start3A_7 = arith.constant 0 : i32
    %dma_start3A_8 = tpu.memref_slice %arg7[%dma_start3A, %dma_start3A_7] : memref<160x125xi32, #tpu.memory_space<vmem>> -> memref<1x125xi32, #tpu.memory_space<vmem>>
    %dma_start3A_9 = tpu.memref_squeeze %dma_start3A_8 : memref<1x125xi32, #tpu.memory_space<vmem>> -> memref<125xi32, #tpu.memory_space<vmem>>
    %dma_start3A_10 = arith.constant 0 : i32
    %dma_start3A_11 = arith.constant 0 : i32
    %dma_start3A_12 = tpu.memref_slice %arg3[%dma_start3A_10, %dma_start3A_11] : memref<20000x64xf32, #tpu.memory_space<hbm>> -> memref<20000x64xf32, #tpu.memory_space<hbm>>
    tpu.enqueue_indirect_dma source(%dma_start3A_12 : memref<20000x64xf32, #tpu.memory_space<hbm>>) target(%dma_start3A_6 : memref<125x64xf32, #tpu.memory_space<vmem>>) offsets(%dma_start3A_9 : memref<125xi32, #tpu.memory_space<vmem>>) semaphore(%arg11 : memref<!tpu.dma_semaphore, #tpu.memory_space<semaphore_mem>>)
    %dma_start3A_13 = arith.constant 1 : i32
    %dma_start3A_14 = arith.constant 1 : i32
    %dma_start3A_15 = arith.constant 0 : i32
    %dma_start3A_16 = arith.constant 0 : i32
    %dma_start3A_17 = tpu.memref_slice %arg9[%dma_start3A_14, %dma_start3A_15, %dma_start3A_16] : memref<5x125x64xf32, #tpu.memory_space<vmem>> -> memref<1x125x64xf32, #tpu.memory_space<vmem>>
    %dma_start3A_18 = tpu.memref_squeeze %dma_start3A_17 : memref<1x125x64xf32, #tpu.memory_space<vmem>> -> memref<125x64xf32, #tpu.memory_space<vmem>>
    %dma_start3A_19 = arith.constant 0 : i32
    %dma_start3A_20 = tpu.memref_slice %arg7[%dma_start3A_13, %dma_start3A_19] : memref<160x125xi32, #tpu.memory_space<vmem>> -> memref<1x125xi32, #tpu.memory_space<vmem>>
    %dma_start3A_21 = tpu.memref_squeeze %dma_start3A_20 : memref<1x125xi32, #tpu.memory_space<vmem>> -> memref<125xi32, #tpu.memory_space<vmem>>
    %dma_start3A_22 = arith.constant 0 : i32
    %dma_start3A_23 = arith.constant 0 : i32
    %dma_start3A_24 = tpu.memref_slice %arg3[%dma_start3A_22, %dma_start3A_23] : memref<20000x64xf32, #tpu.memory_space<hbm>> -> memref<20000x64xf32, #tpu.memory_space<hbm>>
    tpu.enqueue_indirect_dma source(%dma_start3A_24 : memref<20000x64xf32, #tpu.memory_space<hbm>>) target(%dma_start3A_18 : memref<125x64xf32, #tpu.memory_space<vmem>>) offsets(%dma_start3A_21 : memref<125xi32, #tpu.memory_space<vmem>>) semaphore(%arg12 : memref<!tpu.dma_semaphore, #tpu.memory_space<semaphore_mem>>)
    %scan3A = arith.constant 0 : i32
    %scan3A_25 = arith.constant 0 : i32
    %scan3A_26 = arith.constant 32 : i32
    %scan3A_27 = arith.addi %scan3A_25, %scan3A_26 : i32
    %scan3A_28 = arith.constant 1 : i32
    scf.for %scan3A_107 = %scan3A_25 to %scan3A_27 step %scan3A_28  : i32 {
      %mul3A_108 = arith.constant 5 : i32
      %mul3A_109 = arith.muli %mul3A_108, %scan3A_107 : i32
      %add3A = arith.constant 0 : i32
      %add3A_110 = arith.addi %mul3A_109, %add3A : i32
      %add3A_111 = arith.constant 2 : i32
      %add3A_112 = arith.addi %add3A_110, %add3A_111 : i32
      %lt3A = arith.constant 160 : i32
      %lt3A_113 = arith.cmpi slt, %add3A_112, %lt3A : i32
      %convert_element_type3A = arith.extui %lt3A_113 : i1 to i32
      %cond3A = arith.constant 0 : i32
      %cond3A_114 = arith.cmpi ne, %convert_element_type3A, %cond3A : i32
      scf.if %cond3A_114 {
        %ge3A = arith.constant 5 : i32
        %ge3A_289 = arith.cmpi sge, %add3A_112, %ge3A : i32
        %convert_element_type3A_290 = arith.extui %ge3A_289 : i1 to i32
        %cond3A_291 = arith.constant 0 : i32
        %cond3A_292 = arith.cmpi ne, %convert_element_type3A_290, %cond3A_291 : i32
        scf.if %cond3A_292 {
          %dma_wait3A_304 = arith.constant 2 : i32
          %dma_wait3A_305 = arith.constant 0 : i32
          %dma_wait3A_306 = arith.constant 0 : i32
          %dma_wait3A_307 = tpu.memref_slice %arg9[%dma_wait3A_304, %dma_wait3A_305, %dma_wait3A_306] : memref<5x125x64xf32, #tpu.memory_space<vmem>> -> memref<1x125x64xf32, #tpu.memory_space<vmem>>
          %dma_wait3A_308 = tpu.memref_squeeze %dma_wait3A_307 : memref<1x125x64xf32, #tpu.memory_space<vmem>> -> memref<125x64xf32, #tpu.memory_space<vmem>>
          %dma_wait3A_309 = arith.constant 0 : i32
          %dma_wait3A_310 = arith.constant 0 : i32
          %dma_wait3A_311 = tpu.memref_slice %arg10[%dma_wait3A_309, %dma_wait3A_310] : memref<10000x64xf32, #tpu.memory_space<vmem_shared>> -> memref<125x64xf32, #tpu.memory_space<vmem_shared>>
          %dma_wait3A_312 = arith.constant 0 : i32
          %dma_wait3A_313 = arith.constant 0 : i32
          %dma_wait3A_314 = tpu.memref_slice %arg10[%dma_wait3A_312, %dma_wait3A_313] : memref<10000x64xf32, #tpu.memory_space<vmem_shared>> -> memref<125x64xf32, #tpu.memory_space<vmem_shared>>
          %dma_wait3A_315 = arith.constant 0 : i32
          %dma_wait3A_316 = arith.constant 0 : i32
          %dma_wait3A_317 = tpu.memref_slice %arg9[%dma_wait3A_304, %dma_wait3A_315, %dma_wait3A_316] : memref<5x125x64xf32, #tpu.memory_space<vmem>> -> memref<1x125x64xf32, #tpu.memory_space<vmem>>
          %dma_wait3A_318 = tpu.memref_squeeze %dma_wait3A_317 : memref<1x125x64xf32, #tpu.memory_space<vmem>> -> memref<125x64xf32, #tpu.memory_space<vmem>>
          tpu.wait_dma2 semaphore(%arg18 : memref<!tpu.dma_semaphore, #tpu.memory_space<semaphore_mem>>) src(%dma_wait3A_318 : memref<125x64xf32, #tpu.memory_space<vmem>>) dst(%dma_wait3A_314 : memref<125x64xf32, #tpu.memory_space<vmem_shared>>)
        } else {
        }
        %dma_start3A_293 = arith.constant 2 : i32
        %dma_start3A_294 = arith.constant 0 : i32
        %dma_start3A_295 = arith.constant 0 : i32
        %dma_start3A_296 = tpu.memref_slice %arg9[%dma_start3A_293, %dma_start3A_294, %dma_start3A_295] : memref<5x125x64xf32, #tpu.memory_space<vmem>> -> memref<1x125x64xf32, #tpu.memory_space<vmem>>
        %dma_start3A_297 = tpu.memref_squeeze %dma_start3A_296 : memref<1x125x64xf32, #tpu.memory_space<vmem>> -> memref<125x64xf32, #tpu.memory_space<vmem>>
        %dma_start3A_298 = arith.constant 0 : i32
        %dma_start3A_299 = tpu.memref_slice %arg7[%add3A_112, %dma_start3A_298] : memref<160x125xi32, #tpu.memory_space<vmem>> -> memref<1x125xi32, #tpu.memory_space<vmem>>
        %dma_start3A_300 = tpu.memref_squeeze %dma_start3A_299 : memref<1x125xi32, #tpu.memory_space<vmem>> -> memref<125xi32, #tpu.memory_space<vmem>>
        %dma_start3A_301 = arith.constant 0 : i32
        %dma_start3A_302 = arith.constant 0 : i32
        %dma_start3A_303 = tpu.memref_slice %arg3[%dma_start3A_301, %dma_start3A_302] : memref<20000x64xf32, #tpu.memory_space<hbm>> -> memref<20000x64xf32, #tpu.memory_space<hbm>>
        tpu.enqueue_indirect_dma source(%dma_start3A_303 : memref<20000x64xf32, #tpu.memory_space<hbm>>) target(%dma_start3A_297 : memref<125x64xf32, #tpu.memory_space<vmem>>) offsets(%dma_start3A_300 : memref<125xi32, #tpu.memory_space<vmem>>) semaphore(%arg13 : memref<!tpu.dma_semaphore, #tpu.memory_space<semaphore_mem>>)
      } else {
      }
      %dma_wait3A_115 = arith.constant 0 : i32
      %dma_wait3A_116 = arith.constant 0 : i32
      %dma_wait3A_117 = arith.constant 0 : i32
      %dma_wait3A_118 = tpu.memref_slice %arg9[%dma_wait3A_115, %dma_wait3A_116, %dma_wait3A_117] : memref<5x125x64xf32, #tpu.memory_space<vmem>> -> memref<1x125x64xf32, #tpu.memory_space<vmem>>
      %dma_wait3A_119 = tpu.memref_squeeze %dma_wait3A_118 : memref<1x125x64xf32, #tpu.memory_space<vmem>> -> memref<125x64xf32, #tpu.memory_space<vmem>>
      %dma_wait3A_120 = arith.constant 0 : i32
      %dma_wait3A_121 = arith.constant 0 : i32
      %dma_wait3A_122 = tpu.memref_slice %arg3[%dma_wait3A_120, %dma_wait3A_121] : memref<20000x64xf32, #tpu.memory_space<hbm>> -> memref<125x64xf32, #tpu.memory_space<hbm>>
      %dma_wait3A_123 = arith.constant 0 : i32
      %dma_wait3A_124 = arith.constant 0 : i32
      %dma_wait3A_125 = tpu.memref_slice %arg9[%dma_wait3A_115, %dma_wait3A_123, %dma_wait3A_124] : memref<5x125x64xf32, #tpu.memory_space<vmem>> -> memref<1x125x64xf32, #tpu.memory_space<vmem>>
      %dma_wait3A_126 = tpu.memref_squeeze %dma_wait3A_125 : memref<1x125x64xf32, #tpu.memory_space<vmem>> -> memref<125x64xf32, #tpu.memory_space<vmem>>
      %dma_wait3A_127 = arith.constant 0 : i32
      %dma_wait3A_128 = arith.constant 0 : i32
      %dma_wait3A_129 = tpu.memref_slice %arg3[%dma_wait3A_127, %dma_wait3A_128] : memref<20000x64xf32, #tpu.memory_space<hbm>> -> memref<125x64xf32, #tpu.memory_space<hbm>>
      tpu.wait_dma2 semaphore(%arg11 : memref<!tpu.dma_semaphore, #tpu.memory_space<semaphore_mem>>) src(%dma_wait3A_129 : memref<125x64xf32, #tpu.memory_space<hbm>>) dst(%dma_wait3A_126 : memref<125x64xf32, #tpu.memory_space<vmem>>)
      %dma_start3A_130 = arith.constant 0 : i32
      %dma_start3A_131 = arith.constant 0 : i32
      %dma_start3A_132 = arith.constant 0 : i32
      %dma_start3A_133 = tpu.memref_slice %arg9[%dma_start3A_130, %dma_start3A_131, %dma_start3A_132] : memref<5x125x64xf32, #tpu.memory_space<vmem>> -> memref<1x125x64xf32, #tpu.memory_space<vmem>>
      %dma_start3A_134 = tpu.memref_squeeze %dma_start3A_133 : memref<1x125x64xf32, #tpu.memory_space<vmem>> -> memref<125x64xf32, #tpu.memory_space<vmem>>
      %dma_start3A_135 = arith.constant 0 : i32
      %dma_start3A_136 = tpu.memref_slice %arg8[%add3A_110, %dma_start3A_135] : memref<160x125xi32, #tpu.memory_space<vmem>> -> memref<1x125xi32, #tpu.memory_space<vmem>>
      %dma_start3A_137 = tpu.memref_squeeze %dma_start3A_136 : memref<1x125xi32, #tpu.memory_space<vmem>> -> memref<125xi32, #tpu.memory_space<vmem>>
      %dma_start3A_138 = arith.constant 0 : i32
      %dma_start3A_139 = arith.constant 0 : i32
      %dma_start3A_140 = tpu.memref_slice %arg10[%dma_start3A_138, %dma_start3A_139] : memref<10000x64xf32, #tpu.memory_space<vmem_shared>> -> memref<10000x64xf32, #tpu.memory_space<vmem_shared>>
      tpu.enqueue_indirect_dma source(%dma_start3A_134 : memref<125x64xf32, #tpu.memory_space<vmem>>) target(%dma_start3A_140 : memref<10000x64xf32, #tpu.memory_space<vmem_shared>>) offsets(%dma_start3A_137 : memref<125xi32, #tpu.memory_space<vmem>>) semaphore(%arg16 : memref<!tpu.dma_semaphore, #tpu.memory_space<semaphore_mem>>) {add = true}
      %mul3A_141 = arith.constant 5 : i32
      %mul3A_142 = arith.muli %mul3A_141, %scan3A_107 : i32
      %add3A_143 = arith.constant 1 : i32
      %add3A_144 = arith.addi %mul3A_142, %add3A_143 : i32
      %add3A_145 = arith.constant 2 : i32
      %add3A_146 = arith.addi %add3A_144, %add3A_145 : i32
      %lt3A_147 = arith.constant 160 : i32
      %lt3A_148 = arith.cmpi slt, %add3A_146, %lt3A_147 : i32
      %convert_element_type3A_149 = arith.extui %lt3A_148 : i1 to i32
      %cond3A_150 = arith.constant 0 : i32
      %cond3A_151 = arith.cmpi ne, %convert_element_type3A_149, %cond3A_150 : i32
      scf.if %cond3A_151 {
        %ge3A = arith.constant 5 : i32
        %ge3A_289 = arith.cmpi sge, %add3A_146, %ge3A : i32
        %convert_element_type3A_290 = arith.extui %ge3A_289 : i1 to i32
        %cond3A_291 = arith.constant 0 : i32
        %cond3A_292 = arith.cmpi ne, %convert_element_type3A_290, %cond3A_291 : i32
        scf.if %cond3A_292 {
          %dma_wait3A_304 = arith.constant 3 : i32
          %dma_wait3A_305 = arith.constant 0 : i32
          %dma_wait3A_306 = arith.constant 0 : i32
          %dma_wait3A_307 = tpu.memref_slice %arg9[%dma_wait3A_304, %dma_wait3A_305, %dma_wait3A_306] : memref<5x125x64xf32, #tpu.memory_space<vmem>> -> memref<1x125x64xf32, #tpu.memory_space<vmem>>
          %dma_wait3A_308 = tpu.memref_squeeze %dma_wait3A_307 : memref<1x125x64xf32, #tpu.memory_space<vmem>> -> memref<125x64xf32, #tpu.memory_space<vmem>>
          %dma_wait3A_309 = arith.constant 0 : i32
          %dma_wait3A_310 = arith.constant 0 : i32
          %dma_wait3A_311 = tpu.memref_slice %arg10[%dma_wait3A_309, %dma_wait3A_310] : memref<10000x64xf32, #tpu.memory_space<vmem_shared>> -> memref<125x64xf32, #tpu.memory_space<vmem_shared>>
          %dma_wait3A_312 = arith.constant 0 : i32
          %dma_wait3A_313 = arith.constant 0 : i32
          %dma_wait3A_314 = tpu.memref_slice %arg10[%dma_wait3A_312, %dma_wait3A_313] : memref<10000x64xf32, #tpu.memory_space<vmem_shared>> -> memref<125x64xf32, #tpu.memory_space<vmem_shared>>
          %dma_wait3A_315 = arith.constant 0 : i32
          %dma_wait3A_316 = arith.constant 0 : i32
          %dma_wait3A_317 = tpu.memref_slice %arg9[%dma_wait3A_304, %dma_wait3A_315, %dma_wait3A_316] : memref<5x125x64xf32, #tpu.memory_space<vmem>> -> memref<1x125x64xf32, #tpu.memory_space<vmem>>
          %dma_wait3A_318 = tpu.memref_squeeze %dma_wait3A_317 : memref<1x125x64xf32, #tpu.memory_space<vmem>> -> memref<125x64xf32, #tpu.memory_space<vmem>>
          tpu.wait_dma2 semaphore(%arg19 : memref<!tpu.dma_semaphore, #tpu.memory_space<semaphore_mem>>) src(%dma_wait3A_318 : memref<125x64xf32, #tpu.memory_space<vmem>>) dst(%dma_wait3A_314 : memref<125x64xf32, #tpu.memory_space<vmem_shared>>)
        } else {
        }
        %dma_start3A_293 = arith.constant 3 : i32
        %dma_start3A_294 = arith.constant 0 : i32
        %dma_start3A_295 = arith.constant 0 : i32
        %dma_start3A_296 = tpu.memref_slice %arg9[%dma_start3A_293, %dma_start3A_294, %dma_start3A_295] : memref<5x125x64xf32, #tpu.memory_space<vmem>> -> memref<1x125x64xf32, #tpu.memory_space<vmem>>
        %dma_start3A_297 = tpu.memref_squeeze %dma_start3A_296 : memref<1x125x64xf32, #tpu.memory_space<vmem>> -> memref<125x64xf32, #tpu.memory_space<vmem>>
        %dma_start3A_298 = arith.constant 0 : i32
        %dma_start3A_299 = tpu.memref_slice %arg7[%add3A_146, %dma_start3A_298] : memref<160x125xi32, #tpu.memory_space<vmem>> -> memref<1x125xi32, #tpu.memory_space<vmem>>
        %dma_start3A_300 = tpu.memref_squeeze %dma_start3A_299 : memref<1x125xi32, #tpu.memory_space<vmem>> -> memref<125xi32, #tpu.memory_space<vmem>>
        %dma_start3A_301 = arith.constant 0 : i32
        %dma_start3A_302 = arith.constant 0 : i32
        %dma_start3A_303 = tpu.memref_slice %arg3[%dma_start3A_301, %dma_start3A_302] : memref<20000x64xf32, #tpu.memory_space<hbm>> -> memref<20000x64xf32, #tpu.memory_space<hbm>>
        tpu.enqueue_indirect_dma source(%dma_start3A_303 : memref<20000x64xf32, #tpu.memory_space<hbm>>) target(%dma_start3A_297 : memref<125x64xf32, #tpu.memory_space<vmem>>) offsets(%dma_start3A_300 : memref<125xi32, #tpu.memory_space<vmem>>) semaphore(%arg14 : memref<!tpu.dma_semaphore, #tpu.memory_space<semaphore_mem>>)
      } else {
      }
      %dma_wait3A_152 = arith.constant 1 : i32
      %dma_wait3A_153 = arith.constant 0 : i32
      %dma_wait3A_154 = arith.constant 0 : i32
      %dma_wait3A_155 = tpu.memref_slice %arg9[%dma_wait3A_152, %dma_wait3A_153, %dma_wait3A_154] : memref<5x125x64xf32, #tpu.memory_space<vmem>> -> memref<1x125x64xf32, #tpu.memory_space<vmem>>
      %dma_wait3A_156 = tpu.memref_squeeze %dma_wait3A_155 : memref<1x125x64xf32, #tpu.memory_space<vmem>> -> memref<125x64xf32, #tpu.memory_space<vmem>>
      %dma_wait3A_157 = arith.constant 0 : i32
      %dma_wait3A_158 = arith.constant 0 : i32
      %dma_wait3A_159 = tpu.memref_slice %arg3[%dma_wait3A_157, %dma_wait3A_158] : memref<20000x64xf32, #tpu.memory_space<hbm>> -> memref<125x64xf32, #tpu.memory_space<hbm>>
      %dma_wait3A_160 = arith.constant 0 : i32
      %dma_wait3A_161 = arith.constant 0 : i32
      %dma_wait3A_162 = tpu.memref_slice %arg9[%dma_wait3A_152, %dma_wait3A_160, %dma_wait3A_161] : memref<5x125x64xf32, #tpu.memory_space<vmem>> -> memref<1x125x64xf32, #tpu.memory_space<vmem>>
      %dma_wait3A_163 = tpu.memref_squeeze %dma_wait3A_162 : memref<1x125x64xf32, #tpu.memory_space<vmem>> -> memref<125x64xf32, #tpu.memory_space<vmem>>
      %dma_wait3A_164 = arith.constant 0 : i32
      %dma_wait3A_165 = arith.constant 0 : i32
      %dma_wait3A_166 = tpu.memref_slice %arg3[%dma_wait3A_164, %dma_wait3A_165] : memref<20000x64xf32, #tpu.memory_space<hbm>> -> memref<125x64xf32, #tpu.memory_space<hbm>>
      tpu.wait_dma2 semaphore(%arg12 : memref<!tpu.dma_semaphore, #tpu.memory_space<semaphore_mem>>) src(%dma_wait3A_166 : memref<125x64xf32, #tpu.memory_space<hbm>>) dst(%dma_wait3A_163 : memref<125x64xf32, #tpu.memory_space<vmem>>)
      %dma_start3A_167 = arith.constant 1 : i32
      %dma_start3A_168 = arith.constant 0 : i32
      %dma_start3A_169 = arith.constant 0 : i32
      %dma_start3A_170 = tpu.memref_slice %arg9[%dma_start3A_167, %dma_start3A_168, %dma_start3A_169] : memref<5x125x64xf32, #tpu.memory_space<vmem>> -> memref<1x125x64xf32, #tpu.memory_space<vmem>>
      %dma_start3A_171 = tpu.memref_squeeze %dma_start3A_170 : memref<1x125x64xf32, #tpu.memory_space<vmem>> -> memref<125x64xf32, #tpu.memory_space<vmem>>
      %dma_start3A_172 = arith.constant 0 : i32
      %dma_start3A_173 = tpu.memref_slice %arg8[%add3A_144, %dma_start3A_172] : memref<160x125xi32, #tpu.memory_space<vmem>> -> memref<1x125xi32, #tpu.memory_space<vmem>>
      %dma_start3A_174 = tpu.memref_squeeze %dma_start3A_173 : memref<1x125xi32, #tpu.memory_space<vmem>> -> memref<125xi32, #tpu.memory_space<vmem>>
      %dma_start3A_175 = arith.constant 0 : i32
      %dma_start3A_176 = arith.constant 0 : i32
      %dma_start3A_177 = tpu.memref_slice %arg10[%dma_start3A_175, %dma_start3A_176] : memref<10000x64xf32, #tpu.memory_space<vmem_shared>> -> memref<10000x64xf32, #tpu.memory_space<vmem_shared>>
      tpu.enqueue_indirect_dma source(%dma_start3A_171 : memref<125x64xf32, #tpu.memory_space<vmem>>) target(%dma_start3A_177 : memref<10000x64xf32, #tpu.memory_space<vmem_shared>>) offsets(%dma_start3A_174 : memref<125xi32, #tpu.memory_space<vmem>>) semaphore(%arg17 : memref<!tpu.dma_semaphore, #tpu.memory_space<semaphore_mem>>) {add = true}
      %mul3A_178 = arith.constant 5 : i32
      %mul3A_179 = arith.muli %mul3A_178, %scan3A_107 : i32
      %add3A_180 = arith.constant 2 : i32
      %add3A_181 = arith.addi %mul3A_179, %add3A_180 : i32
      %add3A_182 = arith.constant 2 : i32
      %add3A_183 = arith.addi %add3A_181, %add3A_182 : i32
      %lt3A_184 = arith.constant 160 : i32
      %lt3A_185 = arith.cmpi slt, %add3A_183, %lt3A_184 : i32
      %convert_element_type3A_186 = arith.extui %lt3A_185 : i1 to i32
      %cond3A_187 = arith.constant 0 : i32
      %cond3A_188 = arith.cmpi ne, %convert_element_type3A_186, %cond3A_187 : i32
      scf.if %cond3A_188 {
        %ge3A = arith.constant 5 : i32
        %ge3A_289 = arith.cmpi sge, %add3A_183, %ge3A : i32
        %convert_element_type3A_290 = arith.extui %ge3A_289 : i1 to i32
        %cond3A_291 = arith.constant 0 : i32
        %cond3A_292 = arith.cmpi ne, %convert_element_type3A_290, %cond3A_291 : i32
        scf.if %cond3A_292 {
          %dma_wait3A_304 = arith.constant 4 : i32
          %dma_wait3A_305 = arith.constant 0 : i32
          %dma_wait3A_306 = arith.constant 0 : i32
          %dma_wait3A_307 = tpu.memref_slice %arg9[%dma_wait3A_304, %dma_wait3A_305, %dma_wait3A_306] : memref<5x125x64xf32, #tpu.memory_space<vmem>> -> memref<1x125x64xf32, #tpu.memory_space<vmem>>
          %dma_wait3A_308 = tpu.memref_squeeze %dma_wait3A_307 : memref<1x125x64xf32, #tpu.memory_space<vmem>> -> memref<125x64xf32, #tpu.memory_space<vmem>>
          %dma_wait3A_309 = arith.constant 0 : i32
          %dma_wait3A_310 = arith.constant 0 : i32
          %dma_wait3A_311 = tpu.memref_slice %arg10[%dma_wait3A_309, %dma_wait3A_310] : memref<10000x64xf32, #tpu.memory_space<vmem_shared>> -> memref<125x64xf32, #tpu.memory_space<vmem_shared>>
          %dma_wait3A_312 = arith.constant 0 : i32
          %dma_wait3A_313 = arith.constant 0 : i32
          %dma_wait3A_314 = tpu.memref_slice %arg10[%dma_wait3A_312, %dma_wait3A_313] : memref<10000x64xf32, #tpu.memory_space<vmem_shared>> -> memref<125x64xf32, #tpu.memory_space<vmem_shared>>
          %dma_wait3A_315 = arith.constant 0 : i32
          %dma_wait3A_316 = arith.constant 0 : i32
          %dma_wait3A_317 = tpu.memref_slice %arg9[%dma_wait3A_304, %dma_wait3A_315, %dma_wait3A_316] : memref<5x125x64xf32, #tpu.memory_space<vmem>> -> memref<1x125x64xf32, #tpu.memory_space<vmem>>
          %dma_wait3A_318 = tpu.memref_squeeze %dma_wait3A_317 : memref<1x125x64xf32, #tpu.memory_space<vmem>> -> memref<125x64xf32, #tpu.memory_space<vmem>>
          tpu.wait_dma2 semaphore(%arg20 : memref<!tpu.dma_semaphore, #tpu.memory_space<semaphore_mem>>) src(%dma_wait3A_318 : memref<125x64xf32, #tpu.memory_space<vmem>>) dst(%dma_wait3A_314 : memref<125x64xf32, #tpu.memory_space<vmem_shared>>)
        } else {
        }
        %dma_start3A_293 = arith.constant 4 : i32
        %dma_start3A_294 = arith.constant 0 : i32
        %dma_start3A_295 = arith.constant 0 : i32
        %dma_start3A_296 = tpu.memref_slice %arg9[%dma_start3A_293, %dma_start3A_294, %dma_start3A_295] : memref<5x125x64xf32, #tpu.memory_space<vmem>> -> memref<1x125x64xf32, #tpu.memory_space<vmem>>
        %dma_start3A_297 = tpu.memref_squeeze %dma_start3A_296 : memref<1x125x64xf32, #tpu.memory_space<vmem>> -> memref<125x64xf32, #tpu.memory_space<vmem>>
        %dma_start3A_298 = arith.constant 0 : i32
        %dma_start3A_299 = tpu.memref_slice %arg7[%add3A_183, %dma_start3A_298] : memref<160x125xi32, #tpu.memory_space<vmem>> -> memref<1x125xi32, #tpu.memory_space<vmem>>
        %dma_start3A_300 = tpu.memref_squeeze %dma_start3A_299 : memref<1x125xi32, #tpu.memory_space<vmem>> -> memref<125xi32, #tpu.memory_space<vmem>>
        %dma_start3A_301 = arith.constant 0 : i32
        %dma_start3A_302 = arith.constant 0 : i32
        %dma_start3A_303 = tpu.memref_slice %arg3[%dma_start3A_301, %dma_start3A_302] : memref<20000x64xf32, #tpu.memory_space<hbm>> -> memref<20000x64xf32, #tpu.memory_space<hbm>>
        tpu.enqueue_indirect_dma source(%dma_start3A_303 : memref<20000x64xf32, #tpu.memory_space<hbm>>) target(%dma_start3A_297 : memref<125x64xf32, #tpu.memory_space<vmem>>) offsets(%dma_start3A_300 : memref<125xi32, #tpu.memory_space<vmem>>) semaphore(%arg15 : memref<!tpu.dma_semaphore, #tpu.memory_space<semaphore_mem>>)
      } else {
      }
      %dma_wait3A_189 = arith.constant 2 : i32
      %dma_wait3A_190 = arith.constant 0 : i32
      %dma_wait3A_191 = arith.constant 0 : i32
      %dma_wait3A_192 = tpu.memref_slice %arg9[%dma_wait3A_189, %dma_wait3A_190, %dma_wait3A_191] : memref<5x125x64xf32, #tpu.memory_space<vmem>> -> memref<1x125x64xf32, #tpu.memory_space<vmem>>
      %dma_wait3A_193 = tpu.memref_squeeze %dma_wait3A_192 : memref<1x125x64xf32, #tpu.memory_space<vmem>> -> memref<125x64xf32, #tpu.memory_space<vmem>>
      %dma_wait3A_194 = arith.constant 0 : i32
      %dma_wait3A_195 = arith.constant 0 : i32
      %dma_wait3A_196 = tpu.memref_slice %arg3[%dma_wait3A_194, %dma_wait3A_195] : memref<20000x64xf32, #tpu.memory_space<hbm>> -> memref<125x64xf32, #tpu.memory_space<hbm>>
      %dma_wait3A_197 = arith.constant 0 : i32
      %dma_wait3A_198 = arith.constant 0 : i32
      %dma_wait3A_199 = tpu.memref_slice %arg9[%dma_wait3A_189, %dma_wait3A_197, %dma_wait3A_198] : memref<5x125x64xf32, #tpu.memory_space<vmem>> -> memref<1x125x64xf32, #tpu.memory_space<vmem>>
      %dma_wait3A_200 = tpu.memref_squeeze %dma_wait3A_199 : memref<1x125x64xf32, #tpu.memory_space<vmem>> -> memref<125x64xf32, #tpu.memory_space<vmem>>
      %dma_wait3A_201 = arith.constant 0 : i32
      %dma_wait3A_202 = arith.constant 0 : i32
      %dma_wait3A_203 = tpu.memref_slice %arg3[%dma_wait3A_201, %dma_wait3A_202] : memref<20000x64xf32, #tpu.memory_space<hbm>> -> memref<125x64xf32, #tpu.memory_space<hbm>>
      tpu.wait_dma2 semaphore(%arg13 : memref<!tpu.dma_semaphore, #tpu.memory_space<semaphore_mem>>) src(%dma_wait3A_203 : memref<125x64xf32, #tpu.memory_space<hbm>>) dst(%dma_wait3A_200 : memref<125x64xf32, #tpu.memory_space<vmem>>)
      %dma_start3A_204 = arith.constant 2 : i32
      %dma_start3A_205 = arith.constant 0 : i32
      %dma_start3A_206 = arith.constant 0 : i32
      %dma_start3A_207 = tpu.memref_slice %arg9[%dma_start3A_204, %dma_start3A_205, %dma_start3A_206] : memref<5x125x64xf32, #tpu.memory_space<vmem>> -> memref<1x125x64xf32, #tpu.memory_space<vmem>>
      %dma_start3A_208 = tpu.memref_squeeze %dma_start3A_207 : memref<1x125x64xf32, #tpu.memory_space<vmem>> -> memref<125x64xf32, #tpu.memory_space<vmem>>
      %dma_start3A_209 = arith.constant 0 : i32
      %dma_start3A_210 = tpu.memref_slice %arg8[%add3A_181, %dma_start3A_209] : memref<160x125xi32, #tpu.memory_space<vmem>> -> memref<1x125xi32, #tpu.memory_space<vmem>>
      %dma_start3A_211 = tpu.memref_squeeze %dma_start3A_210 : memref<1x125xi32, #tpu.memory_space<vmem>> -> memref<125xi32, #tpu.memory_space<vmem>>
      %dma_start3A_212 = arith.constant 0 : i32
      %dma_start3A_213 = arith.constant 0 : i32
      %dma_start3A_214 = tpu.memref_slice %arg10[%dma_start3A_212, %dma_start3A_213] : memref<10000x64xf32, #tpu.memory_space<vmem_shared>> -> memref<10000x64xf32, #tpu.memory_space<vmem_shared>>
      tpu.enqueue_indirect_dma source(%dma_start3A_208 : memref<125x64xf32, #tpu.memory_space<vmem>>) target(%dma_start3A_214 : memref<10000x64xf32, #tpu.memory_space<vmem_shared>>) offsets(%dma_start3A_211 : memref<125xi32, #tpu.memory_space<vmem>>) semaphore(%arg18 : memref<!tpu.dma_semaphore, #tpu.memory_space<semaphore_mem>>) {add = true}
      %mul3A_215 = arith.constant 5 : i32
      %mul3A_216 = arith.muli %mul3A_215, %scan3A_107 : i32
      %add3A_217 = arith.constant 3 : i32
      %add3A_218 = arith.addi %mul3A_216, %add3A_217 : i32
      %add3A_219 = arith.constant 2 : i32
      %add3A_220 = arith.addi %add3A_218, %add3A_219 : i32
      %lt3A_221 = arith.constant 160 : i32
      %lt3A_222 = arith.cmpi slt, %add3A_220, %lt3A_221 : i32
      %convert_element_type3A_223 = arith.extui %lt3A_222 : i1 to i32
      %cond3A_224 = arith.constant 0 : i32
      %cond3A_225 = arith.cmpi ne, %convert_element_type3A_223, %cond3A_224 : i32
      scf.if %cond3A_225 {
        %ge3A = arith.constant 5 : i32
        %ge3A_289 = arith.cmpi sge, %add3A_220, %ge3A : i32
        %convert_element_type3A_290 = arith.extui %ge3A_289 : i1 to i32
        %cond3A_291 = arith.constant 0 : i32
        %cond3A_292 = arith.cmpi ne, %convert_element_type3A_290, %cond3A_291 : i32
        scf.if %cond3A_292 {
          %dma_wait3A_304 = arith.constant 0 : i32
          %dma_wait3A_305 = arith.constant 0 : i32
          %dma_wait3A_306 = arith.constant 0 : i32
          %dma_wait3A_307 = tpu.memref_slice %arg9[%dma_wait3A_304, %dma_wait3A_305, %dma_wait3A_306] : memref<5x125x64xf32, #tpu.memory_space<vmem>> -> memref<1x125x64xf32, #tpu.memory_space<vmem>>
          %dma_wait3A_308 = tpu.memref_squeeze %dma_wait3A_307 : memref<1x125x64xf32, #tpu.memory_space<vmem>> -> memref<125x64xf32, #tpu.memory_space<vmem>>
          %dma_wait3A_309 = arith.constant 0 : i32
          %dma_wait3A_310 = arith.constant 0 : i32
          %dma_wait3A_311 = tpu.memref_slice %arg10[%dma_wait3A_309, %dma_wait3A_310] : memref<10000x64xf32, #tpu.memory_space<vmem_shared>> -> memref<125x64xf32, #tpu.memory_space<vmem_shared>>
          %dma_wait3A_312 = arith.constant 0 : i32
          %dma_wait3A_313 = arith.constant 0 : i32
          %dma_wait3A_314 = tpu.memref_slice %arg10[%dma_wait3A_312, %dma_wait3A_313] : memref<10000x64xf32, #tpu.memory_space<vmem_shared>> -> memref<125x64xf32, #tpu.memory_space<vmem_shared>>
          %dma_wait3A_315 = arith.constant 0 : i32
          %dma_wait3A_316 = arith.constant 0 : i32
          %dma_wait3A_317 = tpu.memref_slice %arg9[%dma_wait3A_304, %dma_wait3A_315, %dma_wait3A_316] : memref<5x125x64xf32, #tpu.memory_space<vmem>> -> memref<1x125x64xf32, #tpu.memory_space<vmem>>
          %dma_wait3A_318 = tpu.memref_squeeze %dma_wait3A_317 : memref<1x125x64xf32, #tpu.memory_space<vmem>> -> memref<125x64xf32, #tpu.memory_space<vmem>>
          tpu.wait_dma2 semaphore(%arg16 : memref<!tpu.dma_semaphore, #tpu.memory_space<semaphore_mem>>) src(%dma_wait3A_318 : memref<125x64xf32, #tpu.memory_space<vmem>>) dst(%dma_wait3A_314 : memref<125x64xf32, #tpu.memory_space<vmem_shared>>)
        } else {
        }
        %dma_start3A_293 = arith.constant 0 : i32
        %dma_start3A_294 = arith.constant 0 : i32
        %dma_start3A_295 = arith.constant 0 : i32
        %dma_start3A_296 = tpu.memref_slice %arg9[%dma_start3A_293, %dma_start3A_294, %dma_start3A_295] : memref<5x125x64xf32, #tpu.memory_space<vmem>> -> memref<1x125x64xf32, #tpu.memory_space<vmem>>
        %dma_start3A_297 = tpu.memref_squeeze %dma_start3A_296 : memref<1x125x64xf32, #tpu.memory_space<vmem>> -> memref<125x64xf32, #tpu.memory_space<vmem>>
        %dma_start3A_298 = arith.constant 0 : i32
        %dma_start3A_299 = tpu.memref_slice %arg7[%add3A_220, %dma_start3A_298] : memref<160x125xi32, #tpu.memory_space<vmem>> -> memref<1x125xi32, #tpu.memory_space<vmem>>
        %dma_start3A_300 = tpu.memref_squeeze %dma_start3A_299 : memref<1x125xi32, #tpu.memory_space<vmem>> -> memref<125xi32, #tpu.memory_space<vmem>>
        %dma_start3A_301 = arith.constant 0 : i32
        %dma_start3A_302 = arith.constant 0 : i32
        %dma_start3A_303 = tpu.memref_slice %arg3[%dma_start3A_301, %dma_start3A_302] : memref<20000x64xf32, #tpu.memory_space<hbm>> -> memref<20000x64xf32, #tpu.memory_space<hbm>>
        tpu.enqueue_indirect_dma source(%dma_start3A_303 : memref<20000x64xf32, #tpu.memory_space<hbm>>) target(%dma_start3A_297 : memref<125x64xf32, #tpu.memory_space<vmem>>) offsets(%dma_start3A_300 : memref<125xi32, #tpu.memory_space<vmem>>) semaphore(%arg11 : memref<!tpu.dma_semaphore, #tpu.memory_space<semaphore_mem>>)
      } else {
      }
      %dma_wait3A_226 = arith.constant 3 : i32
      %dma_wait3A_227 = arith.constant 0 : i32
      %dma_wait3A_228 = arith.constant 0 : i32
      %dma_wait3A_229 = tpu.memref_slice %arg9[%dma_wait3A_226, %dma_wait3A_227, %dma_wait3A_228] : memref<5x125x64xf32, #tpu.memory_space<vmem>> -> memref<1x125x64xf32, #tpu.memory_space<vmem>>
      %dma_wait3A_230 = tpu.memref_squeeze %dma_wait3A_229 : memref<1x125x64xf32, #tpu.memory_space<vmem>> -> memref<125x64xf32, #tpu.memory_space<vmem>>
      %dma_wait3A_231 = arith.constant 0 : i32
      %dma_wait3A_232 = arith.constant 0 : i32
      %dma_wait3A_233 = tpu.memref_slice %arg3[%dma_wait3A_231, %dma_wait3A_232] : memref<20000x64xf32, #tpu.memory_space<hbm>> -> memref<125x64xf32, #tpu.memory_space<hbm>>
      %dma_wait3A_234 = arith.constant 0 : i32
      %dma_wait3A_235 = arith.constant 0 : i32
      %dma_wait3A_236 = tpu.memref_slice %arg9[%dma_wait3A_226, %dma_wait3A_234, %dma_wait3A_235] : memref<5x125x64xf32, #tpu.memory_space<vmem>> -> memref<1x125x64xf32, #tpu.memory_space<vmem>>
      %dma_wait3A_237 = tpu.memref_squeeze %dma_wait3A_236 : memref<1x125x64xf32, #tpu.memory_space<vmem>> -> memref<125x64xf32, #tpu.memory_space<vmem>>
      %dma_wait3A_238 = arith.constant 0 : i32
      %dma_wait3A_239 = arith.constant 0 : i32
      %dma_wait3A_240 = tpu.memref_slice %arg3[%dma_wait3A_238, %dma_wait3A_239] : memref<20000x64xf32, #tpu.memory_space<hbm>> -> memref<125x64xf32, #tpu.memory_space<hbm>>
      tpu.wait_dma2 semaphore(%arg14 : memref<!tpu.dma_semaphore, #tpu.memory_space<semaphore_mem>>) src(%dma_wait3A_240 : memref<125x64xf32, #tpu.memory_space<hbm>>) dst(%dma_wait3A_237 : memref<125x64xf32, #tpu.memory_space<vmem>>)
      %dma_start3A_241 = arith.constant 3 : i32
      %dma_start3A_242 = arith.constant 0 : i32
      %dma_start3A_243 = arith.constant 0 : i32
      %dma_start3A_244 = tpu.memref_slice %arg9[%dma_start3A_241, %dma_start3A_242, %dma_start3A_243] : memref<5x125x64xf32, #tpu.memory_space<vmem>> -> memref<1x125x64xf32, #tpu.memory_space<vmem>>
      %dma_start3A_245 = tpu.memref_squeeze %dma_start3A_244 : memref<1x125x64xf32, #tpu.memory_space<vmem>> -> memref<125x64xf32, #tpu.memory_space<vmem>>
      %dma_start3A_246 = arith.constant 0 : i32
      %dma_start3A_247 = tpu.memref_slice %arg8[%add3A_218, %dma_start3A_246] : memref<160x125xi32, #tpu.memory_space<vmem>> -> memref<1x125xi32, #tpu.memory_space<vmem>>
      %dma_start3A_248 = tpu.memref_squeeze %dma_start3A_247 : memref<1x125xi32, #tpu.memory_space<vmem>> -> memref<125xi32, #tpu.memory_space<vmem>>
      %dma_start3A_249 = arith.constant 0 : i32
      %dma_start3A_250 = arith.constant 0 : i32
      %dma_start3A_251 = tpu.memref_slice %arg10[%dma_start3A_249, %dma_start3A_250] : memref<10000x64xf32, #tpu.memory_space<vmem_shared>> -> memref<10000x64xf32, #tpu.memory_space<vmem_shared>>
      tpu.enqueue_indirect_dma source(%dma_start3A_245 : memref<125x64xf32, #tpu.memory_space<vmem>>) target(%dma_start3A_251 : memref<10000x64xf32, #tpu.memory_space<vmem_shared>>) offsets(%dma_start3A_248 : memref<125xi32, #tpu.memory_space<vmem>>) semaphore(%arg19 : memref<!tpu.dma_semaphore, #tpu.memory_space<semaphore_mem>>) {add = true}
      %mul3A_252 = arith.constant 5 : i32
      %mul3A_253 = arith.muli %mul3A_252, %scan3A_107 : i32
      %add3A_254 = arith.constant 4 : i32
      %add3A_255 = arith.addi %mul3A_253, %add3A_254 : i32
      %add3A_256 = arith.constant 2 : i32
      %add3A_257 = arith.addi %add3A_255, %add3A_256 : i32
      %lt3A_258 = arith.constant 160 : i32
      %lt3A_259 = arith.cmpi slt, %add3A_257, %lt3A_258 : i32
      %convert_element_type3A_260 = arith.extui %lt3A_259 : i1 to i32
      %cond3A_261 = arith.constant 0 : i32
      %cond3A_262 = arith.cmpi ne, %convert_element_type3A_260, %cond3A_261 : i32
      scf.if %cond3A_262 {
        %ge3A = arith.constant 5 : i32
        %ge3A_289 = arith.cmpi sge, %add3A_257, %ge3A : i32
        %convert_element_type3A_290 = arith.extui %ge3A_289 : i1 to i32
        %cond3A_291 = arith.constant 0 : i32
        %cond3A_292 = arith.cmpi ne, %convert_element_type3A_290, %cond3A_291 : i32
        scf.if %cond3A_292 {
          %dma_wait3A_304 = arith.constant 1 : i32
          %dma_wait3A_305 = arith.constant 0 : i32
          %dma_wait3A_306 = arith.constant 0 : i32
          %dma_wait3A_307 = tpu.memref_slice %arg9[%dma_wait3A_304, %dma_wait3A_305, %dma_wait3A_306] : memref<5x125x64xf32, #tpu.memory_space<vmem>> -> memref<1x125x64xf32, #tpu.memory_space<vmem>>
          %dma_wait3A_308 = tpu.memref_squeeze %dma_wait3A_307 : memref<1x125x64xf32, #tpu.memory_space<vmem>> -> memref<125x64xf32, #tpu.memory_space<vmem>>
          %dma_wait3A_309 = arith.constant 0 : i32
          %dma_wait3A_310 = arith.constant 0 : i32
          %dma_wait3A_311 = tpu.memref_slice %arg10[%dma_wait3A_309, %dma_wait3A_310] : memref<10000x64xf32, #tpu.memory_space<vmem_shared>> -> memref<125x64xf32, #tpu.memory_space<vmem_shared>>
          %dma_wait3A_312 = arith.constant 0 : i32
          %dma_wait3A_313 = arith.constant 0 : i32
          %dma_wait3A_314 = tpu.memref_slice %arg10[%dma_wait3A_312, %dma_wait3A_313] : memref<10000x64xf32, #tpu.memory_space<vmem_shared>> -> memref<125x64xf32, #tpu.memory_space<vmem_shared>>
          %dma_wait3A_315 = arith.constant 0 : i32
          %dma_wait3A_316 = arith.constant 0 : i32
          %dma_wait3A_317 = tpu.memref_slice %arg9[%dma_wait3A_304, %dma_wait3A_315, %dma_wait3A_316] : memref<5x125x64xf32, #tpu.memory_space<vmem>> -> memref<1x125x64xf32, #tpu.memory_space<vmem>>
          %dma_wait3A_318 = tpu.memref_squeeze %dma_wait3A_317 : memref<1x125x64xf32, #tpu.memory_space<vmem>> -> memref<125x64xf32, #tpu.memory_space<vmem>>
          tpu.wait_dma2 semaphore(%arg17 : memref<!tpu.dma_semaphore, #tpu.memory_space<semaphore_mem>>) src(%dma_wait3A_318 : memref<125x64xf32, #tpu.memory_space<vmem>>) dst(%dma_wait3A_314 : memref<125x64xf32, #tpu.memory_space<vmem_shared>>)
        } else {
        }
        %dma_start3A_293 = arith.constant 1 : i32
        %dma_start3A_294 = arith.constant 0 : i32
        %dma_start3A_295 = arith.constant 0 : i32
        %dma_start3A_296 = tpu.memref_slice %arg9[%dma_start3A_293, %dma_start3A_294, %dma_start3A_295] : memref<5x125x64xf32, #tpu.memory_space<vmem>> -> memref<1x125x64xf32, #tpu.memory_space<vmem>>
        %dma_start3A_297 = tpu.memref_squeeze %dma_start3A_296 : memref<1x125x64xf32, #tpu.memory_space<vmem>> -> memref<125x64xf32, #tpu.memory_space<vmem>>
        %dma_start3A_298 = arith.constant 0 : i32
        %dma_start3A_299 = tpu.memref_slice %arg7[%add3A_257, %dma_start3A_298] : memref<160x125xi32, #tpu.memory_space<vmem>> -> memref<1x125xi32, #tpu.memory_space<vmem>>
        %dma_start3A_300 = tpu.memref_squeeze %dma_start3A_299 : memref<1x125xi32, #tpu.memory_space<vmem>> -> memref<125xi32, #tpu.memory_space<vmem>>
        %dma_start3A_301 = arith.constant 0 : i32
        %dma_start3A_302 = arith.constant 0 : i32
        %dma_start3A_303 = tpu.memref_slice %arg3[%dma_start3A_301, %dma_start3A_302] : memref<20000x64xf32, #tpu.memory_space<hbm>> -> memref<20000x64xf32, #tpu.memory_space<hbm>>
        tpu.enqueue_indirect_dma source(%dma_start3A_303 : memref<20000x64xf32, #tpu.memory_space<hbm>>) target(%dma_start3A_297 : memref<125x64xf32, #tpu.memory_space<vmem>>) offsets(%dma_start3A_300 : memref<125xi32, #tpu.memory_space<vmem>>) semaphore(%arg12 : memref<!tpu.dma_semaphore, #tpu.memory_space<semaphore_mem>>)
      } else {
      }
      %dma_wait3A_263 = arith.constant 4 : i32
      %dma_wait3A_264 = arith.constant 0 : i32
      %dma_wait3A_265 = arith.constant 0 : i32
      %dma_wait3A_266 = tpu.memref_slice %arg9[%dma_wait3A_263, %dma_wait3A_264, %dma_wait3A_265] : memref<5x125x64xf32, #tpu.memory_space<vmem>> -> memref<1x125x64xf32, #tpu.memory_space<vmem>>
      %dma_wait3A_267 = tpu.memref_squeeze %dma_wait3A_266 : memref<1x125x64xf32, #tpu.memory_space<vmem>> -> memref<125x64xf32, #tpu.memory_space<vmem>>
      %dma_wait3A_268 = arith.constant 0 : i32
      %dma_wait3A_269 = arith.constant 0 : i32
      %dma_wait3A_270 = tpu.memref_slice %arg3[%dma_wait3A_268, %dma_wait3A_269] : memref<20000x64xf32, #tpu.memory_space<hbm>> -> memref<125x64xf32, #tpu.memory_space<hbm>>
      %dma_wait3A_271 = arith.constant 0 : i32
      %dma_wait3A_272 = arith.constant 0 : i32
      %dma_wait3A_273 = tpu.memref_slice %arg9[%dma_wait3A_263, %dma_wait3A_271, %dma_wait3A_272] : memref<5x125x64xf32, #tpu.memory_space<vmem>> -> memref<1x125x64xf32, #tpu.memory_space<vmem>>
      %dma_wait3A_274 = tpu.memref_squeeze %dma_wait3A_273 : memref<1x125x64xf32, #tpu.memory_space<vmem>> -> memref<125x64xf32, #tpu.memory_space<vmem>>
      %dma_wait3A_275 = arith.constant 0 : i32
      %dma_wait3A_276 = arith.constant 0 : i32
      %dma_wait3A_277 = tpu.memref_slice %arg3[%dma_wait3A_275, %dma_wait3A_276] : memref<20000x64xf32, #tpu.memory_space<hbm>> -> memref<125x64xf32, #tpu.memory_space<hbm>>
      tpu.wait_dma2 semaphore(%arg15 : memref<!tpu.dma_semaphore, #tpu.memory_space<semaphore_mem>>) src(%dma_wait3A_277 : memref<125x64xf32, #tpu.memory_space<hbm>>) dst(%dma_wait3A_274 : memref<125x64xf32, #tpu.memory_space<vmem>>)
      %dma_start3A_278 = arith.constant 4 : i32
      %dma_start3A_279 = arith.constant 0 : i32
      %dma_start3A_280 = arith.constant 0 : i32
      %dma_start3A_281 = tpu.memref_slice %arg9[%dma_start3A_278, %dma_start3A_279, %dma_start3A_280] : memref<5x125x64xf32, #tpu.memory_space<vmem>> -> memref<1x125x64xf32, #tpu.memory_space<vmem>>
      %dma_start3A_282 = tpu.memref_squeeze %dma_start3A_281 : memref<1x125x64xf32, #tpu.memory_space<vmem>> -> memref<125x64xf32, #tpu.memory_space<vmem>>
      %dma_start3A_283 = arith.constant 0 : i32
      %dma_start3A_284 = tpu.memref_slice %arg8[%add3A_255, %dma_start3A_283] : memref<160x125xi32, #tpu.memory_space<vmem>> -> memref<1x125xi32, #tpu.memory_space<vmem>>
      %dma_start3A_285 = tpu.memref_squeeze %dma_start3A_284 : memref<1x125xi32, #tpu.memory_space<vmem>> -> memref<125xi32, #tpu.memory_space<vmem>>
      %dma_start3A_286 = arith.constant 0 : i32
      %dma_start3A_287 = arith.constant 0 : i32
      %dma_start3A_288 = tpu.memref_slice %arg10[%dma_start3A_286, %dma_start3A_287] : memref<10000x64xf32, #tpu.memory_space<vmem_shared>> -> memref<10000x64xf32, #tpu.memory_space<vmem_shared>>
      tpu.enqueue_indirect_dma source(%dma_start3A_282 : memref<125x64xf32, #tpu.memory_space<vmem>>) target(%dma_start3A_288 : memref<10000x64xf32, #tpu.memory_space<vmem_shared>>) offsets(%dma_start3A_285 : memref<125xi32, #tpu.memory_space<vmem>>) semaphore(%arg20 : memref<!tpu.dma_semaphore, #tpu.memory_space<semaphore_mem>>) {add = true}
    }
    %scan3A_29 = arith.constant 32 : i32
    %dma_wait3A = arith.constant 0 : i32
    %dma_wait3A_30 = arith.constant 0 : i32
    %dma_wait3A_31 = arith.constant 0 : i32
    %dma_wait3A_32 = tpu.memref_slice %arg9[%dma_wait3A, %dma_wait3A_30, %dma_wait3A_31] : memref<5x125x64xf32, #tpu.memory_space<vmem>> -> memref<1x125x64xf32, #tpu.memory_space<vmem>>
    %dma_wait3A_33 = tpu.memref_squeeze %dma_wait3A_32 : memref<1x125x64xf32, #tpu.memory_space<vmem>> -> memref<125x64xf32, #tpu.memory_space<vmem>>
    %dma_wait3A_34 = arith.constant 0 : i32
    %dma_wait3A_35 = arith.constant 0 : i32
    %dma_wait3A_36 = tpu.memref_slice %arg10[%dma_wait3A_34, %dma_wait3A_35] : memref<10000x64xf32, #tpu.memory_space<vmem_shared>> -> memref<125x64xf32, #tpu.memory_space<vmem_shared>>
    %dma_wait3A_37 = arith.constant 0 : i32
    %dma_wait3A_38 = arith.constant 0 : i32
    %dma_wait3A_39 = tpu.memref_slice %arg10[%dma_wait3A_37, %dma_wait3A_38] : memref<10000x64xf32, #tpu.memory_space<vmem_shared>> -> memref<125x64xf32, #tpu.memory_space<vmem_shared>>
    %dma_wait3A_40 = arith.constant 0 : i32
    %dma_wait3A_41 = arith.constant 0 : i32
    %dma_wait3A_42 = tpu.memref_slice %arg9[%dma_wait3A, %dma_wait3A_40, %dma_wait3A_41] : memref<5x125x64xf32, #tpu.memory_space<vmem>> -> memref<1x125x64xf32, #tpu.memory_space<vmem>>
    %dma_wait3A_43 = tpu.memref_squeeze %dma_wait3A_42 : memref<1x125x64xf32, #tpu.memory_space<vmem>> -> memref<125x64xf32, #tpu.memory_space<vmem>>
    tpu.wait_dma2 semaphore(%arg16 : memref<!tpu.dma_semaphore, #tpu.memory_space<semaphore_mem>>) src(%dma_wait3A_43 : memref<125x64xf32, #tpu.memory_space<vmem>>) dst(%dma_wait3A_39 : memref<125x64xf32, #tpu.memory_space<vmem_shared>>)
    %dma_wait3A_44 = arith.constant 1 : i32
    %dma_wait3A_45 = arith.constant 0 : i32
    %dma_wait3A_46 = arith.constant 0 : i32
    %dma_wait3A_47 = tpu.memref_slice %arg9[%dma_wait3A_44, %dma_wait3A_45, %dma_wait3A_46] : memref<5x125x64xf32, #tpu.memory_space<vmem>> -> memref<1x125x64xf32, #tpu.memory_space<vmem>>
    %dma_wait3A_48 = tpu.memref_squeeze %dma_wait3A_47 : memref<1x125x64xf32, #tpu.memory_space<vmem>> -> memref<125x64xf32, #tpu.memory_space<vmem>>
    %dma_wait3A_49 = arith.constant 0 : i32
    %dma_wait3A_50 = arith.constant 0 : i32
    %dma_wait3A_51 = tpu.memref_slice %arg10[%dma_wait3A_49, %dma_wait3A_50] : memref<10000x64xf32, #tpu.memory_space<vmem_shared>> -> memref<125x64xf32, #tpu.memory_space<vmem_shared>>
    %dma_wait3A_52 = arith.constant 0 : i32
    %dma_wait3A_53 = arith.constant 0 : i32
    %dma_wait3A_54 = tpu.memref_slice %arg10[%dma_wait3A_52, %dma_wait3A_53] : memref<10000x64xf32, #tpu.memory_space<vmem_shared>> -> memref<125x64xf32, #tpu.memory_space<vmem_shared>>
    %dma_wait3A_55 = arith.constant 0 : i32
    %dma_wait3A_56 = arith.constant 0 : i32
    %dma_wait3A_57 = tpu.memref_slice %arg9[%dma_wait3A_44, %dma_wait3A_55, %dma_wait3A_56] : memref<5x125x64xf32, #tpu.memory_space<vmem>> -> memref<1x125x64xf32, #tpu.memory_space<vmem>>
    %dma_wait3A_58 = tpu.memref_squeeze %dma_wait3A_57 : memref<1x125x64xf32, #tpu.memory_space<vmem>> -> memref<125x64xf32, #tpu.memory_space<vmem>>
    tpu.wait_dma2 semaphore(%arg17 : memref<!tpu.dma_semaphore, #tpu.memory_space<semaphore_mem>>) src(%dma_wait3A_58 : memref<125x64xf32, #tpu.memory_space<vmem>>) dst(%dma_wait3A_54 : memref<125x64xf32, #tpu.memory_space<vmem_shared>>)
    %dma_wait3A_59 = arith.constant 2 : i32
    %dma_wait3A_60 = arith.constant 0 : i32
    %dma_wait3A_61 = arith.constant 0 : i32
    %dma_wait3A_62 = tpu.memref_slice %arg9[%dma_wait3A_59, %dma_wait3A_60, %dma_wait3A_61] : memref<5x125x64xf32, #tpu.memory_space<vmem>> -> memref<1x125x64xf32, #tpu.memory_space<vmem>>
    %dma_wait3A_63 = tpu.memref_squeeze %dma_wait3A_62 : memref<1x125x64xf32, #tpu.memory_space<vmem>> -> memref<125x64xf32, #tpu.memory_space<vmem>>
    %dma_wait3A_64 = arith.constant 0 : i32
    %dma_wait3A_65 = arith.constant 0 : i32
    %dma_wait3A_66 = tpu.memref_slice %arg10[%dma_wait3A_64, %dma_wait3A_65] : memref<10000x64xf32, #tpu.memory_space<vmem_shared>> -> memref<125x64xf32, #tpu.memory_space<vmem_shared>>
    %dma_wait3A_67 = arith.constant 0 : i32
    %dma_wait3A_68 = arith.constant 0 : i32
    %dma_wait3A_69 = tpu.memref_slice %arg10[%dma_wait3A_67, %dma_wait3A_68] : memref<10000x64xf32, #tpu.memory_space<vmem_shared>> -> memref<125x64xf32, #tpu.memory_space<vmem_shared>>
    %dma_wait3A_70 = arith.constant 0 : i32
    %dma_wait3A_71 = arith.constant 0 : i32
    %dma_wait3A_72 = tpu.memref_slice %arg9[%dma_wait3A_59, %dma_wait3A_70, %dma_wait3A_71] : memref<5x125x64xf32, #tpu.memory_space<vmem>> -> memref<1x125x64xf32, #tpu.memory_space<vmem>>
    %dma_wait3A_73 = tpu.memref_squeeze %dma_wait3A_72 : memref<1x125x64xf32, #tpu.memory_space<vmem>> -> memref<125x64xf32, #tpu.memory_space<vmem>>
    tpu.wait_dma2 semaphore(%arg18 : memref<!tpu.dma_semaphore, #tpu.memory_space<semaphore_mem>>) src(%dma_wait3A_73 : memref<125x64xf32, #tpu.memory_space<vmem>>) dst(%dma_wait3A_69 : memref<125x64xf32, #tpu.memory_space<vmem_shared>>)
    %dma_wait3A_74 = arith.constant 3 : i32
    %dma_wait3A_75 = arith.constant 0 : i32
    %dma_wait3A_76 = arith.constant 0 : i32
    %dma_wait3A_77 = tpu.memref_slice %arg9[%dma_wait3A_74, %dma_wait3A_75, %dma_wait3A_76] : memref<5x125x64xf32, #tpu.memory_space<vmem>> -> memref<1x125x64xf32, #tpu.memory_space<vmem>>
    %dma_wait3A_78 = tpu.memref_squeeze %dma_wait3A_77 : memref<1x125x64xf32, #tpu.memory_space<vmem>> -> memref<125x64xf32, #tpu.memory_space<vmem>>
    %dma_wait3A_79 = arith.constant 0 : i32
    %dma_wait3A_80 = arith.constant 0 : i32
    %dma_wait3A_81 = tpu.memref_slice %arg10[%dma_wait3A_79, %dma_wait3A_80] : memref<10000x64xf32, #tpu.memory_space<vmem_shared>> -> memref<125x64xf32, #tpu.memory_space<vmem_shared>>
    %dma_wait3A_82 = arith.constant 0 : i32
    %dma_wait3A_83 = arith.constant 0 : i32
    %dma_wait3A_84 = tpu.memref_slice %arg10[%dma_wait3A_82, %dma_wait3A_83] : memref<10000x64xf32, #tpu.memory_space<vmem_shared>> -> memref<125x64xf32, #tpu.memory_space<vmem_shared>>
    %dma_wait3A_85 = arith.constant 0 : i32
    %dma_wait3A_86 = arith.constant 0 : i32
    %dma_wait3A_87 = tpu.memref_slice %arg9[%dma_wait3A_74, %dma_wait3A_85, %dma_wait3A_86] : memref<5x125x64xf32, #tpu.memory_space<vmem>> -> memref<1x125x64xf32, #tpu.memory_space<vmem>>
    %dma_wait3A_88 = tpu.memref_squeeze %dma_wait3A_87 : memref<1x125x64xf32, #tpu.memory_space<vmem>> -> memref<125x64xf32, #tpu.memory_space<vmem>>
    tpu.wait_dma2 semaphore(%arg19 : memref<!tpu.dma_semaphore, #tpu.memory_space<semaphore_mem>>) src(%dma_wait3A_88 : memref<125x64xf32, #tpu.memory_space<vmem>>) dst(%dma_wait3A_84 : memref<125x64xf32, #tpu.memory_space<vmem_shared>>)
    %dma_wait3A_89 = arith.constant 4 : i32
    %dma_wait3A_90 = arith.constant 0 : i32
    %dma_wait3A_91 = arith.constant 0 : i32
    %dma_wait3A_92 = tpu.memref_slice %arg9[%dma_wait3A_89, %dma_wait3A_90, %dma_wait3A_91] : memref<5x125x64xf32, #tpu.memory_space<vmem>> -> memref<1x125x64xf32, #tpu.memory_space<vmem>>
    %dma_wait3A_93 = tpu.memref_squeeze %dma_wait3A_92 : memref<1x125x64xf32, #tpu.memory_space<vmem>> -> memref<125x64xf32, #tpu.memory_space<vmem>>
    %dma_wait3A_94 = arith.constant 0 : i32
    %dma_wait3A_95 = arith.constant 0 : i32
    %dma_wait3A_96 = tpu.memref_slice %arg10[%dma_wait3A_94, %dma_wait3A_95] : memref<10000x64xf32, #tpu.memory_space<vmem_shared>> -> memref<125x64xf32, #tpu.memory_space<vmem_shared>>
    %dma_wait3A_97 = arith.constant 0 : i32
    %dma_wait3A_98 = arith.constant 0 : i32
    %dma_wait3A_99 = tpu.memref_slice %arg10[%dma_wait3A_97, %dma_wait3A_98] : memref<10000x64xf32, #tpu.memory_space<vmem_shared>> -> memref<125x64xf32, #tpu.memory_space<vmem_shared>>
    %dma_wait3A_100 = arith.constant 0 : i32
    %dma_wait3A_101 = arith.constant 0 : i32
    %dma_wait3A_102 = tpu.memref_slice %arg9[%dma_wait3A_89, %dma_wait3A_100, %dma_wait3A_101] : memref<5x125x64xf32, #tpu.memory_space<vmem>> -> memref<1x125x64xf32, #tpu.memory_space<vmem>>
    %dma_wait3A_103 = tpu.memref_squeeze %dma_wait3A_102 : memref<1x125x64xf32, #tpu.memory_space<vmem>> -> memref<125x64xf32, #tpu.memory_space<vmem>>
    tpu.wait_dma2 semaphore(%arg20 : memref<!tpu.dma_semaphore, #tpu.memory_space<semaphore_mem>>) src(%dma_wait3A_103 : memref<125x64xf32, #tpu.memory_space<vmem>>) dst(%dma_wait3A_99 : memref<125x64xf32, #tpu.memory_space<vmem_shared>>)
    %barrier3A_104 = arith.constant 0 : index
    tpu.barrier barrier_id(%barrier3A_104)
    %mul3A_105 = arith.constant 64 : i32
    %mul3A_106 = arith.muli %mul3A_105, %arg0 : i32
    "tpu.region"() ({
      %run_scoped3A = tpu.sem_alloc : memref<!tpu.dma_semaphore, #tpu.memory_space<semaphore_mem>>
      %dma_start3A_107 = tpu.memref_slice %arg6[%multiple_of3A, %mul3A_106] : memref<10000x128xf32, #tpu.memory_space<hbm>> -> memref<632x64xf32, #tpu.memory_space<hbm>>
      %dma_start3A_108 = arith.constant 0 : i32
      %dma_start3A_109 = tpu.memref_slice %arg10[%multiple_of3A, %dma_start3A_108] : memref<10000x64xf32, #tpu.memory_space<vmem_shared>> -> memref<632x64xf32, #tpu.memory_space<vmem_shared>>
      tpu.enqueue_dma source(%dma_start3A_109 : memref<632x64xf32, #tpu.memory_space<vmem_shared>>) target(%dma_start3A_107 : memref<632x64xf32, #tpu.memory_space<hbm>>) target_semaphore(%run_scoped3A : memref<!tpu.dma_semaphore, #tpu.memory_space<semaphore_mem>>)
      %dma_wait3A_110 = tpu.memref_slice %arg6[%multiple_of3A, %mul3A_106] : memref<10000x128xf32, #tpu.memory_space<hbm>> -> memref<632x64xf32, #tpu.memory_space<hbm>>
      %dma_wait3A_111 = arith.constant 0 : i32
      %dma_wait3A_112 = tpu.memref_slice %arg10[%multiple_of3A, %dma_wait3A_111] : memref<10000x64xf32, #tpu.memory_space<vmem_shared>> -> memref<632x64xf32, #tpu.memory_space<vmem_shared>>
      tpu.wait_dma2 semaphore(%run_scoped3A : memref<!tpu.dma_semaphore, #tpu.memory_space<semaphore_mem>>) src(%dma_wait3A_112 : memref<632x64xf32, #tpu.memory_space<vmem_shared>>) dst(%dma_wait3A_110 : memref<632x64xf32, #tpu.memory_space<hbm>>)
      tpu.yield
    }) : () -> ()
    return
  }
}

#map = affine_map<(d0, d1) -> (0, 0, 0)>
#map1 = affine_map<(d0, d1) -> (0, 0)>
module attributes {stable_mosaic.version = 14 : i64} {
  func.func @_deg_body(%arg0: i32, %arg1: i32, %arg2: memref<32x80x125xi32, #tpu.memory_space<hbm>>, %arg3: memref<632x128xf32, #tpu.memory_space<hbm>>, %arg4: memref<125x16xf32, #tpu.memory_space<hbm>>, %arg5: memref<2x10000x16xf32, #tpu.memory_space<hbm>>, %arg6: memref<80x125xi32, #tpu.memory_space<vmem>>, %arg7: memref<125x16xf32, #tpu.memory_space<vmem>>, %arg8: memref<10000x16xf32, #tpu.memory_space<vmem_shared>>, %arg9: memref<!tpu.dma_semaphore, #tpu.memory_space<semaphore_mem>>, %arg10: memref<!tpu.dma_semaphore, #tpu.memory_space<semaphore_mem>>, %arg11: memref<!tpu.dma_semaphore, #tpu.memory_space<semaphore_mem>>, %arg12: memref<!tpu.dma_semaphore, #tpu.memory_space<semaphore_mem>>) attributes {dimension_semantics = [#tpu.dimension_semantics<core_parallel>, #tpu.dimension_semantics<subcore_parallel>], iteration_bounds = array<i64: 2, 16>, scalar_prefetch = 0 : i64, scratch_operands = 7 : i64, tpu.core_type = #tpu.core_type<sc_vector_subcore>, window_params = [{transform_indices = #map}, {transform_indices = #map1}, {transform_indices = #map1}, {transform_indices = #map}]} {
    %mul3A = arith.constant 2 : i32
    %mul3A_0 = arith.muli %arg1, %mul3A : i32
    %add3A = arith.addi %mul3A_0, %arg0 : i32
    %mul3A_1 = arith.constant 632 : i32
    %mul3A_2 = arith.muli %arg1, %mul3A_1 : i32
    %min3A = arith.constant 9368 : i32
    %min3A_3 = arith.minsi %mul3A_2, %min3A : i32
    %multiple_of3A = tpu.assume_multiple %min3A_3, 8 : i32
    "tpu.region"() ({
      %run_scoped3A = tpu.sem_alloc : memref<!tpu.dma_semaphore, #tpu.memory_space<semaphore_mem>>
      %dma_start3A = arith.constant 0 : i32
      %dma_start3A_33 = tpu.memref_slice %arg8[%multiple_of3A, %dma_start3A] : memref<10000x16xf32, #tpu.memory_space<vmem_shared>> -> memref<632x16xf32, #tpu.memory_space<vmem_shared>>
      %dma_start3A_34 = arith.constant 0 : i32
      %dma_start3A_35 = arith.constant 0 : i32
      %dma_start3A_36 = tpu.memref_slice %arg3[%dma_start3A_34, %dma_start3A_35] : memref<632x128xf32, #tpu.memory_space<hbm>> -> memref<632x16xf32, #tpu.memory_space<hbm>>
      tpu.enqueue_dma source(%dma_start3A_36 : memref<632x16xf32, #tpu.memory_space<hbm>>) target(%dma_start3A_33 : memref<632x16xf32, #tpu.memory_space<vmem_shared>>) target_semaphore(%run_scoped3A : memref<!tpu.dma_semaphore, #tpu.memory_space<semaphore_mem>>)
      %dma_wait3A_37 = arith.constant 0 : i32
      %dma_wait3A_38 = tpu.memref_slice %arg8[%multiple_of3A, %dma_wait3A_37] : memref<10000x16xf32, #tpu.memory_space<vmem_shared>> -> memref<632x16xf32, #tpu.memory_space<vmem_shared>>
      %dma_wait3A_39 = arith.constant 0 : i32
      %dma_wait3A_40 = arith.constant 0 : i32
      %dma_wait3A_41 = tpu.memref_slice %arg3[%dma_wait3A_39, %dma_wait3A_40] : memref<632x128xf32, #tpu.memory_space<hbm>> -> memref<632x16xf32, #tpu.memory_space<hbm>>
      tpu.wait_dma2 semaphore(%run_scoped3A : memref<!tpu.dma_semaphore, #tpu.memory_space<semaphore_mem>>) src(%dma_wait3A_41 : memref<632x16xf32, #tpu.memory_space<hbm>>) dst(%dma_wait3A_38 : memref<632x16xf32, #tpu.memory_space<vmem_shared>>)
      tpu.yield
    }) : () -> ()
    "tpu.region"() ({
      %run_scoped3A = tpu.sem_alloc : memref<!tpu.dma_semaphore, #tpu.memory_space<semaphore_mem>>
      %dma_start3A = arith.constant 0 : i32
      %dma_start3A_33 = arith.constant 0 : i32
      %dma_start3A_34 = tpu.memref_slice %arg2[%add3A, %dma_start3A, %dma_start3A_33] : memref<32x80x125xi32, #tpu.memory_space<hbm>> -> memref<1x80x125xi32, #tpu.memory_space<hbm>>
      %dma_start3A_35 = tpu.memref_squeeze %dma_start3A_34 : memref<1x80x125xi32, #tpu.memory_space<hbm>> -> memref<80x125xi32, #tpu.memory_space<hbm>>
      %dma_start3A_36 = arith.constant 0 : i32
      %dma_start3A_37 = arith.constant 0 : i32
      %dma_start3A_38 = tpu.memref_slice %arg2[%add3A, %dma_start3A_36, %dma_start3A_37] : memref<32x80x125xi32, #tpu.memory_space<hbm>> -> memref<1x80x125xi32, #tpu.memory_space<hbm>>
      %dma_start3A_39 = tpu.memref_squeeze %dma_start3A_38 : memref<1x80x125xi32, #tpu.memory_space<hbm>> -> memref<80x125xi32, #tpu.memory_space<hbm>>
      tpu.enqueue_dma source(%dma_start3A_39 : memref<80x125xi32, #tpu.memory_space<hbm>>) target(%arg6 : memref<80x125xi32, #tpu.memory_space<vmem>>) target_semaphore(%run_scoped3A : memref<!tpu.dma_semaphore, #tpu.memory_space<semaphore_mem>>)
      %dma_wait3A_40 = arith.constant 0 : i32
      %dma_wait3A_41 = arith.constant 0 : i32
      %dma_wait3A_42 = tpu.memref_slice %arg2[%add3A, %dma_wait3A_40, %dma_wait3A_41] : memref<32x80x125xi32, #tpu.memory_space<hbm>> -> memref<1x80x125xi32, #tpu.memory_space<hbm>>
      %dma_wait3A_43 = tpu.memref_squeeze %dma_wait3A_42 : memref<1x80x125xi32, #tpu.memory_space<hbm>> -> memref<80x125xi32, #tpu.memory_space<hbm>>
      %dma_wait3A_44 = arith.constant 0 : i32
      %dma_wait3A_45 = arith.constant 0 : i32
      %dma_wait3A_46 = tpu.memref_slice %arg2[%add3A, %dma_wait3A_44, %dma_wait3A_45] : memref<32x80x125xi32, #tpu.memory_space<hbm>> -> memref<1x80x125xi32, #tpu.memory_space<hbm>>
      %dma_wait3A_47 = tpu.memref_squeeze %dma_wait3A_46 : memref<1x80x125xi32, #tpu.memory_space<hbm>> -> memref<80x125xi32, #tpu.memory_space<hbm>>
      tpu.wait_dma2 semaphore(%run_scoped3A : memref<!tpu.dma_semaphore, #tpu.memory_space<semaphore_mem>>) src(%dma_wait3A_47 : memref<80x125xi32, #tpu.memory_space<hbm>>) dst(%arg6 : memref<80x125xi32, #tpu.memory_space<vmem>>)
      tpu.yield
    }) : () -> ()
    "tpu.region"() ({
      %run_scoped3A = tpu.sem_alloc : memref<!tpu.dma_semaphore, #tpu.memory_space<semaphore_mem>>
      tpu.enqueue_dma source(%arg4 : memref<125x16xf32, #tpu.memory_space<hbm>>) target(%arg7 : memref<125x16xf32, #tpu.memory_space<vmem>>) target_semaphore(%run_scoped3A : memref<!tpu.dma_semaphore, #tpu.memory_space<semaphore_mem>>)
      tpu.wait_dma2 semaphore(%run_scoped3A : memref<!tpu.dma_semaphore, #tpu.memory_space<semaphore_mem>>) src(%arg4 : memref<125x16xf32, #tpu.memory_space<hbm>>) dst(%arg7 : memref<125x16xf32, #tpu.memory_space<vmem>>)
      tpu.yield
    }) : () -> ()
    %barrier3A = arith.constant 0 : index
    tpu.barrier barrier_id(%barrier3A)
    %scan3A = arith.constant 0 : i32
    %scan3A_4 = arith.constant 0 : i32
    %scan3A_5 = arith.constant 20 : i32
    %scan3A_6 = arith.addi %scan3A_4, %scan3A_5 : i32
    %scan3A_7 = arith.constant 1 : i32
    scf.for %scan3A_33 = %scan3A_4 to %scan3A_6 step %scan3A_7  : i32 {
      %mul3A_34 = arith.constant 4 : i32
      %mul3A_35 = arith.muli %mul3A_34, %scan3A_33 : i32
      %add3A_36 = arith.constant 0 : i32
      %add3A_37 = arith.addi %mul3A_35, %add3A_36 : i32
      %ge3A = arith.constant 4 : i32
      %ge3A_38 = arith.cmpi sge, %add3A_37, %ge3A : i32
      %convert_element_type3A = arith.extui %ge3A_38 : i1 to i32
      %cond3A = arith.constant 0 : i32
      %cond3A_39 = arith.cmpi ne, %convert_element_type3A, %cond3A : i32
      scf.if %cond3A_39 {
        %dma_wait3A_90 = arith.constant 0 : i32
        %dma_wait3A_91 = arith.constant 0 : i32
        %dma_wait3A_92 = tpu.memref_slice %arg8[%dma_wait3A_90, %dma_wait3A_91] : memref<10000x16xf32, #tpu.memory_space<vmem_shared>> -> memref<125x16xf32, #tpu.memory_space<vmem_shared>>
        %dma_wait3A_93 = arith.constant 0 : i32
        %dma_wait3A_94 = arith.constant 0 : i32
        %dma_wait3A_95 = tpu.memref_slice %arg8[%dma_wait3A_93, %dma_wait3A_94] : memref<10000x16xf32, #tpu.memory_space<vmem_shared>> -> memref<125x16xf32, #tpu.memory_space<vmem_shared>>
        tpu.wait_dma2 semaphore(%arg9 : memref<!tpu.dma_semaphore, #tpu.memory_space<semaphore_mem>>) src(%arg7 : memref<125x16xf32, #tpu.memory_space<vmem>>) dst(%dma_wait3A_95 : memref<125x16xf32, #tpu.memory_space<vmem_shared>>)
      } else {
      }
      %dma_start3A = arith.constant 0 : i32
      %dma_start3A_40 = tpu.memref_slice %arg6[%add3A_37, %dma_start3A] : memref<80x125xi32, #tpu.memory_space<vmem>> -> memref<1x125xi32, #tpu.memory_space<vmem>>
      %dma_start3A_41 = tpu.memref_squeeze %dma_start3A_40 : memref<1x125xi32, #tpu.memory_space<vmem>> -> memref<125xi32, #tpu.memory_space<vmem>>
      %dma_start3A_42 = arith.constant 0 : i32
      %dma_start3A_43 = arith.constant 0 : i32
      %dma_start3A_44 = tpu.memref_slice %arg8[%dma_start3A_42, %dma_start3A_43] : memref<10000x16xf32, #tpu.memory_space<vmem_shared>> -> memref<10000x16xf32, #tpu.memory_space<vmem_shared>>
      tpu.enqueue_indirect_dma source(%arg7 : memref<125x16xf32, #tpu.memory_space<vmem>>) target(%dma_start3A_44 : memref<10000x16xf32, #tpu.memory_space<vmem_shared>>) offsets(%dma_start3A_41 : memref<125xi32, #tpu.memory_space<vmem>>) semaphore(%arg9 : memref<!tpu.dma_semaphore, #tpu.memory_space<semaphore_mem>>) {add = true}
      %mul3A_45 = arith.constant 4 : i32
      %mul3A_46 = arith.muli %mul3A_45, %scan3A_33 : i32
      %add3A_47 = arith.constant 1 : i32
      %add3A_48 = arith.addi %mul3A_46, %add3A_47 : i32
      %ge3A_49 = arith.constant 4 : i32
      %ge3A_50 = arith.cmpi sge, %add3A_48, %ge3A_49 : i32
      %convert_element_type3A_51 = arith.extui %ge3A_50 : i1 to i32
      %cond3A_52 = arith.constant 0 : i32
      %cond3A_53 = arith.cmpi ne, %convert_element_type3A_51, %cond3A_52 : i32
      scf.if %cond3A_53 {
        %dma_wait3A_90 = arith.constant 0 : i32
        %dma_wait3A_91 = arith.constant 0 : i32
        %dma_wait3A_92 = tpu.memref_slice %arg8[%dma_wait3A_90, %dma_wait3A_91] : memref<10000x16xf32, #tpu.memory_space<vmem_shared>> -> memref<125x16xf32, #tpu.memory_space<vmem_shared>>
        %dma_wait3A_93 = arith.constant 0 : i32
        %dma_wait3A_94 = arith.constant 0 : i32
        %dma_wait3A_95 = tpu.memref_slice %arg8[%dma_wait3A_93, %dma_wait3A_94] : memref<10000x16xf32, #tpu.memory_space<vmem_shared>> -> memref<125x16xf32, #tpu.memory_space<vmem_shared>>
        tpu.wait_dma2 semaphore(%arg10 : memref<!tpu.dma_semaphore, #tpu.memory_space<semaphore_mem>>) src(%arg7 : memref<125x16xf32, #tpu.memory_space<vmem>>) dst(%dma_wait3A_95 : memref<125x16xf32, #tpu.memory_space<vmem_shared>>)
      } else {
      }
      %dma_start3A_54 = arith.constant 0 : i32
      %dma_start3A_55 = tpu.memref_slice %arg6[%add3A_48, %dma_start3A_54] : memref<80x125xi32, #tpu.memory_space<vmem>> -> memref<1x125xi32, #tpu.memory_space<vmem>>
      %dma_start3A_56 = tpu.memref_squeeze %dma_start3A_55 : memref<1x125xi32, #tpu.memory_space<vmem>> -> memref<125xi32, #tpu.memory_space<vmem>>
      %dma_start3A_57 = arith.constant 0 : i32
      %dma_start3A_58 = arith.constant 0 : i32
      %dma_start3A_59 = tpu.memref_slice %arg8[%dma_start3A_57, %dma_start3A_58] : memref<10000x16xf32, #tpu.memory_space<vmem_shared>> -> memref<10000x16xf32, #tpu.memory_space<vmem_shared>>
      tpu.enqueue_indirect_dma source(%arg7 : memref<125x16xf32, #tpu.memory_space<vmem>>) target(%dma_start3A_59 : memref<10000x16xf32, #tpu.memory_space<vmem_shared>>) offsets(%dma_start3A_56 : memref<125xi32, #tpu.memory_space<vmem>>) semaphore(%arg10 : memref<!tpu.dma_semaphore, #tpu.memory_space<semaphore_mem>>) {add = true}
      %mul3A_60 = arith.constant 4 : i32
      %mul3A_61 = arith.muli %mul3A_60, %scan3A_33 : i32
      %add3A_62 = arith.constant 2 : i32
      %add3A_63 = arith.addi %mul3A_61, %add3A_62 : i32
      %ge3A_64 = arith.constant 4 : i32
      %ge3A_65 = arith.cmpi sge, %add3A_63, %ge3A_64 : i32
      %convert_element_type3A_66 = arith.extui %ge3A_65 : i1 to i32
      %cond3A_67 = arith.constant 0 : i32
      %cond3A_68 = arith.cmpi ne, %convert_element_type3A_66, %cond3A_67 : i32
      scf.if %cond3A_68 {
        %dma_wait3A_90 = arith.constant 0 : i32
        %dma_wait3A_91 = arith.constant 0 : i32
        %dma_wait3A_92 = tpu.memref_slice %arg8[%dma_wait3A_90, %dma_wait3A_91] : memref<10000x16xf32, #tpu.memory_space<vmem_shared>> -> memref<125x16xf32, #tpu.memory_space<vmem_shared>>
        %dma_wait3A_93 = arith.constant 0 : i32
        %dma_wait3A_94 = arith.constant 0 : i32
        %dma_wait3A_95 = tpu.memref_slice %arg8[%dma_wait3A_93, %dma_wait3A_94] : memref<10000x16xf32, #tpu.memory_space<vmem_shared>> -> memref<125x16xf32, #tpu.memory_space<vmem_shared>>
        tpu.wait_dma2 semaphore(%arg11 : memref<!tpu.dma_semaphore, #tpu.memory_space<semaphore_mem>>) src(%arg7 : memref<125x16xf32, #tpu.memory_space<vmem>>) dst(%dma_wait3A_95 : memref<125x16xf32, #tpu.memory_space<vmem_shared>>)
      } else {
      }
      %dma_start3A_69 = arith.constant 0 : i32
      %dma_start3A_70 = tpu.memref_slice %arg6[%add3A_63, %dma_start3A_69] : memref<80x125xi32, #tpu.memory_space<vmem>> -> memref<1x125xi32, #tpu.memory_space<vmem>>
      %dma_start3A_71 = tpu.memref_squeeze %dma_start3A_70 : memref<1x125xi32, #tpu.memory_space<vmem>> -> memref<125xi32, #tpu.memory_space<vmem>>
      %dma_start3A_72 = arith.constant 0 : i32
      %dma_start3A_73 = arith.constant 0 : i32
      %dma_start3A_74 = tpu.memref_slice %arg8[%dma_start3A_72, %dma_start3A_73] : memref<10000x16xf32, #tpu.memory_space<vmem_shared>> -> memref<10000x16xf32, #tpu.memory_space<vmem_shared>>
      tpu.enqueue_indirect_dma source(%arg7 : memref<125x16xf32, #tpu.memory_space<vmem>>) target(%dma_start3A_74 : memref<10000x16xf32, #tpu.memory_space<vmem_shared>>) offsets(%dma_start3A_71 : memref<125xi32, #tpu.memory_space<vmem>>) semaphore(%arg11 : memref<!tpu.dma_semaphore, #tpu.memory_space<semaphore_mem>>) {add = true}
      %mul3A_75 = arith.constant 4 : i32
      %mul3A_76 = arith.muli %mul3A_75, %scan3A_33 : i32
      %add3A_77 = arith.constant 3 : i32
      %add3A_78 = arith.addi %mul3A_76, %add3A_77 : i32
      %ge3A_79 = arith.constant 4 : i32
      %ge3A_80 = arith.cmpi sge, %add3A_78, %ge3A_79 : i32
      %convert_element_type3A_81 = arith.extui %ge3A_80 : i1 to i32
      %cond3A_82 = arith.constant 0 : i32
      %cond3A_83 = arith.cmpi ne, %convert_element_type3A_81, %cond3A_82 : i32
      scf.if %cond3A_83 {
        %dma_wait3A_90 = arith.constant 0 : i32
        %dma_wait3A_91 = arith.constant 0 : i32
        %dma_wait3A_92 = tpu.memref_slice %arg8[%dma_wait3A_90, %dma_wait3A_91] : memref<10000x16xf32, #tpu.memory_space<vmem_shared>> -> memref<125x16xf32, #tpu.memory_space<vmem_shared>>
        %dma_wait3A_93 = arith.constant 0 : i32
        %dma_wait3A_94 = arith.constant 0 : i32
        %dma_wait3A_95 = tpu.memref_slice %arg8[%dma_wait3A_93, %dma_wait3A_94] : memref<10000x16xf32, #tpu.memory_space<vmem_shared>> -> memref<125x16xf32, #tpu.memory_space<vmem_shared>>
        tpu.wait_dma2 semaphore(%arg12 : memref<!tpu.dma_semaphore, #tpu.memory_space<semaphore_mem>>) src(%arg7 : memref<125x16xf32, #tpu.memory_space<vmem>>) dst(%dma_wait3A_95 : memref<125x16xf32, #tpu.memory_space<vmem_shared>>)
      } else {
      }
      %dma_start3A_84 = arith.constant 0 : i32
      %dma_start3A_85 = tpu.memref_slice %arg6[%add3A_78, %dma_start3A_84] : memref<80x125xi32, #tpu.memory_space<vmem>> -> memref<1x125xi32, #tpu.memory_space<vmem>>
      %dma_start3A_86 = tpu.memref_squeeze %dma_start3A_85 : memref<1x125xi32, #tpu.memory_space<vmem>> -> memref<125xi32, #tpu.memory_space<vmem>>
      %dma_start3A_87 = arith.constant 0 : i32
      %dma_start3A_88 = arith.constant 0 : i32
      %dma_start3A_89 = tpu.memref_slice %arg8[%dma_start3A_87, %dma_start3A_88] : memref<10000x16xf32, #tpu.memory_space<vmem_shared>> -> memref<10000x16xf32, #tpu.memory_space<vmem_shared>>
      tpu.enqueue_indirect_dma source(%arg7 : memref<125x16xf32, #tpu.memory_space<vmem>>) target(%dma_start3A_89 : memref<10000x16xf32, #tpu.memory_space<vmem_shared>>) offsets(%dma_start3A_86 : memref<125xi32, #tpu.memory_space<vmem>>) semaphore(%arg12 : memref<!tpu.dma_semaphore, #tpu.memory_space<semaphore_mem>>) {add = true}
    }
    %scan3A_8 = arith.constant 20 : i32
    %dma_wait3A = arith.constant 0 : i32
    %dma_wait3A_9 = arith.constant 0 : i32
    %dma_wait3A_10 = tpu.memref_slice %arg8[%dma_wait3A, %dma_wait3A_9] : memref<10000x16xf32, #tpu.memory_space<vmem_shared>> -> memref<125x16xf32, #tpu.memory_space<vmem_shared>>
    %dma_wait3A_11 = arith.constant 0 : i32
    %dma_wait3A_12 = arith.constant 0 : i32
    %dma_wait3A_13 = tpu.memref_slice %arg8[%dma_wait3A_11, %dma_wait3A_12] : memref<10000x16xf32, #tpu.memory_space<vmem_shared>> -> memref<125x16xf32, #tpu.memory_space<vmem_shared>>
    tpu.wait_dma2 semaphore(%arg9 : memref<!tpu.dma_semaphore, #tpu.memory_space<semaphore_mem>>) src(%arg7 : memref<125x16xf32, #tpu.memory_space<vmem>>) dst(%dma_wait3A_13 : memref<125x16xf32, #tpu.memory_space<vmem_shared>>)
    %dma_wait3A_14 = arith.constant 0 : i32
    %dma_wait3A_15 = arith.constant 0 : i32
    %dma_wait3A_16 = tpu.memref_slice %arg8[%dma_wait3A_14, %dma_wait3A_15] : memref<10000x16xf32, #tpu.memory_space<vmem_shared>> -> memref<125x16xf32, #tpu.memory_space<vmem_shared>>
    %dma_wait3A_17 = arith.constant 0 : i32
    %dma_wait3A_18 = arith.constant 0 : i32
    %dma_wait3A_19 = tpu.memref_slice %arg8[%dma_wait3A_17, %dma_wait3A_18] : memref<10000x16xf32, #tpu.memory_space<vmem_shared>> -> memref<125x16xf32, #tpu.memory_space<vmem_shared>>
    tpu.wait_dma2 semaphore(%arg10 : memref<!tpu.dma_semaphore, #tpu.memory_space<semaphore_mem>>) src(%arg7 : memref<125x16xf32, #tpu.memory_space<vmem>>) dst(%dma_wait3A_19 : memref<125x16xf32, #tpu.memory_space<vmem_shared>>)
    %dma_wait3A_20 = arith.constant 0 : i32
    %dma_wait3A_21 = arith.constant 0 : i32
    %dma_wait3A_22 = tpu.memref_slice %arg8[%dma_wait3A_20, %dma_wait3A_21] : memref<10000x16xf32, #tpu.memory_space<vmem_shared>> -> memref<125x16xf32, #tpu.memory_space<vmem_shared>>
    %dma_wait3A_23 = arith.constant 0 : i32
    %dma_wait3A_24 = arith.constant 0 : i32
    %dma_wait3A_25 = tpu.memref_slice %arg8[%dma_wait3A_23, %dma_wait3A_24] : memref<10000x16xf32, #tpu.memory_space<vmem_shared>> -> memref<125x16xf32, #tpu.memory_space<vmem_shared>>
    tpu.wait_dma2 semaphore(%arg11 : memref<!tpu.dma_semaphore, #tpu.memory_space<semaphore_mem>>) src(%arg7 : memref<125x16xf32, #tpu.memory_space<vmem>>) dst(%dma_wait3A_25 : memref<125x16xf32, #tpu.memory_space<vmem_shared>>)
    %dma_wait3A_26 = arith.constant 0 : i32
    %dma_wait3A_27 = arith.constant 0 : i32
    %dma_wait3A_28 = tpu.memref_slice %arg8[%dma_wait3A_26, %dma_wait3A_27] : memref<10000x16xf32, #tpu.memory_space<vmem_shared>> -> memref<125x16xf32, #tpu.memory_space<vmem_shared>>
    %dma_wait3A_29 = arith.constant 0 : i32
    %dma_wait3A_30 = arith.constant 0 : i32
    %dma_wait3A_31 = tpu.memref_slice %arg8[%dma_wait3A_29, %dma_wait3A_30] : memref<10000x16xf32, #tpu.memory_space<vmem_shared>> -> memref<125x16xf32, #tpu.memory_space<vmem_shared>>
    tpu.wait_dma2 semaphore(%arg12 : memref<!tpu.dma_semaphore, #tpu.memory_space<semaphore_mem>>) src(%arg7 : memref<125x16xf32, #tpu.memory_space<vmem>>) dst(%dma_wait3A_31 : memref<125x16xf32, #tpu.memory_space<vmem_shared>>)
    %barrier3A_32 = arith.constant 0 : index
    tpu.barrier barrier_id(%barrier3A_32)
    "tpu.region"() ({
      %run_scoped3A = tpu.sem_alloc : memref<!tpu.dma_semaphore, #tpu.memory_space<semaphore_mem>>
      %dma_start3A = arith.constant 0 : i32
      %dma_start3A_33 = tpu.memref_slice %arg5[%arg0, %multiple_of3A, %dma_start3A] : memref<2x10000x16xf32, #tpu.memory_space<hbm>> -> memref<1x632x16xf32, #tpu.memory_space<hbm>>
      %dma_start3A_34 = tpu.memref_squeeze %dma_start3A_33 : memref<1x632x16xf32, #tpu.memory_space<hbm>> -> memref<632x16xf32, #tpu.memory_space<hbm>>
      %dma_start3A_35 = arith.constant 0 : i32
      %dma_start3A_36 = tpu.memref_slice %arg8[%multiple_of3A, %dma_start3A_35] : memref<10000x16xf32, #tpu.memory_space<vmem_shared>> -> memref<632x16xf32, #tpu.memory_space<vmem_shared>>
      tpu.enqueue_dma source(%dma_start3A_36 : memref<632x16xf32, #tpu.memory_space<vmem_shared>>) target(%dma_start3A_34 : memref<632x16xf32, #tpu.memory_space<hbm>>) target_semaphore(%run_scoped3A : memref<!tpu.dma_semaphore, #tpu.memory_space<semaphore_mem>>)
      %dma_wait3A_37 = arith.constant 0 : i32
      %dma_wait3A_38 = tpu.memref_slice %arg5[%arg0, %multiple_of3A, %dma_wait3A_37] : memref<2x10000x16xf32, #tpu.memory_space<hbm>> -> memref<1x632x16xf32, #tpu.memory_space<hbm>>
      %dma_wait3A_39 = tpu.memref_squeeze %dma_wait3A_38 : memref<1x632x16xf32, #tpu.memory_space<hbm>> -> memref<632x16xf32, #tpu.memory_space<hbm>>
      %dma_wait3A_40 = arith.constant 0 : i32
      %dma_wait3A_41 = tpu.memref_slice %arg8[%multiple_of3A, %dma_wait3A_40] : memref<10000x16xf32, #tpu.memory_space<vmem_shared>> -> memref<632x16xf32, #tpu.memory_space<vmem_shared>>
      tpu.wait_dma2 semaphore(%run_scoped3A : memref<!tpu.dma_semaphore, #tpu.memory_space<semaphore_mem>>) src(%dma_wait3A_41 : memref<632x16xf32, #tpu.memory_space<vmem_shared>>) dst(%dma_wait3A_39 : memref<632x16xf32, #tpu.memory_space<hbm>>)
      tpu.yield
    }) : () -> ()
    return
  }
}

#map = affine_map<(d0, d1) -> (0, 0)>
#map1 = affine_map<(d0, d1) -> (0, 0, 0, 0)>
#map2 = affine_map<(d0, d1) -> (0, 0, 0)>
module attributes {stable_mosaic.version = 14 : i64} {
  func.func @_agg_fin_body(%arg0: i32, %arg1: i32, %arg2: memref<632x128xf32, #tpu.memory_space<hbm>>, %arg3: memref<40000x32xf32, #tpu.memory_space<hbm>>, %arg4: memref<2x16x168x125xi32, #tpu.memory_space<hbm>>, %arg5: memref<16x168x125xi32, #tpu.memory_space<hbm>>, %arg6: memref<10000x128xf32, #tpu.memory_space<hbm>>, %arg7: memref<2x2x16xf32, #tpu.memory_space<hbm>>, %arg8: memref<10000x64xf32, #tpu.memory_space<hbm>>, %arg9: memref<168x125xi32, #tpu.memory_space<vmem>>, %arg10: memref<168x125xi32, #tpu.memory_space<vmem>>, %arg11: memref<8x125x32xf32, #tpu.memory_space<vmem>>, %arg12: memref<632x32xf32, #tpu.memory_space<vmem>>, %arg13: memref<632x16xf32, #tpu.memory_space<vmem>>, %arg14: memref<2x16xf32, #tpu.memory_space<vmem>>, %arg15: memref<10000x32xf32, #tpu.memory_space<vmem_shared>>, %arg16: memref<!tpu.dma_semaphore, #tpu.memory_space<semaphore_mem>>, %arg17: memref<!tpu.dma_semaphore, #tpu.memory_space<semaphore_mem>>, %arg18: memref<!tpu.dma_semaphore, #tpu.memory_space<semaphore_mem>>, %arg19: memref<!tpu.dma_semaphore, #tpu.memory_space<semaphore_mem>>, %arg20: memref<!tpu.dma_semaphore, #tpu.memory_space<semaphore_mem>>, %arg21: memref<!tpu.dma_semaphore, #tpu.memory_space<semaphore_mem>>, %arg22: memref<!tpu.dma_semaphore, #tpu.memory_space<semaphore_mem>>, %arg23: memref<!tpu.dma_semaphore, #tpu.memory_space<semaphore_mem>>, %arg24: memref<!tpu.dma_semaphore, #tpu.memory_space<semaphore_mem>>, %arg25: memref<!tpu.dma_semaphore, #tpu.memory_space<semaphore_mem>>, %arg26: memref<!tpu.dma_semaphore, #tpu.memory_space<semaphore_mem>>, %arg27: memref<!tpu.dma_semaphore, #tpu.memory_space<semaphore_mem>>, %arg28: memref<!tpu.dma_semaphore, #tpu.memory_space<semaphore_mem>>, %arg29: memref<!tpu.dma_semaphore, #tpu.memory_space<semaphore_mem>>, %arg30: memref<!tpu.dma_semaphore, #tpu.memory_space<semaphore_mem>>, %arg31: memref<!tpu.dma_semaphore, #tpu.memory_space<semaphore_mem>>) attributes {dimension_semantics = [#tpu.dimension_semantics<core_parallel>, #tpu.dimension_semantics<subcore_parallel>], iteration_bounds = array<i64: 2, 16>, scalar_prefetch = 0 : i64, scratch_operands = 23 : i64, tpu.core_type = #tpu.core_type<sc_vector_subcore>, window_params = [{transform_indices = #map}, {transform_indices = #map}, {transform_indices = #map1}, {transform_indices = #map2}, {transform_indices = #map}, {transform_indices = #map2}, {transform_indices = #map}]} {
    %mul3A = arith.constant 632 : i32
    %mul3A_0 = arith.muli %arg1, %mul3A : i32
    %min3A = arith.constant 9368 : i32
    %min3A_1 = arith.minsi %mul3A_0, %min3A : i32
    %multiple_of3A = tpu.assume_multiple %min3A_1, 8 : i32
    "tpu.region"() ({
      %run_scoped3A = tpu.sem_alloc : memref<!tpu.dma_semaphore, #tpu.memory_space<semaphore_mem>>
      %dma_start3A_191 = arith.constant 0 : i32
      %dma_start3A_192 = tpu.memref_slice %arg15[%multiple_of3A, %dma_start3A_191] : memref<10000x32xf32, #tpu.memory_space<vmem_shared>> -> memref<632x32xf32, #tpu.memory_space<vmem_shared>>
      %dma_start3A_193 = arith.constant 0 : i32
      %dma_start3A_194 = arith.constant 0 : i32
      %dma_start3A_195 = tpu.memref_slice %arg2[%dma_start3A_193, %dma_start3A_194] : memref<632x128xf32, #tpu.memory_space<hbm>> -> memref<632x32xf32, #tpu.memory_space<hbm>>
      tpu.enqueue_dma source(%dma_start3A_195 : memref<632x32xf32, #tpu.memory_space<hbm>>) target(%dma_start3A_192 : memref<632x32xf32, #tpu.memory_space<vmem_shared>>) target_semaphore(%run_scoped3A : memref<!tpu.dma_semaphore, #tpu.memory_space<semaphore_mem>>)
      %dma_wait3A_196 = arith.constant 0 : i32
      %dma_wait3A_197 = tpu.memref_slice %arg15[%multiple_of3A, %dma_wait3A_196] : memref<10000x32xf32, #tpu.memory_space<vmem_shared>> -> memref<632x32xf32, #tpu.memory_space<vmem_shared>>
      %dma_wait3A_198 = arith.constant 0 : i32
      %dma_wait3A_199 = arith.constant 0 : i32
      %dma_wait3A_200 = tpu.memref_slice %arg2[%dma_wait3A_198, %dma_wait3A_199] : memref<632x128xf32, #tpu.memory_space<hbm>> -> memref<632x32xf32, #tpu.memory_space<hbm>>
      tpu.wait_dma2 semaphore(%run_scoped3A : memref<!tpu.dma_semaphore, #tpu.memory_space<semaphore_mem>>) src(%dma_wait3A_200 : memref<632x32xf32, #tpu.memory_space<hbm>>) dst(%dma_wait3A_197 : memref<632x32xf32, #tpu.memory_space<vmem_shared>>)
      tpu.yield
    }) : () -> ()
    "tpu.region"() ({
      %run_scoped3A = tpu.sem_alloc : memref<!tpu.dma_semaphore, #tpu.memory_space<semaphore_mem>>
      %dma_start3A_191 = arith.constant 0 : i32
      %dma_start3A_192 = arith.constant 0 : i32
      %dma_start3A_193 = tpu.memref_slice %arg4[%arg0, %arg1, %dma_start3A_191, %dma_start3A_192] : memref<2x16x168x125xi32, #tpu.memory_space<hbm>> -> memref<1x1x168x125xi32, #tpu.memory_space<hbm>>
      %dma_start3A_194 = tpu.memref_squeeze %dma_start3A_193 : memref<1x1x168x125xi32, #tpu.memory_space<hbm>> -> memref<168x125xi32, #tpu.memory_space<hbm>>
      %dma_start3A_195 = arith.constant 0 : i32
      %dma_start3A_196 = arith.constant 0 : i32
      %dma_start3A_197 = tpu.memref_slice %arg4[%arg0, %arg1, %dma_start3A_195, %dma_start3A_196] : memref<2x16x168x125xi32, #tpu.memory_space<hbm>> -> memref<1x1x168x125xi32, #tpu.memory_space<hbm>>
      %dma_start3A_198 = tpu.memref_squeeze %dma_start3A_197 : memref<1x1x168x125xi32, #tpu.memory_space<hbm>> -> memref<168x125xi32, #tpu.memory_space<hbm>>
      tpu.enqueue_dma source(%dma_start3A_198 : memref<168x125xi32, #tpu.memory_space<hbm>>) target(%arg9 : memref<168x125xi32, #tpu.memory_space<vmem>>) target_semaphore(%run_scoped3A : memref<!tpu.dma_semaphore, #tpu.memory_space<semaphore_mem>>)
      %dma_wait3A_199 = arith.constant 0 : i32
      %dma_wait3A_200 = arith.constant 0 : i32
      %dma_wait3A_201 = tpu.memref_slice %arg4[%arg0, %arg1, %dma_wait3A_199, %dma_wait3A_200] : memref<2x16x168x125xi32, #tpu.memory_space<hbm>> -> memref<1x1x168x125xi32, #tpu.memory_space<hbm>>
      %dma_wait3A_202 = tpu.memref_squeeze %dma_wait3A_201 : memref<1x1x168x125xi32, #tpu.memory_space<hbm>> -> memref<168x125xi32, #tpu.memory_space<hbm>>
      %dma_wait3A_203 = arith.constant 0 : i32
      %dma_wait3A_204 = arith.constant 0 : i32
      %dma_wait3A_205 = tpu.memref_slice %arg4[%arg0, %arg1, %dma_wait3A_203, %dma_wait3A_204] : memref<2x16x168x125xi32, #tpu.memory_space<hbm>> -> memref<1x1x168x125xi32, #tpu.memory_space<hbm>>
      %dma_wait3A_206 = tpu.memref_squeeze %dma_wait3A_205 : memref<1x1x168x125xi32, #tpu.memory_space<hbm>> -> memref<168x125xi32, #tpu.memory_space<hbm>>
      tpu.wait_dma2 semaphore(%run_scoped3A : memref<!tpu.dma_semaphore, #tpu.memory_space<semaphore_mem>>) src(%dma_wait3A_206 : memref<168x125xi32, #tpu.memory_space<hbm>>) dst(%arg9 : memref<168x125xi32, #tpu.memory_space<vmem>>)
      tpu.yield
    }) : () -> ()
    "tpu.region"() ({
      %run_scoped3A = tpu.sem_alloc : memref<!tpu.dma_semaphore, #tpu.memory_space<semaphore_mem>>
      %dma_start3A_191 = arith.constant 0 : i32
      %dma_start3A_192 = arith.constant 0 : i32
      %dma_start3A_193 = tpu.memref_slice %arg5[%arg1, %dma_start3A_191, %dma_start3A_192] : memref<16x168x125xi32, #tpu.memory_space<hbm>> -> memref<1x168x125xi32, #tpu.memory_space<hbm>>
      %dma_start3A_194 = tpu.memref_squeeze %dma_start3A_193 : memref<1x168x125xi32, #tpu.memory_space<hbm>> -> memref<168x125xi32, #tpu.memory_space<hbm>>
      %dma_start3A_195 = arith.constant 0 : i32
      %dma_start3A_196 = arith.constant 0 : i32
      %dma_start3A_197 = tpu.memref_slice %arg5[%arg1, %dma_start3A_195, %dma_start3A_196] : memref<16x168x125xi32, #tpu.memory_space<hbm>> -> memref<1x168x125xi32, #tpu.memory_space<hbm>>
      %dma_start3A_198 = tpu.memref_squeeze %dma_start3A_197 : memref<1x168x125xi32, #tpu.memory_space<hbm>> -> memref<168x125xi32, #tpu.memory_space<hbm>>
      tpu.enqueue_dma source(%dma_start3A_198 : memref<168x125xi32, #tpu.memory_space<hbm>>) target(%arg10 : memref<168x125xi32, #tpu.memory_space<vmem>>) target_semaphore(%run_scoped3A : memref<!tpu.dma_semaphore, #tpu.memory_space<semaphore_mem>>)
      %dma_wait3A_199 = arith.constant 0 : i32
      %dma_wait3A_200 = arith.constant 0 : i32
      %dma_wait3A_201 = tpu.memref_slice %arg5[%arg1, %dma_wait3A_199, %dma_wait3A_200] : memref<16x168x125xi32, #tpu.memory_space<hbm>> -> memref<1x168x125xi32, #tpu.memory_space<hbm>>
      %dma_wait3A_202 = tpu.memref_squeeze %dma_wait3A_201 : memref<1x168x125xi32, #tpu.memory_space<hbm>> -> memref<168x125xi32, #tpu.memory_space<hbm>>
      %dma_wait3A_203 = arith.constant 0 : i32
      %dma_wait3A_204 = arith.constant 0 : i32
      %dma_wait3A_205 = tpu.memref_slice %arg5[%arg1, %dma_wait3A_203, %dma_wait3A_204] : memref<16x168x125xi32, #tpu.memory_space<hbm>> -> memref<1x168x125xi32, #tpu.memory_space<hbm>>
      %dma_wait3A_206 = tpu.memref_squeeze %dma_wait3A_205 : memref<1x168x125xi32, #tpu.memory_space<hbm>> -> memref<168x125xi32, #tpu.memory_space<hbm>>
      tpu.wait_dma2 semaphore(%run_scoped3A : memref<!tpu.dma_semaphore, #tpu.memory_space<semaphore_mem>>) src(%dma_wait3A_206 : memref<168x125xi32, #tpu.memory_space<hbm>>) dst(%arg10 : memref<168x125xi32, #tpu.memory_space<vmem>>)
      tpu.yield
    }) : () -> ()
    %barrier3A = arith.constant 0 : index
    tpu.barrier barrier_id(%barrier3A)
    %dma_start3A = arith.constant 0 : i32
    %dma_start3A_2 = arith.constant 0 : i32
    %dma_start3A_3 = arith.constant 0 : i32
    %dma_start3A_4 = arith.constant 0 : i32
    %dma_start3A_5 = tpu.memref_slice %arg11[%dma_start3A_2, %dma_start3A_3, %dma_start3A_4] : memref<8x125x32xf32, #tpu.memory_space<vmem>> -> memref<1x125x32xf32, #tpu.memory_space<vmem>>
    %dma_start3A_6 = tpu.memref_squeeze %dma_start3A_5 : memref<1x125x32xf32, #tpu.memory_space<vmem>> -> memref<125x32xf32, #tpu.memory_space<vmem>>
    %dma_start3A_7 = arith.constant 0 : i32
    %dma_start3A_8 = tpu.memref_slice %arg9[%dma_start3A, %dma_start3A_7] : memref<168x125xi32, #tpu.memory_space<vmem>> -> memref<1x125xi32, #tpu.memory_space<vmem>>
    %dma_start3A_9 = tpu.memref_squeeze %dma_start3A_8 : memref<1x125xi32, #tpu.memory_space<vmem>> -> memref<125xi32, #tpu.memory_space<vmem>>
    %dma_start3A_10 = arith.constant 0 : i32
    %dma_start3A_11 = arith.constant 0 : i32
    %dma_start3A_12 = tpu.memref_slice %arg3[%dma_start3A_10, %dma_start3A_11] : memref<40000x32xf32, #tpu.memory_space<hbm>> -> memref<40000x32xf32, #tpu.memory_space<hbm>>
    tpu.enqueue_indirect_dma source(%dma_start3A_12 : memref<40000x32xf32, #tpu.memory_space<hbm>>) target(%dma_start3A_6 : memref<125x32xf32, #tpu.memory_space<vmem>>) offsets(%dma_start3A_9 : memref<125xi32, #tpu.memory_space<vmem>>) semaphore(%arg16 : memref<!tpu.dma_semaphore, #tpu.memory_space<semaphore_mem>>)
    %dma_start3A_13 = arith.constant 1 : i32
    %dma_start3A_14 = arith.constant 1 : i32
    %dma_start3A_15 = arith.constant 0 : i32
    %dma_start3A_16 = arith.constant 0 : i32
    %dma_start3A_17 = tpu.memref_slice %arg11[%dma_start3A_14, %dma_start3A_15, %dma_start3A_16] : memref<8x125x32xf32, #tpu.memory_space<vmem>> -> memref<1x125x32xf32, #tpu.memory_space<vmem>>
    %dma_start3A_18 = tpu.memref_squeeze %dma_start3A_17 : memref<1x125x32xf32, #tpu.memory_space<vmem>> -> memref<125x32xf32, #tpu.memory_space<vmem>>
    %dma_start3A_19 = arith.constant 0 : i32
    %dma_start3A_20 = tpu.memref_slice %arg9[%dma_start3A_13, %dma_start3A_19] : memref<168x125xi32, #tpu.memory_space<vmem>> -> memref<1x125xi32, #tpu.memory_space<vmem>>
    %dma_start3A_21 = tpu.memref_squeeze %dma_start3A_20 : memref<1x125xi32, #tpu.memory_space<vmem>> -> memref<125xi32, #tpu.memory_space<vmem>>
    %dma_start3A_22 = arith.constant 0 : i32
    %dma_start3A_23 = arith.constant 0 : i32
    %dma_start3A_24 = tpu.memref_slice %arg3[%dma_start3A_22, %dma_start3A_23] : memref<40000x32xf32, #tpu.memory_space<hbm>> -> memref<40000x32xf32, #tpu.memory_space<hbm>>
    tpu.enqueue_indirect_dma source(%dma_start3A_24 : memref<40000x32xf32, #tpu.memory_space<hbm>>) target(%dma_start3A_18 : memref<125x32xf32, #tpu.memory_space<vmem>>) offsets(%dma_start3A_21 : memref<125xi32, #tpu.memory_space<vmem>>) semaphore(%arg17 : memref<!tpu.dma_semaphore, #tpu.memory_space<semaphore_mem>>)
    %dma_start3A_25 = arith.constant 2 : i32
    %dma_start3A_26 = arith.constant 2 : i32
    %dma_start3A_27 = arith.constant 0 : i32
    %dma_start3A_28 = arith.constant 0 : i32
    %dma_start3A_29 = tpu.memref_slice %arg11[%dma_start3A_26, %dma_start3A_27, %dma_start3A_28] : memref<8x125x32xf32, #tpu.memory_space<vmem>> -> memref<1x125x32xf32, #tpu.memory_space<vmem>>
    %dma_start3A_30 = tpu.memref_squeeze %dma_start3A_29 : memref<1x125x32xf32, #tpu.memory_space<vmem>> -> memref<125x32xf32, #tpu.memory_space<vmem>>
    %dma_start3A_31 = arith.constant 0 : i32
    %dma_start3A_32 = tpu.memref_slice %arg9[%dma_start3A_25, %dma_start3A_31] : memref<168x125xi32, #tpu.memory_space<vmem>> -> memref<1x125xi32, #tpu.memory_space<vmem>>
    %dma_start3A_33 = tpu.memref_squeeze %dma_start3A_32 : memref<1x125xi32, #tpu.memory_space<vmem>> -> memref<125xi32, #tpu.memory_space<vmem>>
    %dma_start3A_34 = arith.constant 0 : i32
    %dma_start3A_35 = arith.constant 0 : i32
    %dma_start3A_36 = tpu.memref_slice %arg3[%dma_start3A_34, %dma_start3A_35] : memref<40000x32xf32, #tpu.memory_space<hbm>> -> memref<40000x32xf32, #tpu.memory_space<hbm>>
    tpu.enqueue_indirect_dma source(%dma_start3A_36 : memref<40000x32xf32, #tpu.memory_space<hbm>>) target(%dma_start3A_30 : memref<125x32xf32, #tpu.memory_space<vmem>>) offsets(%dma_start3A_33 : memref<125xi32, #tpu.memory_space<vmem>>) semaphore(%arg18 : memref<!tpu.dma_semaphore, #tpu.memory_space<semaphore_mem>>)
    %dma_start3A_37 = arith.constant 3 : i32
    %dma_start3A_38 = arith.constant 3 : i32
    %dma_start3A_39 = arith.constant 0 : i32
    %dma_start3A_40 = arith.constant 0 : i32
    %dma_start3A_41 = tpu.memref_slice %arg11[%dma_start3A_38, %dma_start3A_39, %dma_start3A_40] : memref<8x125x32xf32, #tpu.memory_space<vmem>> -> memref<1x125x32xf32, #tpu.memory_space<vmem>>
    %dma_start3A_42 = tpu.memref_squeeze %dma_start3A_41 : memref<1x125x32xf32, #tpu.memory_space<vmem>> -> memref<125x32xf32, #tpu.memory_space<vmem>>
    %dma_start3A_43 = arith.constant 0 : i32
    %dma_start3A_44 = tpu.memref_slice %arg9[%dma_start3A_37, %dma_start3A_43] : memref<168x125xi32, #tpu.memory_space<vmem>> -> memref<1x125xi32, #tpu.memory_space<vmem>>
    %dma_start3A_45 = tpu.memref_squeeze %dma_start3A_44 : memref<1x125xi32, #tpu.memory_space<vmem>> -> memref<125xi32, #tpu.memory_space<vmem>>
    %dma_start3A_46 = arith.constant 0 : i32
    %dma_start3A_47 = arith.constant 0 : i32
    %dma_start3A_48 = tpu.memref_slice %arg3[%dma_start3A_46, %dma_start3A_47] : memref<40000x32xf32, #tpu.memory_space<hbm>> -> memref<40000x32xf32, #tpu.memory_space<hbm>>
    tpu.enqueue_indirect_dma source(%dma_start3A_48 : memref<40000x32xf32, #tpu.memory_space<hbm>>) target(%dma_start3A_42 : memref<125x32xf32, #tpu.memory_space<vmem>>) offsets(%dma_start3A_45 : memref<125xi32, #tpu.memory_space<vmem>>) semaphore(%arg19 : memref<!tpu.dma_semaphore, #tpu.memory_space<semaphore_mem>>)
    %scan3A = arith.constant 0 : i32
    %scan3A_49 = arith.constant 0 : i32
    %scan3A_50 = arith.constant 21 : i32
    %scan3A_51 = arith.addi %scan3A_49, %scan3A_50 : i32
    %scan3A_52 = arith.constant 1 : i32
    scf.for %scan3A_191 = %scan3A_49 to %scan3A_51 step %scan3A_52  : i32 {
      %mul3A_192 = arith.constant 8 : i32
      %mul3A_193 = arith.muli %mul3A_192, %scan3A_191 : i32
      %add3A = arith.constant 0 : i32
      %add3A_194 = arith.addi %mul3A_193, %add3A : i32
      %add3A_195 = arith.constant 4 : i32
      %add3A_196 = arith.addi %add3A_194, %add3A_195 : i32
      %lt3A = arith.constant 168 : i32
      %lt3A_197 = arith.cmpi slt, %add3A_196, %lt3A : i32
      %convert_element_type3A = arith.extui %lt3A_197 : i1 to i32
      %cond3A = arith.constant 0 : i32
      %cond3A_198 = arith.cmpi ne, %convert_element_type3A, %cond3A : i32
      scf.if %cond3A_198 {
        %ge3A = arith.constant 8 : i32
        %ge3A_484 = arith.cmpi sge, %add3A_196, %ge3A : i32
        %convert_element_type3A_485 = arith.extui %ge3A_484 : i1 to i32
        %cond3A_486 = arith.constant 0 : i32
        %cond3A_487 = arith.cmpi ne, %convert_element_type3A_485, %cond3A_486 : i32
        scf.if %cond3A_487 {
          %dma_wait3A_499 = arith.constant 4 : i32
          %dma_wait3A_500 = arith.constant 0 : i32
          %dma_wait3A_501 = arith.constant 0 : i32
          %dma_wait3A_502 = tpu.memref_slice %arg11[%dma_wait3A_499, %dma_wait3A_500, %dma_wait3A_501] : memref<8x125x32xf32, #tpu.memory_space<vmem>> -> memref<1x125x32xf32, #tpu.memory_space<vmem>>
          %dma_wait3A_503 = tpu.memref_squeeze %dma_wait3A_502 : memref<1x125x32xf32, #tpu.memory_space<vmem>> -> memref<125x32xf32, #tpu.memory_space<vmem>>
          %dma_wait3A_504 = arith.constant 0 : i32
          %dma_wait3A_505 = arith.constant 0 : i32
          %dma_wait3A_506 = tpu.memref_slice %arg15[%dma_wait3A_504, %dma_wait3A_505] : memref<10000x32xf32, #tpu.memory_space<vmem_shared>> -> memref<125x32xf32, #tpu.memory_space<vmem_shared>>
          %dma_wait3A_507 = arith.constant 0 : i32
          %dma_wait3A_508 = arith.constant 0 : i32
          %dma_wait3A_509 = tpu.memref_slice %arg15[%dma_wait3A_507, %dma_wait3A_508] : memref<10000x32xf32, #tpu.memory_space<vmem_shared>> -> memref<125x32xf32, #tpu.memory_space<vmem_shared>>
          %dma_wait3A_510 = arith.constant 0 : i32
          %dma_wait3A_511 = arith.constant 0 : i32
          %dma_wait3A_512 = tpu.memref_slice %arg11[%dma_wait3A_499, %dma_wait3A_510, %dma_wait3A_511] : memref<8x125x32xf32, #tpu.memory_space<vmem>> -> memref<1x125x32xf32, #tpu.memory_space<vmem>>
          %dma_wait3A_513 = tpu.memref_squeeze %dma_wait3A_512 : memref<1x125x32xf32, #tpu.memory_space<vmem>> -> memref<125x32xf32, #tpu.memory_space<vmem>>
          tpu.wait_dma2 semaphore(%arg28 : memref<!tpu.dma_semaphore, #tpu.memory_space<semaphore_mem>>) src(%dma_wait3A_513 : memref<125x32xf32, #tpu.memory_space<vmem>>) dst(%dma_wait3A_509 : memref<125x32xf32, #tpu.memory_space<vmem_shared>>)
        } else {
        }
        %dma_start3A_488 = arith.constant 4 : i32
        %dma_start3A_489 = arith.constant 0 : i32
        %dma_start3A_490 = arith.constant 0 : i32
        %dma_start3A_491 = tpu.memref_slice %arg11[%dma_start3A_488, %dma_start3A_489, %dma_start3A_490] : memref<8x125x32xf32, #tpu.memory_space<vmem>> -> memref<1x125x32xf32, #tpu.memory_space<vmem>>
        %dma_start3A_492 = tpu.memref_squeeze %dma_start3A_491 : memref<1x125x32xf32, #tpu.memory_space<vmem>> -> memref<125x32xf32, #tpu.memory_space<vmem>>
        %dma_start3A_493 = arith.constant 0 : i32
        %dma_start3A_494 = tpu.memref_slice %arg9[%add3A_196, %dma_start3A_493] : memref<168x125xi32, #tpu.memory_space<vmem>> -> memref<1x125xi32, #tpu.memory_space<vmem>>
        %dma_start3A_495 = tpu.memref_squeeze %dma_start3A_494 : memref<1x125xi32, #tpu.memory_space<vmem>> -> memref<125xi32, #tpu.memory_space<vmem>>
        %dma_start3A_496 = arith.constant 0 : i32
        %dma_start3A_497 = arith.constant 0 : i32
        %dma_start3A_498 = tpu.memref_slice %arg3[%dma_start3A_496, %dma_start3A_497] : memref<40000x32xf32, #tpu.memory_space<hbm>> -> memref<40000x32xf32, #tpu.memory_space<hbm>>
        tpu.enqueue_indirect_dma source(%dma_start3A_498 : memref<40000x32xf32, #tpu.memory_space<hbm>>) target(%dma_start3A_492 : memref<125x32xf32, #tpu.memory_space<vmem>>) offsets(%dma_start3A_495 : memref<125xi32, #tpu.memory_space<vmem>>) semaphore(%arg20 : memref<!tpu.dma_semaphore, #tpu.memory_space<semaphore_mem>>)
      } else {
      }
      %dma_wait3A_199 = arith.constant 0 : i32
      %dma_wait3A_200 = arith.constant 0 : i32
      %dma_wait3A_201 = arith.constant 0 : i32
      %dma_wait3A_202 = tpu.memref_slice %arg11[%dma_wait3A_199, %dma_wait3A_200, %dma_wait3A_201] : memref<8x125x32xf32, #tpu.memory_space<vmem>> -> memref<1x125x32xf32, #tpu.memory_space<vmem>>
      %dma_wait3A_203 = tpu.memref_squeeze %dma_wait3A_202 : memref<1x125x32xf32, #tpu.memory_space<vmem>> -> memref<125x32xf32, #tpu.memory_space<vmem>>
      %dma_wait3A_204 = arith.constant 0 : i32
      %dma_wait3A_205 = arith.constant 0 : i32
      %dma_wait3A_206 = tpu.memref_slice %arg3[%dma_wait3A_204, %dma_wait3A_205] : memref<40000x32xf32, #tpu.memory_space<hbm>> -> memref<125x32xf32, #tpu.memory_space<hbm>>
      %dma_wait3A_207 = arith.constant 0 : i32
      %dma_wait3A_208 = arith.constant 0 : i32
      %dma_wait3A_209 = tpu.memref_slice %arg11[%dma_wait3A_199, %dma_wait3A_207, %dma_wait3A_208] : memref<8x125x32xf32, #tpu.memory_space<vmem>> -> memref<1x125x32xf32, #tpu.memory_space<vmem>>
      %dma_wait3A_210 = tpu.memref_squeeze %dma_wait3A_209 : memref<1x125x32xf32, #tpu.memory_space<vmem>> -> memref<125x32xf32, #tpu.memory_space<vmem>>
      %dma_wait3A_211 = arith.constant 0 : i32
      %dma_wait3A_212 = arith.constant 0 : i32
      %dma_wait3A_213 = tpu.memref_slice %arg3[%dma_wait3A_211, %dma_wait3A_212] : memref<40000x32xf32, #tpu.memory_space<hbm>> -> memref<125x32xf32, #tpu.memory_space<hbm>>
      tpu.wait_dma2 semaphore(%arg16 : memref<!tpu.dma_semaphore, #tpu.memory_space<semaphore_mem>>) src(%dma_wait3A_213 : memref<125x32xf32, #tpu.memory_space<hbm>>) dst(%dma_wait3A_210 : memref<125x32xf32, #tpu.memory_space<vmem>>)
      %dma_start3A_214 = arith.constant 0 : i32
      %dma_start3A_215 = arith.constant 0 : i32
      %dma_start3A_216 = arith.constant 0 : i32
      %dma_start3A_217 = tpu.memref_slice %arg11[%dma_start3A_214, %dma_start3A_215, %dma_start3A_216] : memref<8x125x32xf32, #tpu.memory_space<vmem>> -> memref<1x125x32xf32, #tpu.memory_space<vmem>>
      %dma_start3A_218 = tpu.memref_squeeze %dma_start3A_217 : memref<1x125x32xf32, #tpu.memory_space<vmem>> -> memref<125x32xf32, #tpu.memory_space<vmem>>
      %dma_start3A_219 = arith.constant 0 : i32
      %dma_start3A_220 = tpu.memref_slice %arg10[%add3A_194, %dma_start3A_219] : memref<168x125xi32, #tpu.memory_space<vmem>> -> memref<1x125xi32, #tpu.memory_space<vmem>>
      %dma_start3A_221 = tpu.memref_squeeze %dma_start3A_220 : memref<1x125xi32, #tpu.memory_space<vmem>> -> memref<125xi32, #tpu.memory_space<vmem>>
      %dma_start3A_222 = arith.constant 0 : i32
      %dma_start3A_223 = arith.constant 0 : i32
      %dma_start3A_224 = tpu.memref_slice %arg15[%dma_start3A_222, %dma_start3A_223] : memref<10000x32xf32, #tpu.memory_space<vmem_shared>> -> memref<10000x32xf32, #tpu.memory_space<vmem_shared>>
      tpu.enqueue_indirect_dma source(%dma_start3A_218 : memref<125x32xf32, #tpu.memory_space<vmem>>) target(%dma_start3A_224 : memref<10000x32xf32, #tpu.memory_space<vmem_shared>>) offsets(%dma_start3A_221 : memref<125xi32, #tpu.memory_space<vmem>>) semaphore(%arg24 : memref<!tpu.dma_semaphore, #tpu.memory_space<semaphore_mem>>) {add = true}
      %mul3A_225 = arith.constant 8 : i32
      %mul3A_226 = arith.muli %mul3A_225, %scan3A_191 : i32
      %add3A_227 = arith.constant 1 : i32
      %add3A_228 = arith.addi %mul3A_226, %add3A_227 : i32
      %add3A_229 = arith.constant 4 : i32
      %add3A_230 = arith.addi %add3A_228, %add3A_229 : i32
      %lt3A_231 = arith.constant 168 : i32
      %lt3A_232 = arith.cmpi slt, %add3A_230, %lt3A_231 : i32
      %convert_element_type3A_233 = arith.extui %lt3A_232 : i1 to i32
      %cond3A_234 = arith.constant 0 : i32
      %cond3A_235 = arith.cmpi ne, %convert_element_type3A_233, %cond3A_234 : i32
      scf.if %cond3A_235 {
        %ge3A = arith.constant 8 : i32
        %ge3A_484 = arith.cmpi sge, %add3A_230, %ge3A : i32
        %convert_element_type3A_485 = arith.extui %ge3A_484 : i1 to i32
        %cond3A_486 = arith.constant 0 : i32
        %cond3A_487 = arith.cmpi ne, %convert_element_type3A_485, %cond3A_486 : i32
        scf.if %cond3A_487 {
          %dma_wait3A_499 = arith.constant 5 : i32
          %dma_wait3A_500 = arith.constant 0 : i32
          %dma_wait3A_501 = arith.constant 0 : i32
          %dma_wait3A_502 = tpu.memref_slice %arg11[%dma_wait3A_499, %dma_wait3A_500, %dma_wait3A_501] : memref<8x125x32xf32, #tpu.memory_space<vmem>> -> memref<1x125x32xf32, #tpu.memory_space<vmem>>
          %dma_wait3A_503 = tpu.memref_squeeze %dma_wait3A_502 : memref<1x125x32xf32, #tpu.memory_space<vmem>> -> memref<125x32xf32, #tpu.memory_space<vmem>>
          %dma_wait3A_504 = arith.constant 0 : i32
          %dma_wait3A_505 = arith.constant 0 : i32
          %dma_wait3A_506 = tpu.memref_slice %arg15[%dma_wait3A_504, %dma_wait3A_505] : memref<10000x32xf32, #tpu.memory_space<vmem_shared>> -> memref<125x32xf32, #tpu.memory_space<vmem_shared>>
          %dma_wait3A_507 = arith.constant 0 : i32
          %dma_wait3A_508 = arith.constant 0 : i32
          %dma_wait3A_509 = tpu.memref_slice %arg15[%dma_wait3A_507, %dma_wait3A_508] : memref<10000x32xf32, #tpu.memory_space<vmem_shared>> -> memref<125x32xf32, #tpu.memory_space<vmem_shared>>
          %dma_wait3A_510 = arith.constant 0 : i32
          %dma_wait3A_511 = arith.constant 0 : i32
          %dma_wait3A_512 = tpu.memref_slice %arg11[%dma_wait3A_499, %dma_wait3A_510, %dma_wait3A_511] : memref<8x125x32xf32, #tpu.memory_space<vmem>> -> memref<1x125x32xf32, #tpu.memory_space<vmem>>
          %dma_wait3A_513 = tpu.memref_squeeze %dma_wait3A_512 : memref<1x125x32xf32, #tpu.memory_space<vmem>> -> memref<125x32xf32, #tpu.memory_space<vmem>>
          tpu.wait_dma2 semaphore(%arg29 : memref<!tpu.dma_semaphore, #tpu.memory_space<semaphore_mem>>) src(%dma_wait3A_513 : memref<125x32xf32, #tpu.memory_space<vmem>>) dst(%dma_wait3A_509 : memref<125x32xf32, #tpu.memory_space<vmem_shared>>)
        } else {
        }
        %dma_start3A_488 = arith.constant 5 : i32
        %dma_start3A_489 = arith.constant 0 : i32
        %dma_start3A_490 = arith.constant 0 : i32
        %dma_start3A_491 = tpu.memref_slice %arg11[%dma_start3A_488, %dma_start3A_489, %dma_start3A_490] : memref<8x125x32xf32, #tpu.memory_space<vmem>> -> memref<1x125x32xf32, #tpu.memory_space<vmem>>
        %dma_start3A_492 = tpu.memref_squeeze %dma_start3A_491 : memref<1x125x32xf32, #tpu.memory_space<vmem>> -> memref<125x32xf32, #tpu.memory_space<vmem>>
        %dma_start3A_493 = arith.constant 0 : i32
        %dma_start3A_494 = tpu.memref_slice %arg9[%add3A_230, %dma_start3A_493] : memref<168x125xi32, #tpu.memory_space<vmem>> -> memref<1x125xi32, #tpu.memory_space<vmem>>
        %dma_start3A_495 = tpu.memref_squeeze %dma_start3A_494 : memref<1x125xi32, #tpu.memory_space<vmem>> -> memref<125xi32, #tpu.memory_space<vmem>>
        %dma_start3A_496 = arith.constant 0 : i32
        %dma_start3A_497 = arith.constant 0 : i32
        %dma_start3A_498 = tpu.memref_slice %arg3[%dma_start3A_496, %dma_start3A_497] : memref<40000x32xf32, #tpu.memory_space<hbm>> -> memref<40000x32xf32, #tpu.memory_space<hbm>>
        tpu.enqueue_indirect_dma source(%dma_start3A_498 : memref<40000x32xf32, #tpu.memory_space<hbm>>) target(%dma_start3A_492 : memref<125x32xf32, #tpu.memory_space<vmem>>) offsets(%dma_start3A_495 : memref<125xi32, #tpu.memory_space<vmem>>) semaphore(%arg21 : memref<!tpu.dma_semaphore, #tpu.memory_space<semaphore_mem>>)
      } else {
      }
      %dma_wait3A_236 = arith.constant 1 : i32
      %dma_wait3A_237 = arith.constant 0 : i32
      %dma_wait3A_238 = arith.constant 0 : i32
      %dma_wait3A_239 = tpu.memref_slice %arg11[%dma_wait3A_236, %dma_wait3A_237, %dma_wait3A_238] : memref<8x125x32xf32, #tpu.memory_space<vmem>> -> memref<1x125x32xf32, #tpu.memory_space<vmem>>
      %dma_wait3A_240 = tpu.memref_squeeze %dma_wait3A_239 : memref<1x125x32xf32, #tpu.memory_space<vmem>> -> memref<125x32xf32, #tpu.memory_space<vmem>>
      %dma_wait3A_241 = arith.constant 0 : i32
      %dma_wait3A_242 = arith.constant 0 : i32
      %dma_wait3A_243 = tpu.memref_slice %arg3[%dma_wait3A_241, %dma_wait3A_242] : memref<40000x32xf32, #tpu.memory_space<hbm>> -> memref<125x32xf32, #tpu.memory_space<hbm>>
      %dma_wait3A_244 = arith.constant 0 : i32
      %dma_wait3A_245 = arith.constant 0 : i32
      %dma_wait3A_246 = tpu.memref_slice %arg11[%dma_wait3A_236, %dma_wait3A_244, %dma_wait3A_245] : memref<8x125x32xf32, #tpu.memory_space<vmem>> -> memref<1x125x32xf32, #tpu.memory_space<vmem>>
      %dma_wait3A_247 = tpu.memref_squeeze %dma_wait3A_246 : memref<1x125x32xf32, #tpu.memory_space<vmem>> -> memref<125x32xf32, #tpu.memory_space<vmem>>
      %dma_wait3A_248 = arith.constant 0 : i32
      %dma_wait3A_249 = arith.constant 0 : i32
      %dma_wait3A_250 = tpu.memref_slice %arg3[%dma_wait3A_248, %dma_wait3A_249] : memref<40000x32xf32, #tpu.memory_space<hbm>> -> memref<125x32xf32, #tpu.memory_space<hbm>>
      tpu.wait_dma2 semaphore(%arg17 : memref<!tpu.dma_semaphore, #tpu.memory_space<semaphore_mem>>) src(%dma_wait3A_250 : memref<125x32xf32, #tpu.memory_space<hbm>>) dst(%dma_wait3A_247 : memref<125x32xf32, #tpu.memory_space<vmem>>)
      %dma_start3A_251 = arith.constant 1 : i32
      %dma_start3A_252 = arith.constant 0 : i32
      %dma_start3A_253 = arith.constant 0 : i32
      %dma_start3A_254 = tpu.memref_slice %arg11[%dma_start3A_251, %dma_start3A_252, %dma_start3A_253] : memref<8x125x32xf32, #tpu.memory_space<vmem>> -> memref<1x125x32xf32, #tpu.memory_space<vmem>>
      %dma_start3A_255 = tpu.memref_squeeze %dma_start3A_254 : memref<1x125x32xf32, #tpu.memory_space<vmem>> -> memref<125x32xf32, #tpu.memory_space<vmem>>
      %dma_start3A_256 = arith.constant 0 : i32
      %dma_start3A_257 = tpu.memref_slice %arg10[%add3A_228, %dma_start3A_256] : memref<168x125xi32, #tpu.memory_space<vmem>> -> memref<1x125xi32, #tpu.memory_space<vmem>>
      %dma_start3A_258 = tpu.memref_squeeze %dma_start3A_257 : memref<1x125xi32, #tpu.memory_space<vmem>> -> memref<125xi32, #tpu.memory_space<vmem>>
      %dma_start3A_259 = arith.constant 0 : i32
      %dma_start3A_260 = arith.constant 0 : i32
      %dma_start3A_261 = tpu.memref_slice %arg15[%dma_start3A_259, %dma_start3A_260] : memref<10000x32xf32, #tpu.memory_space<vmem_shared>> -> memref<10000x32xf32, #tpu.memory_space<vmem_shared>>
      tpu.enqueue_indirect_dma source(%dma_start3A_255 : memref<125x32xf32, #tpu.memory_space<vmem>>) target(%dma_start3A_261 : memref<10000x32xf32, #tpu.memory_space<vmem_shared>>) offsets(%dma_start3A_258 : memref<125xi32, #tpu.memory_space<vmem>>) semaphore(%arg25 : memref<!tpu.dma_semaphore, #tpu.memory_space<semaphore_mem>>) {add = true}
      %mul3A_262 = arith.constant 8 : i32
      %mul3A_263 = arith.muli %mul3A_262, %scan3A_191 : i32
      %add3A_264 = arith.constant 2 : i32
      %add3A_265 = arith.addi %mul3A_263, %add3A_264 : i32
      %add3A_266 = arith.constant 4 : i32
      %add3A_267 = arith.addi %add3A_265, %add3A_266 : i32
      %lt3A_268 = arith.constant 168 : i32
      %lt3A_269 = arith.cmpi slt, %add3A_267, %lt3A_268 : i32
      %convert_element_type3A_270 = arith.extui %lt3A_269 : i1 to i32
      %cond3A_271 = arith.constant 0 : i32
      %cond3A_272 = arith.cmpi ne, %convert_element_type3A_270, %cond3A_271 : i32
      scf.if %cond3A_272 {
        %ge3A = arith.constant 8 : i32
        %ge3A_484 = arith.cmpi sge, %add3A_267, %ge3A : i32
        %convert_element_type3A_485 = arith.extui %ge3A_484 : i1 to i32
        %cond3A_486 = arith.constant 0 : i32
        %cond3A_487 = arith.cmpi ne, %convert_element_type3A_485, %cond3A_486 : i32
        scf.if %cond3A_487 {
          %dma_wait3A_499 = arith.constant 6 : i32
          %dma_wait3A_500 = arith.constant 0 : i32
          %dma_wait3A_501 = arith.constant 0 : i32
          %dma_wait3A_502 = tpu.memref_slice %arg11[%dma_wait3A_499, %dma_wait3A_500, %dma_wait3A_501] : memref<8x125x32xf32, #tpu.memory_space<vmem>> -> memref<1x125x32xf32, #tpu.memory_space<vmem>>
          %dma_wait3A_503 = tpu.memref_squeeze %dma_wait3A_502 : memref<1x125x32xf32, #tpu.memory_space<vmem>> -> memref<125x32xf32, #tpu.memory_space<vmem>>
          %dma_wait3A_504 = arith.constant 0 : i32
          %dma_wait3A_505 = arith.constant 0 : i32
          %dma_wait3A_506 = tpu.memref_slice %arg15[%dma_wait3A_504, %dma_wait3A_505] : memref<10000x32xf32, #tpu.memory_space<vmem_shared>> -> memref<125x32xf32, #tpu.memory_space<vmem_shared>>
          %dma_wait3A_507 = arith.constant 0 : i32
          %dma_wait3A_508 = arith.constant 0 : i32
          %dma_wait3A_509 = tpu.memref_slice %arg15[%dma_wait3A_507, %dma_wait3A_508] : memref<10000x32xf32, #tpu.memory_space<vmem_shared>> -> memref<125x32xf32, #tpu.memory_space<vmem_shared>>
          %dma_wait3A_510 = arith.constant 0 : i32
          %dma_wait3A_511 = arith.constant 0 : i32
          %dma_wait3A_512 = tpu.memref_slice %arg11[%dma_wait3A_499, %dma_wait3A_510, %dma_wait3A_511] : memref<8x125x32xf32, #tpu.memory_space<vmem>> -> memref<1x125x32xf32, #tpu.memory_space<vmem>>
          %dma_wait3A_513 = tpu.memref_squeeze %dma_wait3A_512 : memref<1x125x32xf32, #tpu.memory_space<vmem>> -> memref<125x32xf32, #tpu.memory_space<vmem>>
          tpu.wait_dma2 semaphore(%arg30 : memref<!tpu.dma_semaphore, #tpu.memory_space<semaphore_mem>>) src(%dma_wait3A_513 : memref<125x32xf32, #tpu.memory_space<vmem>>) dst(%dma_wait3A_509 : memref<125x32xf32, #tpu.memory_space<vmem_shared>>)
        } else {
        }
        %dma_start3A_488 = arith.constant 6 : i32
        %dma_start3A_489 = arith.constant 0 : i32
        %dma_start3A_490 = arith.constant 0 : i32
        %dma_start3A_491 = tpu.memref_slice %arg11[%dma_start3A_488, %dma_start3A_489, %dma_start3A_490] : memref<8x125x32xf32, #tpu.memory_space<vmem>> -> memref<1x125x32xf32, #tpu.memory_space<vmem>>
        %dma_start3A_492 = tpu.memref_squeeze %dma_start3A_491 : memref<1x125x32xf32, #tpu.memory_space<vmem>> -> memref<125x32xf32, #tpu.memory_space<vmem>>
        %dma_start3A_493 = arith.constant 0 : i32
        %dma_start3A_494 = tpu.memref_slice %arg9[%add3A_267, %dma_start3A_493] : memref<168x125xi32, #tpu.memory_space<vmem>> -> memref<1x125xi32, #tpu.memory_space<vmem>>
        %dma_start3A_495 = tpu.memref_squeeze %dma_start3A_494 : memref<1x125xi32, #tpu.memory_space<vmem>> -> memref<125xi32, #tpu.memory_space<vmem>>
        %dma_start3A_496 = arith.constant 0 : i32
        %dma_start3A_497 = arith.constant 0 : i32
        %dma_start3A_498 = tpu.memref_slice %arg3[%dma_start3A_496, %dma_start3A_497] : memref<40000x32xf32, #tpu.memory_space<hbm>> -> memref<40000x32xf32, #tpu.memory_space<hbm>>
        tpu.enqueue_indirect_dma source(%dma_start3A_498 : memref<40000x32xf32, #tpu.memory_space<hbm>>) target(%dma_start3A_492 : memref<125x32xf32, #tpu.memory_space<vmem>>) offsets(%dma_start3A_495 : memref<125xi32, #tpu.memory_space<vmem>>) semaphore(%arg22 : memref<!tpu.dma_semaphore, #tpu.memory_space<semaphore_mem>>)
      } else {
      }
      %dma_wait3A_273 = arith.constant 2 : i32
      %dma_wait3A_274 = arith.constant 0 : i32
      %dma_wait3A_275 = arith.constant 0 : i32
      %dma_wait3A_276 = tpu.memref_slice %arg11[%dma_wait3A_273, %dma_wait3A_274, %dma_wait3A_275] : memref<8x125x32xf32, #tpu.memory_space<vmem>> -> memref<1x125x32xf32, #tpu.memory_space<vmem>>
      %dma_wait3A_277 = tpu.memref_squeeze %dma_wait3A_276 : memref<1x125x32xf32, #tpu.memory_space<vmem>> -> memref<125x32xf32, #tpu.memory_space<vmem>>
      %dma_wait3A_278 = arith.constant 0 : i32
      %dma_wait3A_279 = arith.constant 0 : i32
      %dma_wait3A_280 = tpu.memref_slice %arg3[%dma_wait3A_278, %dma_wait3A_279] : memref<40000x32xf32, #tpu.memory_space<hbm>> -> memref<125x32xf32, #tpu.memory_space<hbm>>
      %dma_wait3A_281 = arith.constant 0 : i32
      %dma_wait3A_282 = arith.constant 0 : i32
      %dma_wait3A_283 = tpu.memref_slice %arg11[%dma_wait3A_273, %dma_wait3A_281, %dma_wait3A_282] : memref<8x125x32xf32, #tpu.memory_space<vmem>> -> memref<1x125x32xf32, #tpu.memory_space<vmem>>
      %dma_wait3A_284 = tpu.memref_squeeze %dma_wait3A_283 : memref<1x125x32xf32, #tpu.memory_space<vmem>> -> memref<125x32xf32, #tpu.memory_space<vmem>>
      %dma_wait3A_285 = arith.constant 0 : i32
      %dma_wait3A_286 = arith.constant 0 : i32
      %dma_wait3A_287 = tpu.memref_slice %arg3[%dma_wait3A_285, %dma_wait3A_286] : memref<40000x32xf32, #tpu.memory_space<hbm>> -> memref<125x32xf32, #tpu.memory_space<hbm>>
      tpu.wait_dma2 semaphore(%arg18 : memref<!tpu.dma_semaphore, #tpu.memory_space<semaphore_mem>>) src(%dma_wait3A_287 : memref<125x32xf32, #tpu.memory_space<hbm>>) dst(%dma_wait3A_284 : memref<125x32xf32, #tpu.memory_space<vmem>>)
      %dma_start3A_288 = arith.constant 2 : i32
      %dma_start3A_289 = arith.constant 0 : i32
      %dma_start3A_290 = arith.constant 0 : i32
      %dma_start3A_291 = tpu.memref_slice %arg11[%dma_start3A_288, %dma_start3A_289, %dma_start3A_290] : memref<8x125x32xf32, #tpu.memory_space<vmem>> -> memref<1x125x32xf32, #tpu.memory_space<vmem>>
      %dma_start3A_292 = tpu.memref_squeeze %dma_start3A_291 : memref<1x125x32xf32, #tpu.memory_space<vmem>> -> memref<125x32xf32, #tpu.memory_space<vmem>>
      %dma_start3A_293 = arith.constant 0 : i32
      %dma_start3A_294 = tpu.memref_slice %arg10[%add3A_265, %dma_start3A_293] : memref<168x125xi32, #tpu.memory_space<vmem>> -> memref<1x125xi32, #tpu.memory_space<vmem>>
      %dma_start3A_295 = tpu.memref_squeeze %dma_start3A_294 : memref<1x125xi32, #tpu.memory_space<vmem>> -> memref<125xi32, #tpu.memory_space<vmem>>
      %dma_start3A_296 = arith.constant 0 : i32
      %dma_start3A_297 = arith.constant 0 : i32
      %dma_start3A_298 = tpu.memref_slice %arg15[%dma_start3A_296, %dma_start3A_297] : memref<10000x32xf32, #tpu.memory_space<vmem_shared>> -> memref<10000x32xf32, #tpu.memory_space<vmem_shared>>
      tpu.enqueue_indirect_dma source(%dma_start3A_292 : memref<125x32xf32, #tpu.memory_space<vmem>>) target(%dma_start3A_298 : memref<10000x32xf32, #tpu.memory_space<vmem_shared>>) offsets(%dma_start3A_295 : memref<125xi32, #tpu.memory_space<vmem>>) semaphore(%arg26 : memref<!tpu.dma_semaphore, #tpu.memory_space<semaphore_mem>>) {add = true}
      %mul3A_299 = arith.constant 8 : i32
      %mul3A_300 = arith.muli %mul3A_299, %scan3A_191 : i32
      %add3A_301 = arith.constant 3 : i32
      %add3A_302 = arith.addi %mul3A_300, %add3A_301 : i32
      %add3A_303 = arith.constant 4 : i32
      %add3A_304 = arith.addi %add3A_302, %add3A_303 : i32
      %lt3A_305 = arith.constant 168 : i32
      %lt3A_306 = arith.cmpi slt, %add3A_304, %lt3A_305 : i32
      %convert_element_type3A_307 = arith.extui %lt3A_306 : i1 to i32
      %cond3A_308 = arith.constant 0 : i32
      %cond3A_309 = arith.cmpi ne, %convert_element_type3A_307, %cond3A_308 : i32
      scf.if %cond3A_309 {
        %ge3A = arith.constant 8 : i32
        %ge3A_484 = arith.cmpi sge, %add3A_304, %ge3A : i32
        %convert_element_type3A_485 = arith.extui %ge3A_484 : i1 to i32
        %cond3A_486 = arith.constant 0 : i32
        %cond3A_487 = arith.cmpi ne, %convert_element_type3A_485, %cond3A_486 : i32
        scf.if %cond3A_487 {
          %dma_wait3A_499 = arith.constant 7 : i32
          %dma_wait3A_500 = arith.constant 0 : i32
          %dma_wait3A_501 = arith.constant 0 : i32
          %dma_wait3A_502 = tpu.memref_slice %arg11[%dma_wait3A_499, %dma_wait3A_500, %dma_wait3A_501] : memref<8x125x32xf32, #tpu.memory_space<vmem>> -> memref<1x125x32xf32, #tpu.memory_space<vmem>>
          %dma_wait3A_503 = tpu.memref_squeeze %dma_wait3A_502 : memref<1x125x32xf32, #tpu.memory_space<vmem>> -> memref<125x32xf32, #tpu.memory_space<vmem>>
          %dma_wait3A_504 = arith.constant 0 : i32
          %dma_wait3A_505 = arith.constant 0 : i32
          %dma_wait3A_506 = tpu.memref_slice %arg15[%dma_wait3A_504, %dma_wait3A_505] : memref<10000x32xf32, #tpu.memory_space<vmem_shared>> -> memref<125x32xf32, #tpu.memory_space<vmem_shared>>
          %dma_wait3A_507 = arith.constant 0 : i32
          %dma_wait3A_508 = arith.constant 0 : i32
          %dma_wait3A_509 = tpu.memref_slice %arg15[%dma_wait3A_507, %dma_wait3A_508] : memref<10000x32xf32, #tpu.memory_space<vmem_shared>> -> memref<125x32xf32, #tpu.memory_space<vmem_shared>>
          %dma_wait3A_510 = arith.constant 0 : i32
          %dma_wait3A_511 = arith.constant 0 : i32
          %dma_wait3A_512 = tpu.memref_slice %arg11[%dma_wait3A_499, %dma_wait3A_510, %dma_wait3A_511] : memref<8x125x32xf32, #tpu.memory_space<vmem>> -> memref<1x125x32xf32, #tpu.memory_space<vmem>>
          %dma_wait3A_513 = tpu.memref_squeeze %dma_wait3A_512 : memref<1x125x32xf32, #tpu.memory_space<vmem>> -> memref<125x32xf32, #tpu.memory_space<vmem>>
          tpu.wait_dma2 semaphore(%arg31 : memref<!tpu.dma_semaphore, #tpu.memory_space<semaphore_mem>>) src(%dma_wait3A_513 : memref<125x32xf32, #tpu.memory_space<vmem>>) dst(%dma_wait3A_509 : memref<125x32xf32, #tpu.memory_space<vmem_shared>>)
        } else {
        }
        %dma_start3A_488 = arith.constant 7 : i32
        %dma_start3A_489 = arith.constant 0 : i32
        %dma_start3A_490 = arith.constant 0 : i32
        %dma_start3A_491 = tpu.memref_slice %arg11[%dma_start3A_488, %dma_start3A_489, %dma_start3A_490] : memref<8x125x32xf32, #tpu.memory_space<vmem>> -> memref<1x125x32xf32, #tpu.memory_space<vmem>>
        %dma_start3A_492 = tpu.memref_squeeze %dma_start3A_491 : memref<1x125x32xf32, #tpu.memory_space<vmem>> -> memref<125x32xf32, #tpu.memory_space<vmem>>
        %dma_start3A_493 = arith.constant 0 : i32
        %dma_start3A_494 = tpu.memref_slice %arg9[%add3A_304, %dma_start3A_493] : memref<168x125xi32, #tpu.memory_space<vmem>> -> memref<1x125xi32, #tpu.memory_space<vmem>>
        %dma_start3A_495 = tpu.memref_squeeze %dma_start3A_494 : memref<1x125xi32, #tpu.memory_space<vmem>> -> memref<125xi32, #tpu.memory_space<vmem>>
        %dma_start3A_496 = arith.constant 0 : i32
        %dma_start3A_497 = arith.constant 0 : i32
        %dma_start3A_498 = tpu.memref_slice %arg3[%dma_start3A_496, %dma_start3A_497] : memref<40000x32xf32, #tpu.memory_space<hbm>> -> memref<40000x32xf32, #tpu.memory_space<hbm>>
        tpu.enqueue_indirect_dma source(%dma_start3A_498 : memref<40000x32xf32, #tpu.memory_space<hbm>>) target(%dma_start3A_492 : memref<125x32xf32, #tpu.memory_space<vmem>>) offsets(%dma_start3A_495 : memref<125xi32, #tpu.memory_space<vmem>>) semaphore(%arg23 : memref<!tpu.dma_semaphore, #tpu.memory_space<semaphore_mem>>)
      } else {
      }
      %dma_wait3A_310 = arith.constant 3 : i32
      %dma_wait3A_311 = arith.constant 0 : i32
      %dma_wait3A_312 = arith.constant 0 : i32
      %dma_wait3A_313 = tpu.memref_slice %arg11[%dma_wait3A_310, %dma_wait3A_311, %dma_wait3A_312] : memref<8x125x32xf32, #tpu.memory_space<vmem>> -> memref<1x125x32xf32, #tpu.memory_space<vmem>>
      %dma_wait3A_314 = tpu.memref_squeeze %dma_wait3A_313 : memref<1x125x32xf32, #tpu.memory_space<vmem>> -> memref<125x32xf32, #tpu.memory_space<vmem>>
      %dma_wait3A_315 = arith.constant 0 : i32
      %dma_wait3A_316 = arith.constant 0 : i32
      %dma_wait3A_317 = tpu.memref_slice %arg3[%dma_wait3A_315, %dma_wait3A_316] : memref<40000x32xf32, #tpu.memory_space<hbm>> -> memref<125x32xf32, #tpu.memory_space<hbm>>
      %dma_wait3A_318 = arith.constant 0 : i32
      %dma_wait3A_319 = arith.constant 0 : i32
      %dma_wait3A_320 = tpu.memref_slice %arg11[%dma_wait3A_310, %dma_wait3A_318, %dma_wait3A_319] : memref<8x125x32xf32, #tpu.memory_space<vmem>> -> memref<1x125x32xf32, #tpu.memory_space<vmem>>
      %dma_wait3A_321 = tpu.memref_squeeze %dma_wait3A_320 : memref<1x125x32xf32, #tpu.memory_space<vmem>> -> memref<125x32xf32, #tpu.memory_space<vmem>>
      %dma_wait3A_322 = arith.constant 0 : i32
      %dma_wait3A_323 = arith.constant 0 : i32
      %dma_wait3A_324 = tpu.memref_slice %arg3[%dma_wait3A_322, %dma_wait3A_323] : memref<40000x32xf32, #tpu.memory_space<hbm>> -> memref<125x32xf32, #tpu.memory_space<hbm>>
      tpu.wait_dma2 semaphore(%arg19 : memref<!tpu.dma_semaphore, #tpu.memory_space<semaphore_mem>>) src(%dma_wait3A_324 : memref<125x32xf32, #tpu.memory_space<hbm>>) dst(%dma_wait3A_321 : memref<125x32xf32, #tpu.memory_space<vmem>>)
      %dma_start3A_325 = arith.constant 3 : i32
      %dma_start3A_326 = arith.constant 0 : i32
      %dma_start3A_327 = arith.constant 0 : i32
      %dma_start3A_328 = tpu.memref_slice %arg11[%dma_start3A_325, %dma_start3A_326, %dma_start3A_327] : memref<8x125x32xf32, #tpu.memory_space<vmem>> -> memref<1x125x32xf32, #tpu.memory_space<vmem>>
      %dma_start3A_329 = tpu.memref_squeeze %dma_start3A_328 : memref<1x125x32xf32, #tpu.memory_space<vmem>> -> memref<125x32xf32, #tpu.memory_space<vmem>>
      %dma_start3A_330 = arith.constant 0 : i32
      %dma_start3A_331 = tpu.memref_slice %arg10[%add3A_302, %dma_start3A_330] : memref<168x125xi32, #tpu.memory_space<vmem>> -> memref<1x125xi32, #tpu.memory_space<vmem>>
      %dma_start3A_332 = tpu.memref_squeeze %dma_start3A_331 : memref<1x125xi32, #tpu.memory_space<vmem>> -> memref<125xi32, #tpu.memory_space<vmem>>
      %dma_start3A_333 = arith.constant 0 : i32
      %dma_start3A_334 = arith.constant 0 : i32
      %dma_start3A_335 = tpu.memref_slice %arg15[%dma_start3A_333, %dma_start3A_334] : memref<10000x32xf32, #tpu.memory_space<vmem_shared>> -> memref<10000x32xf32, #tpu.memory_space<vmem_shared>>
      tpu.enqueue_indirect_dma source(%dma_start3A_329 : memref<125x32xf32, #tpu.memory_space<vmem>>) target(%dma_start3A_335 : memref<10000x32xf32, #tpu.memory_space<vmem_shared>>) offsets(%dma_start3A_332 : memref<125xi32, #tpu.memory_space<vmem>>) semaphore(%arg27 : memref<!tpu.dma_semaphore, #tpu.memory_space<semaphore_mem>>) {add = true}
      %mul3A_336 = arith.constant 8 : i32
      %mul3A_337 = arith.muli %mul3A_336, %scan3A_191 : i32
      %add3A_338 = arith.constant 4 : i32
      %add3A_339 = arith.addi %mul3A_337, %add3A_338 : i32
      %add3A_340 = arith.constant 4 : i32
      %add3A_341 = arith.addi %add3A_339, %add3A_340 : i32
      %lt3A_342 = arith.constant 168 : i32
      %lt3A_343 = arith.cmpi slt, %add3A_341, %lt3A_342 : i32
      %convert_element_type3A_344 = arith.extui %lt3A_343 : i1 to i32
      %cond3A_345 = arith.constant 0 : i32
      %cond3A_346 = arith.cmpi ne, %convert_element_type3A_344, %cond3A_345 : i32
      scf.if %cond3A_346 {
        %ge3A = arith.constant 8 : i32
        %ge3A_484 = arith.cmpi sge, %add3A_341, %ge3A : i32
        %convert_element_type3A_485 = arith.extui %ge3A_484 : i1 to i32
        %cond3A_486 = arith.constant 0 : i32
        %cond3A_487 = arith.cmpi ne, %convert_element_type3A_485, %cond3A_486 : i32
        scf.if %cond3A_487 {
          %dma_wait3A_499 = arith.constant 0 : i32
          %dma_wait3A_500 = arith.constant 0 : i32
          %dma_wait3A_501 = arith.constant 0 : i32
          %dma_wait3A_502 = tpu.memref_slice %arg11[%dma_wait3A_499, %dma_wait3A_500, %dma_wait3A_501] : memref<8x125x32xf32, #tpu.memory_space<vmem>> -> memref<1x125x32xf32, #tpu.memory_space<vmem>>
          %dma_wait3A_503 = tpu.memref_squeeze %dma_wait3A_502 : memref<1x125x32xf32, #tpu.memory_space<vmem>> -> memref<125x32xf32, #tpu.memory_space<vmem>>
          %dma_wait3A_504 = arith.constant 0 : i32
          %dma_wait3A_505 = arith.constant 0 : i32
          %dma_wait3A_506 = tpu.memref_slice %arg15[%dma_wait3A_504, %dma_wait3A_505] : memref<10000x32xf32, #tpu.memory_space<vmem_shared>> -> memref<125x32xf32, #tpu.memory_space<vmem_shared>>
          %dma_wait3A_507 = arith.constant 0 : i32
          %dma_wait3A_508 = arith.constant 0 : i32
          %dma_wait3A_509 = tpu.memref_slice %arg15[%dma_wait3A_507, %dma_wait3A_508] : memref<10000x32xf32, #tpu.memory_space<vmem_shared>> -> memref<125x32xf32, #tpu.memory_space<vmem_shared>>
          %dma_wait3A_510 = arith.constant 0 : i32
          %dma_wait3A_511 = arith.constant 0 : i32
          %dma_wait3A_512 = tpu.memref_slice %arg11[%dma_wait3A_499, %dma_wait3A_510, %dma_wait3A_511] : memref<8x125x32xf32, #tpu.memory_space<vmem>> -> memref<1x125x32xf32, #tpu.memory_space<vmem>>
          %dma_wait3A_513 = tpu.memref_squeeze %dma_wait3A_512 : memref<1x125x32xf32, #tpu.memory_space<vmem>> -> memref<125x32xf32, #tpu.memory_space<vmem>>
          tpu.wait_dma2 semaphore(%arg24 : memref<!tpu.dma_semaphore, #tpu.memory_space<semaphore_mem>>) src(%dma_wait3A_513 : memref<125x32xf32, #tpu.memory_space<vmem>>) dst(%dma_wait3A_509 : memref<125x32xf32, #tpu.memory_space<vmem_shared>>)
        } else {
        }
        %dma_start3A_488 = arith.constant 0 : i32
        %dma_start3A_489 = arith.constant 0 : i32
        %dma_start3A_490 = arith.constant 0 : i32
        %dma_start3A_491 = tpu.memref_slice %arg11[%dma_start3A_488, %dma_start3A_489, %dma_start3A_490] : memref<8x125x32xf32, #tpu.memory_space<vmem>> -> memref<1x125x32xf32, #tpu.memory_space<vmem>>
        %dma_start3A_492 = tpu.memref_squeeze %dma_start3A_491 : memref<1x125x32xf32, #tpu.memory_space<vmem>> -> memref<125x32xf32, #tpu.memory_space<vmem>>
        %dma_start3A_493 = arith.constant 0 : i32
        %dma_start3A_494 = tpu.memref_slice %arg9[%add3A_341, %dma_start3A_493] : memref<168x125xi32, #tpu.memory_space<vmem>> -> memref<1x125xi32, #tpu.memory_space<vmem>>
        %dma_start3A_495 = tpu.memref_squeeze %dma_start3A_494 : memref<1x125xi32, #tpu.memory_space<vmem>> -> memref<125xi32, #tpu.memory_space<vmem>>
        %dma_start3A_496 = arith.constant 0 : i32
        %dma_start3A_497 = arith.constant 0 : i32
        %dma_start3A_498 = tpu.memref_slice %arg3[%dma_start3A_496, %dma_start3A_497] : memref<40000x32xf32, #tpu.memory_space<hbm>> -> memref<40000x32xf32, #tpu.memory_space<hbm>>
        tpu.enqueue_indirect_dma source(%dma_start3A_498 : memref<40000x32xf32, #tpu.memory_space<hbm>>) target(%dma_start3A_492 : memref<125x32xf32, #tpu.memory_space<vmem>>) offsets(%dma_start3A_495 : memref<125xi32, #tpu.memory_space<vmem>>) semaphore(%arg16 : memref<!tpu.dma_semaphore, #tpu.memory_space<semaphore_mem>>)
      } else {
      }
      %dma_wait3A_347 = arith.constant 4 : i32
      %dma_wait3A_348 = arith.constant 0 : i32
      %dma_wait3A_349 = arith.constant 0 : i32
      %dma_wait3A_350 = tpu.memref_slice %arg11[%dma_wait3A_347, %dma_wait3A_348, %dma_wait3A_349] : memref<8x125x32xf32, #tpu.memory_space<vmem>> -> memref<1x125x32xf32, #tpu.memory_space<vmem>>
      %dma_wait3A_351 = tpu.memref_squeeze %dma_wait3A_350 : memref<1x125x32xf32, #tpu.memory_space<vmem>> -> memref<125x32xf32, #tpu.memory_space<vmem>>
      %dma_wait3A_352 = arith.constant 0 : i32
      %dma_wait3A_353 = arith.constant 0 : i32
      %dma_wait3A_354 = tpu.memref_slice %arg3[%dma_wait3A_352, %dma_wait3A_353] : memref<40000x32xf32, #tpu.memory_space<hbm>> -> memref<125x32xf32, #tpu.memory_space<hbm>>
      %dma_wait3A_355 = arith.constant 0 : i32
      %dma_wait3A_356 = arith.constant 0 : i32
      %dma_wait3A_357 = tpu.memref_slice %arg11[%dma_wait3A_347, %dma_wait3A_355, %dma_wait3A_356] : memref<8x125x32xf32, #tpu.memory_space<vmem>> -> memref<1x125x32xf32, #tpu.memory_space<vmem>>
      %dma_wait3A_358 = tpu.memref_squeeze %dma_wait3A_357 : memref<1x125x32xf32, #tpu.memory_space<vmem>> -> memref<125x32xf32, #tpu.memory_space<vmem>>
      %dma_wait3A_359 = arith.constant 0 : i32
      %dma_wait3A_360 = arith.constant 0 : i32
      %dma_wait3A_361 = tpu.memref_slice %arg3[%dma_wait3A_359, %dma_wait3A_360] : memref<40000x32xf32, #tpu.memory_space<hbm>> -> memref<125x32xf32, #tpu.memory_space<hbm>>
      tpu.wait_dma2 semaphore(%arg20 : memref<!tpu.dma_semaphore, #tpu.memory_space<semaphore_mem>>) src(%dma_wait3A_361 : memref<125x32xf32, #tpu.memory_space<hbm>>) dst(%dma_wait3A_358 : memref<125x32xf32, #tpu.memory_space<vmem>>)
      %dma_start3A_362 = arith.constant 4 : i32
      %dma_start3A_363 = arith.constant 0 : i32
      %dma_start3A_364 = arith.constant 0 : i32
      %dma_start3A_365 = tpu.memref_slice %arg11[%dma_start3A_362, %dma_start3A_363, %dma_start3A_364] : memref<8x125x32xf32, #tpu.memory_space<vmem>> -> memref<1x125x32xf32, #tpu.memory_space<vmem>>
      %dma_start3A_366 = tpu.memref_squeeze %dma_start3A_365 : memref<1x125x32xf32, #tpu.memory_space<vmem>> -> memref<125x32xf32, #tpu.memory_space<vmem>>
      %dma_start3A_367 = arith.constant 0 : i32
      %dma_start3A_368 = tpu.memref_slice %arg10[%add3A_339, %dma_start3A_367] : memref<168x125xi32, #tpu.memory_space<vmem>> -> memref<1x125xi32, #tpu.memory_space<vmem>>
      %dma_start3A_369 = tpu.memref_squeeze %dma_start3A_368 : memref<1x125xi32, #tpu.memory_space<vmem>> -> memref<125xi32, #tpu.memory_space<vmem>>
      %dma_start3A_370 = arith.constant 0 : i32
      %dma_start3A_371 = arith.constant 0 : i32
      %dma_start3A_372 = tpu.memref_slice %arg15[%dma_start3A_370, %dma_start3A_371] : memref<10000x32xf32, #tpu.memory_space<vmem_shared>> -> memref<10000x32xf32, #tpu.memory_space<vmem_shared>>
      tpu.enqueue_indirect_dma source(%dma_start3A_366 : memref<125x32xf32, #tpu.memory_space<vmem>>) target(%dma_start3A_372 : memref<10000x32xf32, #tpu.memory_space<vmem_shared>>) offsets(%dma_start3A_369 : memref<125xi32, #tpu.memory_space<vmem>>) semaphore(%arg28 : memref<!tpu.dma_semaphore, #tpu.memory_space<semaphore_mem>>) {add = true}
      %mul3A_373 = arith.constant 8 : i32
      %mul3A_374 = arith.muli %mul3A_373, %scan3A_191 : i32
      %add3A_375 = arith.constant 5 : i32
      %add3A_376 = arith.addi %mul3A_374, %add3A_375 : i32
      %add3A_377 = arith.constant 4 : i32
      %add3A_378 = arith.addi %add3A_376, %add3A_377 : i32
      %lt3A_379 = arith.constant 168 : i32
      %lt3A_380 = arith.cmpi slt, %add3A_378, %lt3A_379 : i32
      %convert_element_type3A_381 = arith.extui %lt3A_380 : i1 to i32
      %cond3A_382 = arith.constant 0 : i32
      %cond3A_383 = arith.cmpi ne, %convert_element_type3A_381, %cond3A_382 : i32
      scf.if %cond3A_383 {
        %ge3A = arith.constant 8 : i32
        %ge3A_484 = arith.cmpi sge, %add3A_378, %ge3A : i32
        %convert_element_type3A_485 = arith.extui %ge3A_484 : i1 to i32
        %cond3A_486 = arith.constant 0 : i32
        %cond3A_487 = arith.cmpi ne, %convert_element_type3A_485, %cond3A_486 : i32
        scf.if %cond3A_487 {
          %dma_wait3A_499 = arith.constant 1 : i32
          %dma_wait3A_500 = arith.constant 0 : i32
          %dma_wait3A_501 = arith.constant 0 : i32
          %dma_wait3A_502 = tpu.memref_slice %arg11[%dma_wait3A_499, %dma_wait3A_500, %dma_wait3A_501] : memref<8x125x32xf32, #tpu.memory_space<vmem>> -> memref<1x125x32xf32, #tpu.memory_space<vmem>>
          %dma_wait3A_503 = tpu.memref_squeeze %dma_wait3A_502 : memref<1x125x32xf32, #tpu.memory_space<vmem>> -> memref<125x32xf32, #tpu.memory_space<vmem>>
          %dma_wait3A_504 = arith.constant 0 : i32
          %dma_wait3A_505 = arith.constant 0 : i32
          %dma_wait3A_506 = tpu.memref_slice %arg15[%dma_wait3A_504, %dma_wait3A_505] : memref<10000x32xf32, #tpu.memory_space<vmem_shared>> -> memref<125x32xf32, #tpu.memory_space<vmem_shared>>
          %dma_wait3A_507 = arith.constant 0 : i32
          %dma_wait3A_508 = arith.constant 0 : i32
          %dma_wait3A_509 = tpu.memref_slice %arg15[%dma_wait3A_507, %dma_wait3A_508] : memref<10000x32xf32, #tpu.memory_space<vmem_shared>> -> memref<125x32xf32, #tpu.memory_space<vmem_shared>>
          %dma_wait3A_510 = arith.constant 0 : i32
          %dma_wait3A_511 = arith.constant 0 : i32
          %dma_wait3A_512 = tpu.memref_slice %arg11[%dma_wait3A_499, %dma_wait3A_510, %dma_wait3A_511] : memref<8x125x32xf32, #tpu.memory_space<vmem>> -> memref<1x125x32xf32, #tpu.memory_space<vmem>>
          %dma_wait3A_513 = tpu.memref_squeeze %dma_wait3A_512 : memref<1x125x32xf32, #tpu.memory_space<vmem>> -> memref<125x32xf32, #tpu.memory_space<vmem>>
          tpu.wait_dma2 semaphore(%arg25 : memref<!tpu.dma_semaphore, #tpu.memory_space<semaphore_mem>>) src(%dma_wait3A_513 : memref<125x32xf32, #tpu.memory_space<vmem>>) dst(%dma_wait3A_509 : memref<125x32xf32, #tpu.memory_space<vmem_shared>>)
        } else {
        }
        %dma_start3A_488 = arith.constant 1 : i32
        %dma_start3A_489 = arith.constant 0 : i32
        %dma_start3A_490 = arith.constant 0 : i32
        %dma_start3A_491 = tpu.memref_slice %arg11[%dma_start3A_488, %dma_start3A_489, %dma_start3A_490] : memref<8x125x32xf32, #tpu.memory_space<vmem>> -> memref<1x125x32xf32, #tpu.memory_space<vmem>>
        %dma_start3A_492 = tpu.memref_squeeze %dma_start3A_491 : memref<1x125x32xf32, #tpu.memory_space<vmem>> -> memref<125x32xf32, #tpu.memory_space<vmem>>
        %dma_start3A_493 = arith.constant 0 : i32
        %dma_start3A_494 = tpu.memref_slice %arg9[%add3A_378, %dma_start3A_493] : memref<168x125xi32, #tpu.memory_space<vmem>> -> memref<1x125xi32, #tpu.memory_space<vmem>>
        %dma_start3A_495 = tpu.memref_squeeze %dma_start3A_494 : memref<1x125xi32, #tpu.memory_space<vmem>> -> memref<125xi32, #tpu.memory_space<vmem>>
        %dma_start3A_496 = arith.constant 0 : i32
        %dma_start3A_497 = arith.constant 0 : i32
        %dma_start3A_498 = tpu.memref_slice %arg3[%dma_start3A_496, %dma_start3A_497] : memref<40000x32xf32, #tpu.memory_space<hbm>> -> memref<40000x32xf32, #tpu.memory_space<hbm>>
        tpu.enqueue_indirect_dma source(%dma_start3A_498 : memref<40000x32xf32, #tpu.memory_space<hbm>>) target(%dma_start3A_492 : memref<125x32xf32, #tpu.memory_space<vmem>>) offsets(%dma_start3A_495 : memref<125xi32, #tpu.memory_space<vmem>>) semaphore(%arg17 : memref<!tpu.dma_semaphore, #tpu.memory_space<semaphore_mem>>)
      } else {
      }
      %dma_wait3A_384 = arith.constant 5 : i32
      %dma_wait3A_385 = arith.constant 0 : i32
      %dma_wait3A_386 = arith.constant 0 : i32
      %dma_wait3A_387 = tpu.memref_slice %arg11[%dma_wait3A_384, %dma_wait3A_385, %dma_wait3A_386] : memref<8x125x32xf32, #tpu.memory_space<vmem>> -> memref<1x125x32xf32, #tpu.memory_space<vmem>>
      %dma_wait3A_388 = tpu.memref_squeeze %dma_wait3A_387 : memref<1x125x32xf32, #tpu.memory_space<vmem>> -> memref<125x32xf32, #tpu.memory_space<vmem>>
      %dma_wait3A_389 = arith.constant 0 : i32
      %dma_wait3A_390 = arith.constant 0 : i32
      %dma_wait3A_391 = tpu.memref_slice %arg3[%dma_wait3A_389, %dma_wait3A_390] : memref<40000x32xf32, #tpu.memory_space<hbm>> -> memref<125x32xf32, #tpu.memory_space<hbm>>
      %dma_wait3A_392 = arith.constant 0 : i32
      %dma_wait3A_393 = arith.constant 0 : i32
      %dma_wait3A_394 = tpu.memref_slice %arg11[%dma_wait3A_384, %dma_wait3A_392, %dma_wait3A_393] : memref<8x125x32xf32, #tpu.memory_space<vmem>> -> memref<1x125x32xf32, #tpu.memory_space<vmem>>
      %dma_wait3A_395 = tpu.memref_squeeze %dma_wait3A_394 : memref<1x125x32xf32, #tpu.memory_space<vmem>> -> memref<125x32xf32, #tpu.memory_space<vmem>>
      %dma_wait3A_396 = arith.constant 0 : i32
      %dma_wait3A_397 = arith.constant 0 : i32
      %dma_wait3A_398 = tpu.memref_slice %arg3[%dma_wait3A_396, %dma_wait3A_397] : memref<40000x32xf32, #tpu.memory_space<hbm>> -> memref<125x32xf32, #tpu.memory_space<hbm>>
      tpu.wait_dma2 semaphore(%arg21 : memref<!tpu.dma_semaphore, #tpu.memory_space<semaphore_mem>>) src(%dma_wait3A_398 : memref<125x32xf32, #tpu.memory_space<hbm>>) dst(%dma_wait3A_395 : memref<125x32xf32, #tpu.memory_space<vmem>>)
      %dma_start3A_399 = arith.constant 5 : i32
      %dma_start3A_400 = arith.constant 0 : i32
      %dma_start3A_401 = arith.constant 0 : i32
      %dma_start3A_402 = tpu.memref_slice %arg11[%dma_start3A_399, %dma_start3A_400, %dma_start3A_401] : memref<8x125x32xf32, #tpu.memory_space<vmem>> -> memref<1x125x32xf32, #tpu.memory_space<vmem>>
      %dma_start3A_403 = tpu.memref_squeeze %dma_start3A_402 : memref<1x125x32xf32, #tpu.memory_space<vmem>> -> memref<125x32xf32, #tpu.memory_space<vmem>>
      %dma_start3A_404 = arith.constant 0 : i32
      %dma_start3A_405 = tpu.memref_slice %arg10[%add3A_376, %dma_start3A_404] : memref<168x125xi32, #tpu.memory_space<vmem>> -> memref<1x125xi32, #tpu.memory_space<vmem>>
      %dma_start3A_406 = tpu.memref_squeeze %dma_start3A_405 : memref<1x125xi32, #tpu.memory_space<vmem>> -> memref<125xi32, #tpu.memory_space<vmem>>
      %dma_start3A_407 = arith.constant 0 : i32
      %dma_start3A_408 = arith.constant 0 : i32
      %dma_start3A_409 = tpu.memref_slice %arg15[%dma_start3A_407, %dma_start3A_408] : memref<10000x32xf32, #tpu.memory_space<vmem_shared>> -> memref<10000x32xf32, #tpu.memory_space<vmem_shared>>
      tpu.enqueue_indirect_dma source(%dma_start3A_403 : memref<125x32xf32, #tpu.memory_space<vmem>>) target(%dma_start3A_409 : memref<10000x32xf32, #tpu.memory_space<vmem_shared>>) offsets(%dma_start3A_406 : memref<125xi32, #tpu.memory_space<vmem>>) semaphore(%arg29 : memref<!tpu.dma_semaphore, #tpu.memory_space<semaphore_mem>>) {add = true}
      %mul3A_410 = arith.constant 8 : i32
      %mul3A_411 = arith.muli %mul3A_410, %scan3A_191 : i32
      %add3A_412 = arith.constant 6 : i32
      %add3A_413 = arith.addi %mul3A_411, %add3A_412 : i32
      %add3A_414 = arith.constant 4 : i32
      %add3A_415 = arith.addi %add3A_413, %add3A_414 : i32
      %lt3A_416 = arith.constant 168 : i32
      %lt3A_417 = arith.cmpi slt, %add3A_415, %lt3A_416 : i32
      %convert_element_type3A_418 = arith.extui %lt3A_417 : i1 to i32
      %cond3A_419 = arith.constant 0 : i32
      %cond3A_420 = arith.cmpi ne, %convert_element_type3A_418, %cond3A_419 : i32
      scf.if %cond3A_420 {
        %ge3A = arith.constant 8 : i32
        %ge3A_484 = arith.cmpi sge, %add3A_415, %ge3A : i32
        %convert_element_type3A_485 = arith.extui %ge3A_484 : i1 to i32
        %cond3A_486 = arith.constant 0 : i32
        %cond3A_487 = arith.cmpi ne, %convert_element_type3A_485, %cond3A_486 : i32
        scf.if %cond3A_487 {
          %dma_wait3A_499 = arith.constant 2 : i32
          %dma_wait3A_500 = arith.constant 0 : i32
          %dma_wait3A_501 = arith.constant 0 : i32
          %dma_wait3A_502 = tpu.memref_slice %arg11[%dma_wait3A_499, %dma_wait3A_500, %dma_wait3A_501] : memref<8x125x32xf32, #tpu.memory_space<vmem>> -> memref<1x125x32xf32, #tpu.memory_space<vmem>>
          %dma_wait3A_503 = tpu.memref_squeeze %dma_wait3A_502 : memref<1x125x32xf32, #tpu.memory_space<vmem>> -> memref<125x32xf32, #tpu.memory_space<vmem>>
          %dma_wait3A_504 = arith.constant 0 : i32
          %dma_wait3A_505 = arith.constant 0 : i32
          %dma_wait3A_506 = tpu.memref_slice %arg15[%dma_wait3A_504, %dma_wait3A_505] : memref<10000x32xf32, #tpu.memory_space<vmem_shared>> -> memref<125x32xf32, #tpu.memory_space<vmem_shared>>
          %dma_wait3A_507 = arith.constant 0 : i32
          %dma_wait3A_508 = arith.constant 0 : i32
          %dma_wait3A_509 = tpu.memref_slice %arg15[%dma_wait3A_507, %dma_wait3A_508] : memref<10000x32xf32, #tpu.memory_space<vmem_shared>> -> memref<125x32xf32, #tpu.memory_space<vmem_shared>>
          %dma_wait3A_510 = arith.constant 0 : i32
          %dma_wait3A_511 = arith.constant 0 : i32
          %dma_wait3A_512 = tpu.memref_slice %arg11[%dma_wait3A_499, %dma_wait3A_510, %dma_wait3A_511] : memref<8x125x32xf32, #tpu.memory_space<vmem>> -> memref<1x125x32xf32, #tpu.memory_space<vmem>>
          %dma_wait3A_513 = tpu.memref_squeeze %dma_wait3A_512 : memref<1x125x32xf32, #tpu.memory_space<vmem>> -> memref<125x32xf32, #tpu.memory_space<vmem>>
          tpu.wait_dma2 semaphore(%arg26 : memref<!tpu.dma_semaphore, #tpu.memory_space<semaphore_mem>>) src(%dma_wait3A_513 : memref<125x32xf32, #tpu.memory_space<vmem>>) dst(%dma_wait3A_509 : memref<125x32xf32, #tpu.memory_space<vmem_shared>>)
        } else {
        }
        %dma_start3A_488 = arith.constant 2 : i32
        %dma_start3A_489 = arith.constant 0 : i32
        %dma_start3A_490 = arith.constant 0 : i32
        %dma_start3A_491 = tpu.memref_slice %arg11[%dma_start3A_488, %dma_start3A_489, %dma_start3A_490] : memref<8x125x32xf32, #tpu.memory_space<vmem>> -> memref<1x125x32xf32, #tpu.memory_space<vmem>>
        %dma_start3A_492 = tpu.memref_squeeze %dma_start3A_491 : memref<1x125x32xf32, #tpu.memory_space<vmem>> -> memref<125x32xf32, #tpu.memory_space<vmem>>
        %dma_start3A_493 = arith.constant 0 : i32
        %dma_start3A_494 = tpu.memref_slice %arg9[%add3A_415, %dma_start3A_493] : memref<168x125xi32, #tpu.memory_space<vmem>> -> memref<1x125xi32, #tpu.memory_space<vmem>>
        %dma_start3A_495 = tpu.memref_squeeze %dma_start3A_494 : memref<1x125xi32, #tpu.memory_space<vmem>> -> memref<125xi32, #tpu.memory_space<vmem>>
        %dma_start3A_496 = arith.constant 0 : i32
        %dma_start3A_497 = arith.constant 0 : i32
        %dma_start3A_498 = tpu.memref_slice %arg3[%dma_start3A_496, %dma_start3A_497] : memref<40000x32xf32, #tpu.memory_space<hbm>> -> memref<40000x32xf32, #tpu.memory_space<hbm>>
        tpu.enqueue_indirect_dma source(%dma_start3A_498 : memref<40000x32xf32, #tpu.memory_space<hbm>>) target(%dma_start3A_492 : memref<125x32xf32, #tpu.memory_space<vmem>>) offsets(%dma_start3A_495 : memref<125xi32, #tpu.memory_space<vmem>>) semaphore(%arg18 : memref<!tpu.dma_semaphore, #tpu.memory_space<semaphore_mem>>)
      } else {
      }
      %dma_wait3A_421 = arith.constant 6 : i32
      %dma_wait3A_422 = arith.constant 0 : i32
      %dma_wait3A_423 = arith.constant 0 : i32
      %dma_wait3A_424 = tpu.memref_slice %arg11[%dma_wait3A_421, %dma_wait3A_422, %dma_wait3A_423] : memref<8x125x32xf32, #tpu.memory_space<vmem>> -> memref<1x125x32xf32, #tpu.memory_space<vmem>>
      %dma_wait3A_425 = tpu.memref_squeeze %dma_wait3A_424 : memref<1x125x32xf32, #tpu.memory_space<vmem>> -> memref<125x32xf32, #tpu.memory_space<vmem>>
      %dma_wait3A_426 = arith.constant 0 : i32
      %dma_wait3A_427 = arith.constant 0 : i32
      %dma_wait3A_428 = tpu.memref_slice %arg3[%dma_wait3A_426, %dma_wait3A_427] : memref<40000x32xf32, #tpu.memory_space<hbm>> -> memref<125x32xf32, #tpu.memory_space<hbm>>
      %dma_wait3A_429 = arith.constant 0 : i32
      %dma_wait3A_430 = arith.constant 0 : i32
      %dma_wait3A_431 = tpu.memref_slice %arg11[%dma_wait3A_421, %dma_wait3A_429, %dma_wait3A_430] : memref<8x125x32xf32, #tpu.memory_space<vmem>> -> memref<1x125x32xf32, #tpu.memory_space<vmem>>
      %dma_wait3A_432 = tpu.memref_squeeze %dma_wait3A_431 : memref<1x125x32xf32, #tpu.memory_space<vmem>> -> memref<125x32xf32, #tpu.memory_space<vmem>>
      %dma_wait3A_433 = arith.constant 0 : i32
      %dma_wait3A_434 = arith.constant 0 : i32
      %dma_wait3A_435 = tpu.memref_slice %arg3[%dma_wait3A_433, %dma_wait3A_434] : memref<40000x32xf32, #tpu.memory_space<hbm>> -> memref<125x32xf32, #tpu.memory_space<hbm>>
      tpu.wait_dma2 semaphore(%arg22 : memref<!tpu.dma_semaphore, #tpu.memory_space<semaphore_mem>>) src(%dma_wait3A_435 : memref<125x32xf32, #tpu.memory_space<hbm>>) dst(%dma_wait3A_432 : memref<125x32xf32, #tpu.memory_space<vmem>>)
      %dma_start3A_436 = arith.constant 6 : i32
      %dma_start3A_437 = arith.constant 0 : i32
      %dma_start3A_438 = arith.constant 0 : i32
      %dma_start3A_439 = tpu.memref_slice %arg11[%dma_start3A_436, %dma_start3A_437, %dma_start3A_438] : memref<8x125x32xf32, #tpu.memory_space<vmem>> -> memref<1x125x32xf32, #tpu.memory_space<vmem>>
      %dma_start3A_440 = tpu.memref_squeeze %dma_start3A_439 : memref<1x125x32xf32, #tpu.memory_space<vmem>> -> memref<125x32xf32, #tpu.memory_space<vmem>>
      %dma_start3A_441 = arith.constant 0 : i32
      %dma_start3A_442 = tpu.memref_slice %arg10[%add3A_413, %dma_start3A_441] : memref<168x125xi32, #tpu.memory_space<vmem>> -> memref<1x125xi32, #tpu.memory_space<vmem>>
      %dma_start3A_443 = tpu.memref_squeeze %dma_start3A_442 : memref<1x125xi32, #tpu.memory_space<vmem>> -> memref<125xi32, #tpu.memory_space<vmem>>
      %dma_start3A_444 = arith.constant 0 : i32
      %dma_start3A_445 = arith.constant 0 : i32
      %dma_start3A_446 = tpu.memref_slice %arg15[%dma_start3A_444, %dma_start3A_445] : memref<10000x32xf32, #tpu.memory_space<vmem_shared>> -> memref<10000x32xf32, #tpu.memory_space<vmem_shared>>
      tpu.enqueue_indirect_dma source(%dma_start3A_440 : memref<125x32xf32, #tpu.memory_space<vmem>>) target(%dma_start3A_446 : memref<10000x32xf32, #tpu.memory_space<vmem_shared>>) offsets(%dma_start3A_443 : memref<125xi32, #tpu.memory_space<vmem>>) semaphore(%arg30 : memref<!tpu.dma_semaphore, #tpu.memory_space<semaphore_mem>>) {add = true}
      %mul3A_447 = arith.constant 8 : i32
      %mul3A_448 = arith.muli %mul3A_447, %scan3A_191 : i32
      %add3A_449 = arith.constant 7 : i32
      %add3A_450 = arith.addi %mul3A_448, %add3A_449 : i32
      %add3A_451 = arith.constant 4 : i32
      %add3A_452 = arith.addi %add3A_450, %add3A_451 : i32
      %lt3A_453 = arith.constant 168 : i32
      %lt3A_454 = arith.cmpi slt, %add3A_452, %lt3A_453 : i32
      %convert_element_type3A_455 = arith.extui %lt3A_454 : i1 to i32
      %cond3A_456 = arith.constant 0 : i32
      %cond3A_457 = arith.cmpi ne, %convert_element_type3A_455, %cond3A_456 : i32
      scf.if %cond3A_457 {
        %ge3A = arith.constant 8 : i32
        %ge3A_484 = arith.cmpi sge, %add3A_452, %ge3A : i32
        %convert_element_type3A_485 = arith.extui %ge3A_484 : i1 to i32
        %cond3A_486 = arith.constant 0 : i32
        %cond3A_487 = arith.cmpi ne, %convert_element_type3A_485, %cond3A_486 : i32
        scf.if %cond3A_487 {
          %dma_wait3A_499 = arith.constant 3 : i32
          %dma_wait3A_500 = arith.constant 0 : i32
          %dma_wait3A_501 = arith.constant 0 : i32
          %dma_wait3A_502 = tpu.memref_slice %arg11[%dma_wait3A_499, %dma_wait3A_500, %dma_wait3A_501] : memref<8x125x32xf32, #tpu.memory_space<vmem>> -> memref<1x125x32xf32, #tpu.memory_space<vmem>>
          %dma_wait3A_503 = tpu.memref_squeeze %dma_wait3A_502 : memref<1x125x32xf32, #tpu.memory_space<vmem>> -> memref<125x32xf32, #tpu.memory_space<vmem>>
          %dma_wait3A_504 = arith.constant 0 : i32
          %dma_wait3A_505 = arith.constant 0 : i32
          %dma_wait3A_506 = tpu.memref_slice %arg15[%dma_wait3A_504, %dma_wait3A_505] : memref<10000x32xf32, #tpu.memory_space<vmem_shared>> -> memref<125x32xf32, #tpu.memory_space<vmem_shared>>
          %dma_wait3A_507 = arith.constant 0 : i32
          %dma_wait3A_508 = arith.constant 0 : i32
          %dma_wait3A_509 = tpu.memref_slice %arg15[%dma_wait3A_507, %dma_wait3A_508] : memref<10000x32xf32, #tpu.memory_space<vmem_shared>> -> memref<125x32xf32, #tpu.memory_space<vmem_shared>>
          %dma_wait3A_510 = arith.constant 0 : i32
          %dma_wait3A_511 = arith.constant 0 : i32
          %dma_wait3A_512 = tpu.memref_slice %arg11[%dma_wait3A_499, %dma_wait3A_510, %dma_wait3A_511] : memref<8x125x32xf32, #tpu.memory_space<vmem>> -> memref<1x125x32xf32, #tpu.memory_space<vmem>>
          %dma_wait3A_513 = tpu.memref_squeeze %dma_wait3A_512 : memref<1x125x32xf32, #tpu.memory_space<vmem>> -> memref<125x32xf32, #tpu.memory_space<vmem>>
          tpu.wait_dma2 semaphore(%arg27 : memref<!tpu.dma_semaphore, #tpu.memory_space<semaphore_mem>>) src(%dma_wait3A_513 : memref<125x32xf32, #tpu.memory_space<vmem>>) dst(%dma_wait3A_509 : memref<125x32xf32, #tpu.memory_space<vmem_shared>>)
        } else {
        }
        %dma_start3A_488 = arith.constant 3 : i32
        %dma_start3A_489 = arith.constant 0 : i32
        %dma_start3A_490 = arith.constant 0 : i32
        %dma_start3A_491 = tpu.memref_slice %arg11[%dma_start3A_488, %dma_start3A_489, %dma_start3A_490] : memref<8x125x32xf32, #tpu.memory_space<vmem>> -> memref<1x125x32xf32, #tpu.memory_space<vmem>>
        %dma_start3A_492 = tpu.memref_squeeze %dma_start3A_491 : memref<1x125x32xf32, #tpu.memory_space<vmem>> -> memref<125x32xf32, #tpu.memory_space<vmem>>
        %dma_start3A_493 = arith.constant 0 : i32
        %dma_start3A_494 = tpu.memref_slice %arg9[%add3A_452, %dma_start3A_493] : memref<168x125xi32, #tpu.memory_space<vmem>> -> memref<1x125xi32, #tpu.memory_space<vmem>>
        %dma_start3A_495 = tpu.memref_squeeze %dma_start3A_494 : memref<1x125xi32, #tpu.memory_space<vmem>> -> memref<125xi32, #tpu.memory_space<vmem>>
        %dma_start3A_496 = arith.constant 0 : i32
        %dma_start3A_497 = arith.constant 0 : i32
        %dma_start3A_498 = tpu.memref_slice %arg3[%dma_start3A_496, %dma_start3A_497] : memref<40000x32xf32, #tpu.memory_space<hbm>> -> memref<40000x32xf32, #tpu.memory_space<hbm>>
        tpu.enqueue_indirect_dma source(%dma_start3A_498 : memref<40000x32xf32, #tpu.memory_space<hbm>>) target(%dma_start3A_492 : memref<125x32xf32, #tpu.memory_space<vmem>>) offsets(%dma_start3A_495 : memref<125xi32, #tpu.memory_space<vmem>>) semaphore(%arg19 : memref<!tpu.dma_semaphore, #tpu.memory_space<semaphore_mem>>)
      } else {
      }
      %dma_wait3A_458 = arith.constant 7 : i32
      %dma_wait3A_459 = arith.constant 0 : i32
      %dma_wait3A_460 = arith.constant 0 : i32
      %dma_wait3A_461 = tpu.memref_slice %arg11[%dma_wait3A_458, %dma_wait3A_459, %dma_wait3A_460] : memref<8x125x32xf32, #tpu.memory_space<vmem>> -> memref<1x125x32xf32, #tpu.memory_space<vmem>>
      %dma_wait3A_462 = tpu.memref_squeeze %dma_wait3A_461 : memref<1x125x32xf32, #tpu.memory_space<vmem>> -> memref<125x32xf32, #tpu.memory_space<vmem>>
      %dma_wait3A_463 = arith.constant 0 : i32
      %dma_wait3A_464 = arith.constant 0 : i32
      %dma_wait3A_465 = tpu.memref_slice %arg3[%dma_wait3A_463, %dma_wait3A_464] : memref<40000x32xf32, #tpu.memory_space<hbm>> -> memref<125x32xf32, #tpu.memory_space<hbm>>
      %dma_wait3A_466 = arith.constant 0 : i32
      %dma_wait3A_467 = arith.constant 0 : i32
      %dma_wait3A_468 = tpu.memref_slice %arg11[%dma_wait3A_458, %dma_wait3A_466, %dma_wait3A_467] : memref<8x125x32xf32, #tpu.memory_space<vmem>> -> memref<1x125x32xf32, #tpu.memory_space<vmem>>
      %dma_wait3A_469 = tpu.memref_squeeze %dma_wait3A_468 : memref<1x125x32xf32, #tpu.memory_space<vmem>> -> memref<125x32xf32, #tpu.memory_space<vmem>>
      %dma_wait3A_470 = arith.constant 0 : i32
      %dma_wait3A_471 = arith.constant 0 : i32
      %dma_wait3A_472 = tpu.memref_slice %arg3[%dma_wait3A_470, %dma_wait3A_471] : memref<40000x32xf32, #tpu.memory_space<hbm>> -> memref<125x32xf32, #tpu.memory_space<hbm>>
      tpu.wait_dma2 semaphore(%arg23 : memref<!tpu.dma_semaphore, #tpu.memory_space<semaphore_mem>>) src(%dma_wait3A_472 : memref<125x32xf32, #tpu.memory_space<hbm>>) dst(%dma_wait3A_469 : memref<125x32xf32, #tpu.memory_space<vmem>>)
      %dma_start3A_473 = arith.constant 7 : i32
      %dma_start3A_474 = arith.constant 0 : i32
      %dma_start3A_475 = arith.constant 0 : i32
      %dma_start3A_476 = tpu.memref_slice %arg11[%dma_start3A_473, %dma_start3A_474, %dma_start3A_475] : memref<8x125x32xf32, #tpu.memory_space<vmem>> -> memref<1x125x32xf32, #tpu.memory_space<vmem>>
      %dma_start3A_477 = tpu.memref_squeeze %dma_start3A_476 : memref<1x125x32xf32, #tpu.memory_space<vmem>> -> memref<125x32xf32, #tpu.memory_space<vmem>>
      %dma_start3A_478 = arith.constant 0 : i32
      %dma_start3A_479 = tpu.memref_slice %arg10[%add3A_450, %dma_start3A_478] : memref<168x125xi32, #tpu.memory_space<vmem>> -> memref<1x125xi32, #tpu.memory_space<vmem>>
      %dma_start3A_480 = tpu.memref_squeeze %dma_start3A_479 : memref<1x125xi32, #tpu.memory_space<vmem>> -> memref<125xi32, #tpu.memory_space<vmem>>
      %dma_start3A_481 = arith.constant 0 : i32
      %dma_start3A_482 = arith.constant 0 : i32
      %dma_start3A_483 = tpu.memref_slice %arg15[%dma_start3A_481, %dma_start3A_482] : memref<10000x32xf32, #tpu.memory_space<vmem_shared>> -> memref<10000x32xf32, #tpu.memory_space<vmem_shared>>
      tpu.enqueue_indirect_dma source(%dma_start3A_477 : memref<125x32xf32, #tpu.memory_space<vmem>>) target(%dma_start3A_483 : memref<10000x32xf32, #tpu.memory_space<vmem_shared>>) offsets(%dma_start3A_480 : memref<125xi32, #tpu.memory_space<vmem>>) semaphore(%arg31 : memref<!tpu.dma_semaphore, #tpu.memory_space<semaphore_mem>>) {add = true}
    }
    %scan3A_53 = arith.constant 21 : i32
    %dma_wait3A = arith.constant 0 : i32
    %dma_wait3A_54 = arith.constant 0 : i32
    %dma_wait3A_55 = arith.constant 0 : i32
    %dma_wait3A_56 = tpu.memref_slice %arg11[%dma_wait3A, %dma_wait3A_54, %dma_wait3A_55] : memref<8x125x32xf32, #tpu.memory_space<vmem>> -> memref<1x125x32xf32, #tpu.memory_space<vmem>>
    %dma_wait3A_57 = tpu.memref_squeeze %dma_wait3A_56 : memref<1x125x32xf32, #tpu.memory_space<vmem>> -> memref<125x32xf32, #tpu.memory_space<vmem>>
    %dma_wait3A_58 = arith.constant 0 : i32
    %dma_wait3A_59 = arith.constant 0 : i32
    %dma_wait3A_60 = tpu.memref_slice %arg15[%dma_wait3A_58, %dma_wait3A_59] : memref<10000x32xf32, #tpu.memory_space<vmem_shared>> -> memref<125x32xf32, #tpu.memory_space<vmem_shared>>
    %dma_wait3A_61 = arith.constant 0 : i32
    %dma_wait3A_62 = arith.constant 0 : i32
    %dma_wait3A_63 = tpu.memref_slice %arg15[%dma_wait3A_61, %dma_wait3A_62] : memref<10000x32xf32, #tpu.memory_space<vmem_shared>> -> memref<125x32xf32, #tpu.memory_space<vmem_shared>>
    %dma_wait3A_64 = arith.constant 0 : i32
    %dma_wait3A_65 = arith.constant 0 : i32
    %dma_wait3A_66 = tpu.memref_slice %arg11[%dma_wait3A, %dma_wait3A_64, %dma_wait3A_65] : memref<8x125x32xf32, #tpu.memory_space<vmem>> -> memref<1x125x32xf32, #tpu.memory_space<vmem>>
    %dma_wait3A_67 = tpu.memref_squeeze %dma_wait3A_66 : memref<1x125x32xf32, #tpu.memory_space<vmem>> -> memref<125x32xf32, #tpu.memory_space<vmem>>
    tpu.wait_dma2 semaphore(%arg24 : memref<!tpu.dma_semaphore, #tpu.memory_space<semaphore_mem>>) src(%dma_wait3A_67 : memref<125x32xf32, #tpu.memory_space<vmem>>) dst(%dma_wait3A_63 : memref<125x32xf32, #tpu.memory_space<vmem_shared>>)
    %dma_wait3A_68 = arith.constant 1 : i32
    %dma_wait3A_69 = arith.constant 0 : i32
    %dma_wait3A_70 = arith.constant 0 : i32
    %dma_wait3A_71 = tpu.memref_slice %arg11[%dma_wait3A_68, %dma_wait3A_69, %dma_wait3A_70] : memref<8x125x32xf32, #tpu.memory_space<vmem>> -> memref<1x125x32xf32, #tpu.memory_space<vmem>>
    %dma_wait3A_72 = tpu.memref_squeeze %dma_wait3A_71 : memref<1x125x32xf32, #tpu.memory_space<vmem>> -> memref<125x32xf32, #tpu.memory_space<vmem>>
    %dma_wait3A_73 = arith.constant 0 : i32
    %dma_wait3A_74 = arith.constant 0 : i32
    %dma_wait3A_75 = tpu.memref_slice %arg15[%dma_wait3A_73, %dma_wait3A_74] : memref<10000x32xf32, #tpu.memory_space<vmem_shared>> -> memref<125x32xf32, #tpu.memory_space<vmem_shared>>
    %dma_wait3A_76 = arith.constant 0 : i32
    %dma_wait3A_77 = arith.constant 0 : i32
    %dma_wait3A_78 = tpu.memref_slice %arg15[%dma_wait3A_76, %dma_wait3A_77] : memref<10000x32xf32, #tpu.memory_space<vmem_shared>> -> memref<125x32xf32, #tpu.memory_space<vmem_shared>>
    %dma_wait3A_79 = arith.constant 0 : i32
    %dma_wait3A_80 = arith.constant 0 : i32
    %dma_wait3A_81 = tpu.memref_slice %arg11[%dma_wait3A_68, %dma_wait3A_79, %dma_wait3A_80] : memref<8x125x32xf32, #tpu.memory_space<vmem>> -> memref<1x125x32xf32, #tpu.memory_space<vmem>>
    %dma_wait3A_82 = tpu.memref_squeeze %dma_wait3A_81 : memref<1x125x32xf32, #tpu.memory_space<vmem>> -> memref<125x32xf32, #tpu.memory_space<vmem>>
    tpu.wait_dma2 semaphore(%arg25 : memref<!tpu.dma_semaphore, #tpu.memory_space<semaphore_mem>>) src(%dma_wait3A_82 : memref<125x32xf32, #tpu.memory_space<vmem>>) dst(%dma_wait3A_78 : memref<125x32xf32, #tpu.memory_space<vmem_shared>>)
    %dma_wait3A_83 = arith.constant 2 : i32
    %dma_wait3A_84 = arith.constant 0 : i32
    %dma_wait3A_85 = arith.constant 0 : i32
    %dma_wait3A_86 = tpu.memref_slice %arg11[%dma_wait3A_83, %dma_wait3A_84, %dma_wait3A_85] : memref<8x125x32xf32, #tpu.memory_space<vmem>> -> memref<1x125x32xf32, #tpu.memory_space<vmem>>
    %dma_wait3A_87 = tpu.memref_squeeze %dma_wait3A_86 : memref<1x125x32xf32, #tpu.memory_space<vmem>> -> memref<125x32xf32, #tpu.memory_space<vmem>>
    %dma_wait3A_88 = arith.constant 0 : i32
    %dma_wait3A_89 = arith.constant 0 : i32
    %dma_wait3A_90 = tpu.memref_slice %arg15[%dma_wait3A_88, %dma_wait3A_89] : memref<10000x32xf32, #tpu.memory_space<vmem_shared>> -> memref<125x32xf32, #tpu.memory_space<vmem_shared>>
    %dma_wait3A_91 = arith.constant 0 : i32
    %dma_wait3A_92 = arith.constant 0 : i32
    %dma_wait3A_93 = tpu.memref_slice %arg15[%dma_wait3A_91, %dma_wait3A_92] : memref<10000x32xf32, #tpu.memory_space<vmem_shared>> -> memref<125x32xf32, #tpu.memory_space<vmem_shared>>
    %dma_wait3A_94 = arith.constant 0 : i32
    %dma_wait3A_95 = arith.constant 0 : i32
    %dma_wait3A_96 = tpu.memref_slice %arg11[%dma_wait3A_83, %dma_wait3A_94, %dma_wait3A_95] : memref<8x125x32xf32, #tpu.memory_space<vmem>> -> memref<1x125x32xf32, #tpu.memory_space<vmem>>
    %dma_wait3A_97 = tpu.memref_squeeze %dma_wait3A_96 : memref<1x125x32xf32, #tpu.memory_space<vmem>> -> memref<125x32xf32, #tpu.memory_space<vmem>>
    tpu.wait_dma2 semaphore(%arg26 : memref<!tpu.dma_semaphore, #tpu.memory_space<semaphore_mem>>) src(%dma_wait3A_97 : memref<125x32xf32, #tpu.memory_space<vmem>>) dst(%dma_wait3A_93 : memref<125x32xf32, #tpu.memory_space<vmem_shared>>)
    %dma_wait3A_98 = arith.constant 3 : i32
    %dma_wait3A_99 = arith.constant 0 : i32
    %dma_wait3A_100 = arith.constant 0 : i32
    %dma_wait3A_101 = tpu.memref_slice %arg11[%dma_wait3A_98, %dma_wait3A_99, %dma_wait3A_100] : memref<8x125x32xf32, #tpu.memory_space<vmem>> -> memref<1x125x32xf32, #tpu.memory_space<vmem>>
    %dma_wait3A_102 = tpu.memref_squeeze %dma_wait3A_101 : memref<1x125x32xf32, #tpu.memory_space<vmem>> -> memref<125x32xf32, #tpu.memory_space<vmem>>
    %dma_wait3A_103 = arith.constant 0 : i32
    %dma_wait3A_104 = arith.constant 0 : i32
    %dma_wait3A_105 = tpu.memref_slice %arg15[%dma_wait3A_103, %dma_wait3A_104] : memref<10000x32xf32, #tpu.memory_space<vmem_shared>> -> memref<125x32xf32, #tpu.memory_space<vmem_shared>>
    %dma_wait3A_106 = arith.constant 0 : i32
    %dma_wait3A_107 = arith.constant 0 : i32
    %dma_wait3A_108 = tpu.memref_slice %arg15[%dma_wait3A_106, %dma_wait3A_107] : memref<10000x32xf32, #tpu.memory_space<vmem_shared>> -> memref<125x32xf32, #tpu.memory_space<vmem_shared>>
    %dma_wait3A_109 = arith.constant 0 : i32
    %dma_wait3A_110 = arith.constant 0 : i32
    %dma_wait3A_111 = tpu.memref_slice %arg11[%dma_wait3A_98, %dma_wait3A_109, %dma_wait3A_110] : memref<8x125x32xf32, #tpu.memory_space<vmem>> -> memref<1x125x32xf32, #tpu.memory_space<vmem>>
    %dma_wait3A_112 = tpu.memref_squeeze %dma_wait3A_111 : memref<1x125x32xf32, #tpu.memory_space<vmem>> -> memref<125x32xf32, #tpu.memory_space<vmem>>
    tpu.wait_dma2 semaphore(%arg27 : memref<!tpu.dma_semaphore, #tpu.memory_space<semaphore_mem>>) src(%dma_wait3A_112 : memref<125x32xf32, #tpu.memory_space<vmem>>) dst(%dma_wait3A_108 : memref<125x32xf32, #tpu.memory_space<vmem_shared>>)
    %dma_wait3A_113 = arith.constant 4 : i32
    %dma_wait3A_114 = arith.constant 0 : i32
    %dma_wait3A_115 = arith.constant 0 : i32
    %dma_wait3A_116 = tpu.memref_slice %arg11[%dma_wait3A_113, %dma_wait3A_114, %dma_wait3A_115] : memref<8x125x32xf32, #tpu.memory_space<vmem>> -> memref<1x125x32xf32, #tpu.memory_space<vmem>>
    %dma_wait3A_117 = tpu.memref_squeeze %dma_wait3A_116 : memref<1x125x32xf32, #tpu.memory_space<vmem>> -> memref<125x32xf32, #tpu.memory_space<vmem>>
    %dma_wait3A_118 = arith.constant 0 : i32
    %dma_wait3A_119 = arith.constant 0 : i32
    %dma_wait3A_120 = tpu.memref_slice %arg15[%dma_wait3A_118, %dma_wait3A_119] : memref<10000x32xf32, #tpu.memory_space<vmem_shared>> -> memref<125x32xf32, #tpu.memory_space<vmem_shared>>
    %dma_wait3A_121 = arith.constant 0 : i32
    %dma_wait3A_122 = arith.constant 0 : i32
    %dma_wait3A_123 = tpu.memref_slice %arg15[%dma_wait3A_121, %dma_wait3A_122] : memref<10000x32xf32, #tpu.memory_space<vmem_shared>> -> memref<125x32xf32, #tpu.memory_space<vmem_shared>>
    %dma_wait3A_124 = arith.constant 0 : i32
    %dma_wait3A_125 = arith.constant 0 : i32
    %dma_wait3A_126 = tpu.memref_slice %arg11[%dma_wait3A_113, %dma_wait3A_124, %dma_wait3A_125] : memref<8x125x32xf32, #tpu.memory_space<vmem>> -> memref<1x125x32xf32, #tpu.memory_space<vmem>>
    %dma_wait3A_127 = tpu.memref_squeeze %dma_wait3A_126 : memref<1x125x32xf32, #tpu.memory_space<vmem>> -> memref<125x32xf32, #tpu.memory_space<vmem>>
    tpu.wait_dma2 semaphore(%arg28 : memref<!tpu.dma_semaphore, #tpu.memory_space<semaphore_mem>>) src(%dma_wait3A_127 : memref<125x32xf32, #tpu.memory_space<vmem>>) dst(%dma_wait3A_123 : memref<125x32xf32, #tpu.memory_space<vmem_shared>>)
    %dma_wait3A_128 = arith.constant 5 : i32
    %dma_wait3A_129 = arith.constant 0 : i32
    %dma_wait3A_130 = arith.constant 0 : i32
    %dma_wait3A_131 = tpu.memref_slice %arg11[%dma_wait3A_128, %dma_wait3A_129, %dma_wait3A_130] : memref<8x125x32xf32, #tpu.memory_space<vmem>> -> memref<1x125x32xf32, #tpu.memory_space<vmem>>
    %dma_wait3A_132 = tpu.memref_squeeze %dma_wait3A_131 : memref<1x125x32xf32, #tpu.memory_space<vmem>> -> memref<125x32xf32, #tpu.memory_space<vmem>>
    %dma_wait3A_133 = arith.constant 0 : i32
    %dma_wait3A_134 = arith.constant 0 : i32
    %dma_wait3A_135 = tpu.memref_slice %arg15[%dma_wait3A_133, %dma_wait3A_134] : memref<10000x32xf32, #tpu.memory_space<vmem_shared>> -> memref<125x32xf32, #tpu.memory_space<vmem_shared>>
    %dma_wait3A_136 = arith.constant 0 : i32
    %dma_wait3A_137 = arith.constant 0 : i32
    %dma_wait3A_138 = tpu.memref_slice %arg15[%dma_wait3A_136, %dma_wait3A_137] : memref<10000x32xf32, #tpu.memory_space<vmem_shared>> -> memref<125x32xf32, #tpu.memory_space<vmem_shared>>
    %dma_wait3A_139 = arith.constant 0 : i32
    %dma_wait3A_140 = arith.constant 0 : i32
    %dma_wait3A_141 = tpu.memref_slice %arg11[%dma_wait3A_128, %dma_wait3A_139, %dma_wait3A_140] : memref<8x125x32xf32, #tpu.memory_space<vmem>> -> memref<1x125x32xf32, #tpu.memory_space<vmem>>
    %dma_wait3A_142 = tpu.memref_squeeze %dma_wait3A_141 : memref<1x125x32xf32, #tpu.memory_space<vmem>> -> memref<125x32xf32, #tpu.memory_space<vmem>>
    tpu.wait_dma2 semaphore(%arg29 : memref<!tpu.dma_semaphore, #tpu.memory_space<semaphore_mem>>) src(%dma_wait3A_142 : memref<125x32xf32, #tpu.memory_space<vmem>>) dst(%dma_wait3A_138 : memref<125x32xf32, #tpu.memory_space<vmem_shared>>)
    %dma_wait3A_143 = arith.constant 6 : i32
    %dma_wait3A_144 = arith.constant 0 : i32
    %dma_wait3A_145 = arith.constant 0 : i32
    %dma_wait3A_146 = tpu.memref_slice %arg11[%dma_wait3A_143, %dma_wait3A_144, %dma_wait3A_145] : memref<8x125x32xf32, #tpu.memory_space<vmem>> -> memref<1x125x32xf32, #tpu.memory_space<vmem>>
    %dma_wait3A_147 = tpu.memref_squeeze %dma_wait3A_146 : memref<1x125x32xf32, #tpu.memory_space<vmem>> -> memref<125x32xf32, #tpu.memory_space<vmem>>
    %dma_wait3A_148 = arith.constant 0 : i32
    %dma_wait3A_149 = arith.constant 0 : i32
    %dma_wait3A_150 = tpu.memref_slice %arg15[%dma_wait3A_148, %dma_wait3A_149] : memref<10000x32xf32, #tpu.memory_space<vmem_shared>> -> memref<125x32xf32, #tpu.memory_space<vmem_shared>>
    %dma_wait3A_151 = arith.constant 0 : i32
    %dma_wait3A_152 = arith.constant 0 : i32
    %dma_wait3A_153 = tpu.memref_slice %arg15[%dma_wait3A_151, %dma_wait3A_152] : memref<10000x32xf32, #tpu.memory_space<vmem_shared>> -> memref<125x32xf32, #tpu.memory_space<vmem_shared>>
    %dma_wait3A_154 = arith.constant 0 : i32
    %dma_wait3A_155 = arith.constant 0 : i32
    %dma_wait3A_156 = tpu.memref_slice %arg11[%dma_wait3A_143, %dma_wait3A_154, %dma_wait3A_155] : memref<8x125x32xf32, #tpu.memory_space<vmem>> -> memref<1x125x32xf32, #tpu.memory_space<vmem>>
    %dma_wait3A_157 = tpu.memref_squeeze %dma_wait3A_156 : memref<1x125x32xf32, #tpu.memory_space<vmem>> -> memref<125x32xf32, #tpu.memory_space<vmem>>
    tpu.wait_dma2 semaphore(%arg30 : memref<!tpu.dma_semaphore, #tpu.memory_space<semaphore_mem>>) src(%dma_wait3A_157 : memref<125x32xf32, #tpu.memory_space<vmem>>) dst(%dma_wait3A_153 : memref<125x32xf32, #tpu.memory_space<vmem_shared>>)
    %dma_wait3A_158 = arith.constant 7 : i32
    %dma_wait3A_159 = arith.constant 0 : i32
    %dma_wait3A_160 = arith.constant 0 : i32
    %dma_wait3A_161 = tpu.memref_slice %arg11[%dma_wait3A_158, %dma_wait3A_159, %dma_wait3A_160] : memref<8x125x32xf32, #tpu.memory_space<vmem>> -> memref<1x125x32xf32, #tpu.memory_space<vmem>>
    %dma_wait3A_162 = tpu.memref_squeeze %dma_wait3A_161 : memref<1x125x32xf32, #tpu.memory_space<vmem>> -> memref<125x32xf32, #tpu.memory_space<vmem>>
    %dma_wait3A_163 = arith.constant 0 : i32
    %dma_wait3A_164 = arith.constant 0 : i32
    %dma_wait3A_165 = tpu.memref_slice %arg15[%dma_wait3A_163, %dma_wait3A_164] : memref<10000x32xf32, #tpu.memory_space<vmem_shared>> -> memref<125x32xf32, #tpu.memory_space<vmem_shared>>
    %dma_wait3A_166 = arith.constant 0 : i32
    %dma_wait3A_167 = arith.constant 0 : i32
    %dma_wait3A_168 = tpu.memref_slice %arg15[%dma_wait3A_166, %dma_wait3A_167] : memref<10000x32xf32, #tpu.memory_space<vmem_shared>> -> memref<125x32xf32, #tpu.memory_space<vmem_shared>>
    %dma_wait3A_169 = arith.constant 0 : i32
    %dma_wait3A_170 = arith.constant 0 : i32
    %dma_wait3A_171 = tpu.memref_slice %arg11[%dma_wait3A_158, %dma_wait3A_169, %dma_wait3A_170] : memref<8x125x32xf32, #tpu.memory_space<vmem>> -> memref<1x125x32xf32, #tpu.memory_space<vmem>>
    %dma_wait3A_172 = tpu.memref_squeeze %dma_wait3A_171 : memref<1x125x32xf32, #tpu.memory_space<vmem>> -> memref<125x32xf32, #tpu.memory_space<vmem>>
    tpu.wait_dma2 semaphore(%arg31 : memref<!tpu.dma_semaphore, #tpu.memory_space<semaphore_mem>>) src(%dma_wait3A_172 : memref<125x32xf32, #tpu.memory_space<vmem>>) dst(%dma_wait3A_168 : memref<125x32xf32, #tpu.memory_space<vmem_shared>>)
    %barrier3A_173 = arith.constant 0 : index
    tpu.barrier barrier_id(%barrier3A_173)
    "tpu.region"() ({
      %run_scoped3A = tpu.sem_alloc : memref<!tpu.dma_semaphore, #tpu.memory_space<semaphore_mem>>
      %dma_start3A_191 = arith.constant 0 : i32
      %dma_start3A_192 = tpu.memref_slice %arg15[%multiple_of3A, %dma_start3A_191] : memref<10000x32xf32, #tpu.memory_space<vmem_shared>> -> memref<632x32xf32, #tpu.memory_space<vmem_shared>>
      %dma_start3A_193 = arith.constant 0 : i32
      %dma_start3A_194 = tpu.memref_slice %arg15[%multiple_of3A, %dma_start3A_193] : memref<10000x32xf32, #tpu.memory_space<vmem_shared>> -> memref<632x32xf32, #tpu.memory_space<vmem_shared>>
      tpu.enqueue_dma source(%dma_start3A_194 : memref<632x32xf32, #tpu.memory_space<vmem_shared>>) target(%arg12 : memref<632x32xf32, #tpu.memory_space<vmem>>) target_semaphore(%run_scoped3A : memref<!tpu.dma_semaphore, #tpu.memory_space<semaphore_mem>>)
      %dma_wait3A_195 = arith.constant 0 : i32
      %dma_wait3A_196 = tpu.memref_slice %arg15[%multiple_of3A, %dma_wait3A_195] : memref<10000x32xf32, #tpu.memory_space<vmem_shared>> -> memref<632x32xf32, #tpu.memory_space<vmem_shared>>
      %dma_wait3A_197 = arith.constant 0 : i32
      %dma_wait3A_198 = tpu.memref_slice %arg15[%multiple_of3A, %dma_wait3A_197] : memref<10000x32xf32, #tpu.memory_space<vmem_shared>> -> memref<632x32xf32, #tpu.memory_space<vmem_shared>>
      tpu.wait_dma2 semaphore(%run_scoped3A : memref<!tpu.dma_semaphore, #tpu.memory_space<semaphore_mem>>) src(%dma_wait3A_198 : memref<632x32xf32, #tpu.memory_space<vmem_shared>>) dst(%arg12 : memref<632x32xf32, #tpu.memory_space<vmem>>)
      tpu.yield
    }) : () -> ()
    "tpu.region"() ({
      %run_scoped3A = tpu.sem_alloc : memref<!tpu.dma_semaphore, #tpu.memory_space<semaphore_mem>>
      %dma_start3A_191 = arith.constant 0 : i32
      %dma_start3A_192 = tpu.memref_slice %arg6[%multiple_of3A, %dma_start3A_191] : memref<10000x128xf32, #tpu.memory_space<hbm>> -> memref<632x16xf32, #tpu.memory_space<hbm>>
      %dma_start3A_193 = arith.constant 0 : i32
      %dma_start3A_194 = tpu.memref_slice %arg6[%multiple_of3A, %dma_start3A_193] : memref<10000x128xf32, #tpu.memory_space<hbm>> -> memref<632x16xf32, #tpu.memory_space<hbm>>
      tpu.enqueue_dma source(%dma_start3A_194 : memref<632x16xf32, #tpu.memory_space<hbm>>) target(%arg13 : memref<632x16xf32, #tpu.memory_space<vmem>>) target_semaphore(%run_scoped3A : memref<!tpu.dma_semaphore, #tpu.memory_space<semaphore_mem>>)
      %dma_wait3A_195 = arith.constant 0 : i32
      %dma_wait3A_196 = tpu.memref_slice %arg6[%multiple_of3A, %dma_wait3A_195] : memref<10000x128xf32, #tpu.memory_space<hbm>> -> memref<632x16xf32, #tpu.memory_space<hbm>>
      %dma_wait3A_197 = arith.constant 0 : i32
      %dma_wait3A_198 = tpu.memref_slice %arg6[%multiple_of3A, %dma_wait3A_197] : memref<10000x128xf32, #tpu.memory_space<hbm>> -> memref<632x16xf32, #tpu.memory_space<hbm>>
      tpu.wait_dma2 semaphore(%run_scoped3A : memref<!tpu.dma_semaphore, #tpu.memory_space<semaphore_mem>>) src(%dma_wait3A_198 : memref<632x16xf32, #tpu.memory_space<hbm>>) dst(%arg13 : memref<632x16xf32, #tpu.memory_space<vmem>>)
      tpu.yield
    }) : () -> ()
    "tpu.region"() ({
      %run_scoped3A = tpu.sem_alloc : memref<!tpu.dma_semaphore, #tpu.memory_space<semaphore_mem>>
      %dma_start3A_191 = arith.constant 0 : i32
      %dma_start3A_192 = arith.constant 0 : i32
      %dma_start3A_193 = tpu.memref_slice %arg7[%arg0, %dma_start3A_191, %dma_start3A_192] : memref<2x2x16xf32, #tpu.memory_space<hbm>> -> memref<1x2x16xf32, #tpu.memory_space<hbm>>
      %dma_start3A_194 = tpu.memref_squeeze %dma_start3A_193 : memref<1x2x16xf32, #tpu.memory_space<hbm>> -> memref<2x16xf32, #tpu.memory_space<hbm>>
      %dma_start3A_195 = arith.constant 0 : i32
      %dma_start3A_196 = arith.constant 0 : i32
      %dma_start3A_197 = tpu.memref_slice %arg7[%arg0, %dma_start3A_195, %dma_start3A_196] : memref<2x2x16xf32, #tpu.memory_space<hbm>> -> memref<1x2x16xf32, #tpu.memory_space<hbm>>
      %dma_start3A_198 = tpu.memref_squeeze %dma_start3A_197 : memref<1x2x16xf32, #tpu.memory_space<hbm>> -> memref<2x16xf32, #tpu.memory_space<hbm>>
      tpu.enqueue_dma source(%dma_start3A_198 : memref<2x16xf32, #tpu.memory_space<hbm>>) target(%arg14 : memref<2x16xf32, #tpu.memory_space<vmem>>) target_semaphore(%run_scoped3A : memref<!tpu.dma_semaphore, #tpu.memory_space<semaphore_mem>>)
      %dma_wait3A_199 = arith.constant 0 : i32
      %dma_wait3A_200 = arith.constant 0 : i32
      %dma_wait3A_201 = tpu.memref_slice %arg7[%arg0, %dma_wait3A_199, %dma_wait3A_200] : memref<2x2x16xf32, #tpu.memory_space<hbm>> -> memref<1x2x16xf32, #tpu.memory_space<hbm>>
      %dma_wait3A_202 = tpu.memref_squeeze %dma_wait3A_201 : memref<1x2x16xf32, #tpu.memory_space<hbm>> -> memref<2x16xf32, #tpu.memory_space<hbm>>
      %dma_wait3A_203 = arith.constant 0 : i32
      %dma_wait3A_204 = arith.constant 0 : i32
      %dma_wait3A_205 = tpu.memref_slice %arg7[%arg0, %dma_wait3A_203, %dma_wait3A_204] : memref<2x2x16xf32, #tpu.memory_space<hbm>> -> memref<1x2x16xf32, #tpu.memory_space<hbm>>
      %dma_wait3A_206 = tpu.memref_squeeze %dma_wait3A_205 : memref<1x2x16xf32, #tpu.memory_space<hbm>> -> memref<2x16xf32, #tpu.memory_space<hbm>>
      tpu.wait_dma2 semaphore(%run_scoped3A : memref<!tpu.dma_semaphore, #tpu.memory_space<semaphore_mem>>) src(%dma_wait3A_206 : memref<2x16xf32, #tpu.memory_space<hbm>>) dst(%arg14 : memref<2x16xf32, #tpu.memory_space<vmem>>)
      tpu.yield
    }) : () -> ()
    %get3A = arith.constant 0 : i32
    %get3A_174 = arith.index_cast %get3A : i32 to index
    %get3A_175 = arith.constant 0 : index
    %get3A_176 = tpu.vector_load %arg14[%get3A_174, %get3A_175] {strides = array<i32>} : memref<2x16xf32, #tpu.memory_space<vmem>>, vector<1x16xf32>,
    %get3A_177 = vector.shape_cast %get3A_176 : vector<1x16xf32> to vector<16xf32>
    %get3A_178 = arith.constant 1 : i32
    %get3A_179 = arith.index_cast %get3A_178 : i32 to index
    %get3A_180 = arith.constant 0 : index
    %get3A_181 = tpu.vector_load %arg14[%get3A_179, %get3A_180] {strides = array<i32>} : memref<2x16xf32, #tpu.memory_space<vmem>>, vector<1x16xf32>,
    %get3A_182 = vector.shape_cast %get3A_181 : vector<1x16xf32> to vector<16xf32>
    %scan3A_183 = arith.constant 0 : i32
    %scan3A_184 = arith.constant 0 : i32
    %scan3A_185 = arith.constant 632 : i32
    %scan3A_186 = arith.addi %scan3A_184, %scan3A_185 : i32
    %scan3A_187 = arith.constant 1 : i32
    scf.for %scan3A_191 = %scan3A_184 to %scan3A_186 step %scan3A_187  : i32 {
      %get3A_192 = arith.index_cast %scan3A_191 : i32 to index
      %get3A_193 = arith.constant 0 : index
      %get3A_194 = tpu.vector_load %arg13[%get3A_192, %get3A_193] {strides = array<i32>} : memref<632x16xf32, #tpu.memory_space<vmem>>, vector<1x16xf32>,
      %get3A_195 = vector.shape_cast %get3A_194 : vector<1x16xf32> to vector<16xf32>
      %get3A_196 = arith.index_cast %scan3A_191 : i32 to index
      %get3A_197 = arith.constant 0 : index
      %get3A_198 = tpu.vector_load %arg12[%get3A_196, %get3A_197] {strides = array<i32>} : memref<632x32xf32, #tpu.memory_space<vmem>>, vector<1x16xf32>,
      %get3A_199 = vector.shape_cast %get3A_198 : vector<1x16xf32> to vector<16xf32>
      %mul3A_200 = arith.mulf %get3A_199, %get3A_195 : vector<16xf32>
      %add3A = arith.addf %mul3A_200, %get3A_177 : vector<16xf32>
      %swap3A = arith.index_cast %scan3A_191 : i32 to index
      %swap3A_201 = arith.constant 0 : index
      %swap3A_202 = tpu.vector_load %arg12[%swap3A, %swap3A_201] {strides = array<i32>} : memref<632x32xf32, #tpu.memory_space<vmem>>, vector<1x16xf32>,
      %swap3A_203 = vector.shape_cast %swap3A_202 : vector<1x16xf32> to vector<16xf32>
      %swap3A_204 = vector.shape_cast %add3A : vector<16xf32> to vector<1x16xf32>
      tpu.vector_store %arg12[%swap3A, %swap3A_201], %swap3A_204 {strides = array<i32>} : memref<632x32xf32, #tpu.memory_space<vmem>>, vector<1x16xf32>,
      %get3A_205 = arith.index_cast %scan3A_191 : i32 to index
      %get3A_206 = arith.constant 16 : index
      %get3A_207 = tpu.vector_load %arg12[%get3A_205, %get3A_206] {strides = array<i32>} : memref<632x32xf32, #tpu.memory_space<vmem>>, vector<1x16xf32>,
      %get3A_208 = vector.shape_cast %get3A_207 : vector<1x16xf32> to vector<16xf32>
      %mul3A_209 = arith.mulf %get3A_208, %get3A_195 : vector<16xf32>
      %add3A_210 = arith.addf %mul3A_209, %get3A_182 : vector<16xf32>
      %swap3A_211 = arith.index_cast %scan3A_191 : i32 to index
      %swap3A_212 = arith.constant 16 : index
      %swap3A_213 = tpu.vector_load %arg12[%swap3A_211, %swap3A_212] {strides = array<i32>} : memref<632x32xf32, #tpu.memory_space<vmem>>, vector<1x16xf32>,
      %swap3A_214 = vector.shape_cast %swap3A_213 : vector<1x16xf32> to vector<16xf32>
      %swap3A_215 = vector.shape_cast %add3A_210 : vector<16xf32> to vector<1x16xf32>
      tpu.vector_store %arg12[%swap3A_211, %swap3A_212], %swap3A_215 {strides = array<i32>} : memref<632x32xf32, #tpu.memory_space<vmem>>, vector<1x16xf32>,
    }
    %scan3A_188 = arith.constant 632 : i32
    %mul3A_189 = arith.constant 32 : i32
    %mul3A_190 = arith.muli %mul3A_189, %arg0 : i32
    "tpu.region"() ({
      %run_scoped3A = tpu.sem_alloc : memref<!tpu.dma_semaphore, #tpu.memory_space<semaphore_mem>>
      %dma_start3A_191 = tpu.memref_slice %arg8[%multiple_of3A, %mul3A_190] : memref<10000x64xf32, #tpu.memory_space<hbm>> -> memref<632x32xf32, #tpu.memory_space<hbm>>
      %dma_start3A_192 = tpu.memref_slice %arg8[%multiple_of3A, %mul3A_190] : memref<10000x64xf32, #tpu.memory_space<hbm>> -> memref<632x32xf32, #tpu.memory_space<hbm>>
      tpu.enqueue_dma source(%arg12 : memref<632x32xf32, #tpu.memory_space<vmem>>) target(%dma_start3A_192 : memref<632x32xf32, #tpu.memory_space<hbm>>) target_semaphore(%run_scoped3A : memref<!tpu.dma_semaphore, #tpu.memory_space<semaphore_mem>>)
      %dma_wait3A_193 = tpu.memref_slice %arg8[%multiple_of3A, %mul3A_190] : memref<10000x64xf32, #tpu.memory_space<hbm>> -> memref<632x32xf32, #tpu.memory_space<hbm>>
      %dma_wait3A_194 = tpu.memref_slice %arg8[%multiple_of3A, %mul3A_190] : memref<10000x64xf32, #tpu.memory_space<hbm>> -> memref<632x32xf32, #tpu.memory_space<hbm>>
      tpu.wait_dma2 semaphore(%run_scoped3A : memref<!tpu.dma_semaphore, #tpu.memory_space<semaphore_mem>>) src(%arg12 : memref<632x32xf32, #tpu.memory_space<vmem>>) dst(%dma_wait3A_194 : memref<632x32xf32, #tpu.memory_space<hbm>>)
      tpu.yield
    }) : () -> ()
    return
  }
}

module attributes {stable_mosaic.version = 14 : i64} {
  func.func @_tc1_body(%arg0: i32, %arg1: memref<2x1000x16xf32, #tpu.memory_space<vmem>>, %arg2: memref<1000x128xf32, #tpu.memory_space<vmem>>, %arg3: memref<128x128xf32, #tpu.memory_space<vmem>>, %arg4: memref<1000x128xf32, #tpu.memory_space<vmem>>, %arg5: memref<1000x128xf32, #tpu.memory_space<vmem>>) attributes {dimension_semantics = [#tpu.dimension_semantics<arbitrary>], iteration_bounds = array<i64: 10>, scalar_prefetch = 0 : i64, scratch_operands = 0 : i64, tpu.core_type = #tpu.core_type<tc>, window_params = [{transform_indices = @transform_0, window_bounds = array<i64: 2, 1000, 16>}, {transform_indices = @transform_1, window_bounds = array<i64: 1000, 128>}, {pipeline_mode = #tpu.pipeline_mode<synchronous>, transform_indices = @transform_2, window_bounds = array<i64: 128, 128>}, {transform_indices = @transform_3, window_bounds = array<i64: 1000, 128>}, {transform_indices = @transform_4, window_bounds = array<i64: 1000, 128>}]} {
    %get3A = arith.constant 0 : index
    %get3A_0 = arith.constant 0 : index
    %get3A_1 = arith.constant 0 : index
    %get3A_2 = vector.load %arg1[%get3A, %get3A_0, %get3A_1] : memref<2x1000x16xf32, #tpu.memory_space<vmem>>, vector<1x1000x1xf32>
    %get3A_3 = vector.shape_cast %get3A_2 : vector<1x1000x1xf32> to vector<1000x1xf32>
    %get3A_4 = arith.constant 1 : index
    %get3A_5 = arith.constant 0 : index
    %get3A_6 = arith.constant 0 : index
    %get3A_7 = vector.load %arg1[%get3A_4, %get3A_5, %get3A_6] : memref<2x1000x16xf32, #tpu.memory_space<vmem>>, vector<1x1000x1xf32>
    %get3A_8 = vector.shape_cast %get3A_7 : vector<1x1000x1xf32> to vector<1000x1xf32>
    %add3A = arith.addf %get3A_3, %get3A_8 : vector<1000x1xf32>
    %add3A_9 = arith.constant 1.000000e+00 : f32
    %add3A_10 = vector.broadcast %add3A_9 : f32 to vector<1000x1xf32>
    %add3A_11 = arith.addf %add3A, %add3A_10 : vector<1000x1xf32>
    %rsqrt3A = math.rsqrt %add3A_11 : vector<1000x1xf32>
    %get3A_12 = arith.constant 0 : index
    %get3A_13 = arith.constant 0 : index
    %get3A_14 = vector.load %arg2[%get3A_12, %get3A_13] : memref<1000x128xf32, #tpu.memory_space<vmem>>, vector<1000x128xf32>
    %get3A_15 = arith.constant 0 : index
    %get3A_16 = arith.constant 0 : index
    %get3A_17 = vector.load %arg3[%get3A_15, %get3A_16] : memref<128x128xf32, #tpu.memory_space<vmem>>, vector<128x128xf32>
    %dot_general3A = arith.constant dense<0.000000e+00> : vector<1000x128xf32>
    %dot_general3A_18 = tpu.matmul %get3A_14, %get3A_17, %dot_general3A {dimension_numbers = #tpu.dot_dimension_numbers<[1], [0], [0], [1], [0, 0, 1, 1], [], []>, transpose_lhs_hint = false} : vector<1000x128xf32>, vector<128x128xf32>, vector<1000x128xf32> -> vector<1000x128xf32>
    %mul3A = vector.broadcast %rsqrt3A : vector<1000x1xf32> to vector<1000x128xf32>
    %mul3A_19 = arith.mulf %dot_general3A_18, %mul3A : vector<1000x128xf32>
    %swap3A = arith.constant 0 : index
    %swap3A_20 = arith.constant 0 : index
    %swap3A_21 = vector.load %arg4[%swap3A, %swap3A_20] : memref<1000x128xf32, #tpu.memory_space<vmem>>, vector<1000x128xf32>
    tpu.vector_store %arg4[%swap3A, %swap3A_20], %mul3A_19 {strides = array<i32>} : memref<1000x128xf32, #tpu.memory_space<vmem>>, vector<1000x128xf32>,
    %broadcast_in_dim3A = vector.shape_cast %rsqrt3A : vector<1000x1xf32> to vector<1000x1xf32>
    %broadcast_in_dim3A_22 = vector.broadcast %broadcast_in_dim3A : vector<1000x1xf32> to vector<1000x128xf32>
    %swap3A_23 = arith.constant 0 : index
    %swap3A_24 = arith.constant 0 : index
    %swap3A_25 = vector.load %arg5[%swap3A_23, %swap3A_24] : memref<1000x128xf32, #tpu.memory_space<vmem>>, vector<1000x128xf32>
    tpu.vector_store %arg5[%swap3A_23, %swap3A_24], %broadcast_in_dim3A_22 {strides = array<i32>} : memref<1000x128xf32, #tpu.memory_space<vmem>>, vector<1000x128xf32>,
    return
  }
  func.func @transform_0(%arg0: i32) -> (i32, i32, i32) {
    %c0_i32 = arith.constant 0 : i32
    %c0_i32_0 = arith.constant 0 : i32
    %c0_i32_1 = arith.constant 0 : i32
    return %c0_i32, %arg0, %c0_i32_0 : i32, i32, i32
  }
  func.func @transform_1(%arg0: i32) -> (i32, i32) {
    %c0_i32 = arith.constant 0 : i32
    %c0_i32_0 = arith.constant 0 : i32
    return %arg0, %c0_i32 : i32, i32
  }
  func.func @transform_2(%arg0: i32) -> (i32, i32) {
    %c0_i32 = arith.constant 0 : i32
    %c0_i32_0 = arith.constant 0 : i32
    %c0_i32_1 = arith.constant 0 : i32
    return %c0_i32, %c0_i32_0 : i32, i32
  }
  func.func @transform_3(%arg0: i32) -> (i32, i32) {
    %c0_i32 = arith.constant 0 : i32
    %c0_i32_0 = arith.constant 0 : i32
    return %arg0, %c0_i32 : i32, i32
  }
  func.func @transform_4(%arg0: i32) -> (i32, i32) {
    %c0_i32 = arith.constant 0 : i32
    %c0_i32_0 = arith.constant 0 : i32
    return %arg0, %c0_i32 : i32, i32
  }
}

module attributes {stable_mosaic.version = 14 : i64} {
  func.func @_tc2_body(%arg0: i32, %arg1: memref<1000x128xf32, #tpu.memory_space<vmem>>, %arg2: memref<1000x128xf32, #tpu.memory_space<vmem>>, %arg3: memref<1000x128xf32, #tpu.memory_space<vmem>>, %arg4: memref<1x128xf32, #tpu.memory_space<vmem>>, %arg5: memref<128x64xf32, #tpu.memory_space<vmem>>, %arg6: memref<1000x128xf32, #tpu.memory_space<vmem>>) attributes {dimension_semantics = [#tpu.dimension_semantics<arbitrary>], iteration_bounds = array<i64: 10>, scalar_prefetch = 0 : i64, scratch_operands = 0 : i64, tpu.core_type = #tpu.core_type<tc>, window_params = [{transform_indices = @transform_0, window_bounds = array<i64: 1000, 128>}, {transform_indices = @transform_1, window_bounds = array<i64: 1000, 128>}, {transform_indices = @transform_2, window_bounds = array<i64: 1000, 128>}, {pipeline_mode = #tpu.pipeline_mode<synchronous>, transform_indices = @transform_3, window_bounds = array<i64: 1, 128>}, {pipeline_mode = #tpu.pipeline_mode<synchronous>, transform_indices = @transform_4, window_bounds = array<i64: 128, 64>}, {transform_indices = @transform_5, window_bounds = array<i64: 1000, 128>}]} {
    %get3A = arith.constant 0 : index
    %get3A_0 = arith.constant 0 : index
    %get3A_1 = vector.load %arg2[%get3A, %get3A_0] : memref<1000x128xf32, #tpu.memory_space<vmem>>, vector<1000x128xf32>
    %get3A_2 = arith.constant 0 : index
    %get3A_3 = arith.constant 0 : index
    %get3A_4 = vector.load %arg3[%get3A_2, %get3A_3] : memref<1000x128xf32, #tpu.memory_space<vmem>>, vector<1000x128xf32>
    %add3A = arith.addf %get3A_1, %get3A_4 : vector<1000x128xf32>
    %get3A_5 = arith.constant 0 : index
    %get3A_6 = arith.constant 0 : index
    %get3A_7 = vector.load %arg1[%get3A_5, %get3A_6] : memref<1000x128xf32, #tpu.memory_space<vmem>>, vector<1000x128xf32>
    %mul3A = arith.mulf %add3A, %get3A_7 : vector<1000x128xf32>
    %get3A_8 = arith.constant 0 : index
    %get3A_9 = arith.constant 0 : index
    %get3A_10 = vector.load %arg4[%get3A_8, %get3A_9] : memref<1x128xf32, #tpu.memory_space<vmem>>, vector<1x128xf32>
    %get3A_11 = vector.shape_cast %get3A_10 : vector<1x128xf32> to vector<128xf32>
    %broadcast_in_dim3A = vector.shape_cast %get3A_11 : vector<128xf32> to vector<1x128xf32>
    %add3A_12 = vector.broadcast %broadcast_in_dim3A : vector<1x128xf32> to vector<1000x128xf32>
    %add3A_13 = arith.addf %mul3A, %add3A_12 : vector<1000x128xf32>
    %max3A = arith.constant 0.000000e+00 : f32
    %max3A_14 = vector.broadcast %max3A : f32 to vector<1000x128xf32>
    %max3A_15 = arith.maximumf %add3A_13, %max3A_14 : vector<1000x128xf32>
    %get3A_16 = arith.constant 0 : index
    %get3A_17 = arith.constant 0 : index
    %get3A_18 = vector.load %arg5[%get3A_16, %get3A_17] : memref<128x64xf32, #tpu.memory_space<vmem>>, vector<128x64xf32>
    %dot_general3A = arith.constant dense<0.000000e+00> : vector<1000x64xf32>
    %dot_general3A_19 = tpu.matmul %max3A_15, %get3A_18, %dot_general3A {dimension_numbers = #tpu.dot_dimension_numbers<[1], [0], [0], [1], [0, 0, 1, 1], [], []>, transpose_lhs_hint = false} : vector<1000x128xf32>, vector<128x64xf32>, vector<1000x64xf32> -> vector<1000x64xf32>
    %get3A_20 = arith.constant 0 : index
    %get3A_21 = arith.constant 0 : index
    %get3A_22 = vector.load %arg1[%get3A_20, %get3A_21] : memref<1000x128xf32, #tpu.memory_space<vmem>>, vector<1000x1xf32>
    %mul3A_23 = vector.broadcast %get3A_22 : vector<1000x1xf32> to vector<1000x64xf32>
    %mul3A_24 = arith.mulf %dot_general3A_19, %mul3A_23 : vector<1000x64xf32>
    %broadcast_in_dim3A_25 = arith.constant 0.000000e+00 : f32
    %broadcast_in_dim3A_26 = vector.broadcast %broadcast_in_dim3A_25 : f32 to vector<1000x64xf32>
    %concatenate3A = tpu.concatenate %mul3A_24, %broadcast_in_dim3A_26 in 1 : vector<1000x64xf32>, vector<1000x64xf32> -> vector<1000x128xf32>
    %swap3A = arith.constant 0 : index
    %swap3A_27 = arith.constant 0 : index
    %swap3A_28 = vector.load %arg6[%swap3A, %swap3A_27] : memref<1000x128xf32, #tpu.memory_space<vmem>>, vector<1000x128xf32>
    tpu.vector_store %arg6[%swap3A, %swap3A_27], %concatenate3A {strides = array<i32>} : memref<1000x128xf32, #tpu.memory_space<vmem>>, vector<1000x128xf32>,
    return
  }
  func.func @transform_0(%arg0: i32) -> (i32, i32) {
    %c0_i32 = arith.constant 0 : i32
    %c0_i32_0 = arith.constant 0 : i32
    return %arg0, %c0_i32 : i32, i32
  }
  func.func @transform_1(%arg0: i32) -> (i32, i32) {
    %c0_i32 = arith.constant 0 : i32
    %c0_i32_0 = arith.constant 0 : i32
    return %arg0, %c0_i32 : i32, i32
  }
  func.func @transform_2(%arg0: i32) -> (i32, i32) {
    %c0_i32 = arith.constant 0 : i32
    %c0_i32_0 = arith.constant 0 : i32
    return %arg0, %c0_i32 : i32, i32
  }
  func.func @transform_3(%arg0: i32) -> (i32, i32) {
    %c0_i32 = arith.constant 0 : i32
    %c0_i32_0 = arith.constant 0 : i32
    %c0_i32_1 = arith.constant 0 : i32
    return %c0_i32, %c0_i32_0 : i32, i32
  }
  func.func @transform_4(%arg0: i32) -> (i32, i32) {
    %c0_i32 = arith.constant 0 : i32
    %c0_i32_0 = arith.constant 0 : i32
    %c0_i32_1 = arith.constant 0 : i32
    return %c0_i32, %c0_i32_0 : i32, i32
  }
  func.func @transform_5(%arg0: i32) -> (i32, i32) {
    %c0_i32 = arith.constant 0 : i32
    %c0_i32_0 = arith.constant 0 : i32
    return %arg0, %c0_i32 : i32, i32
  }
}

</mosaic_0001>

<sc_bundles>
// kernel: kernel.10.cloned.1.call-start
scs
__scs_entry_jumppad:
0x0: {  	(pc) =	sbr.rel $0x88, $3  }
0x1: {  	(tag) =	ssettag $0x0;
	lr =	simm.s32 $0x1  }
0x2: {  	[smem:$0x3F9B] =	sst lr;
	_ =	strace $0xD0000000  }
0x3: {  	_ = 	snop  }
0x4: {  	_ = 	snop  }
0x5: {  	_ = 	snop  }
0x6: {  	_ = 	snop  }
0x7: {  	_ = 	snop  }
__scs_overlays_trampoline_lowered:
0x8: {  	[smem:$0x3FAA] =	sst s0  }
0x9: {  	[smem:$0x3FAB] =	sst s1  }
0xa: {  	[smem:$0x3FAC] =	sst s2  }
0xb: {  	[smem:$0x3FAD] =	sst s3  }
0xc: {  	[smem:$0x3FAE] =	sst s4  }
0xd: {  	[smem:$0x3FAF] =	sst s5  }
0xe: {  	[smem:$0x3FB0] =	sst s6  }
0xf: {  	[smem:$0x3FB1] =	sst s7  }
0x10: {  	[smem:$0x3FB2] =	sst s8  }
0x11: {  	[smem:$0x3FB3] =	sst s9;
	s0 =	simm.s32 @!p0 $0x0  }
0x12: {  	s1 =	sld [smem:$0x3F99];
	s0 =	simm.s32 @p0 $0x1  }
0x13: {  	[smem:$0x3FB4] =	sst s0;
	s0 =	simm.s32 @!p1 $0x0  }
0x14: {  	s2 =	sld [smem:$0x3F98];
	s0 =	simm.s32 @p1 $0x1  }
0x15: {  	[smem:$0x3FB5] =	sst s0;
	s0 =	simm.s32 @!p2 $0x0  }
0x16: {  	s3 =	sld [smem:$0x3FDB];
	s0 =	simm.s32 @p2 $0x1  }
0x17: {  	s4 =	simm.s32 $0x1BF5;
	[smem:$0x3FB7] =	sst s0  }
0x18: {  	s0 =	sld [smem:$0x3F9A];
	_ =	swait.ge [sflag:s4], $0x0  }
0x19: {  	s7 =	sld [smem:$0x3F9B]  }
0x1a: {  	s8 =	sadd.s32 $0xFFFFE003, lr  }
0x1b: {  	s9 =	sadd.s32 $0xFFFFFEF7, lr;
	s5 =	simm.s32 $0xFFFFFFFF;
	p2 =	slt.u32 s8, $0xFFFFF086  }
0x1c: {  	p1 =	slt.u32 s9, $0xF7A;
	s5 =	simm.s32 @!p2 $0x0  }
0x1d: {  	s5 =	simm.s32 @p1 $0x1;
	p0 =	seq.s32 s7, s2  }
0x1e: {  	s7 =	smul.u32 @!p0 $0xF7A, s2;
	p2 =	seq.s32 @!p0 s5, $0x0  }
0x1f: {  	s9 =	smul.u32 $0xF7A, s1;
	s8 =	simm.s32 @!p0 $0x1BF5;
	p2 =	por !p2, p0  }
0x20: {  	[sflag:s8] =	ssyncset.s32 @!p0 $0xFFFFF086;
	s6 =	sadd.s32 @!p0 s3, s7;
	s7 =	simm.s32 @!p0 $0x108  }
0x21: {  	s3 =	sadd.s32 s3, s9;
	s6 =	sadd.s32 @!p0 $0x88, s6;
	s7 =	simm.s32 @p2 $0x1082  }
0x22: {  	[simem:s7], [sflag:s8] =	dma.local @!p0 [hbm:s6], $0xF7A  }
0x23: {  	s9 =	sor.u32 $0xD0000000, s2;
	s6 =	simm.s32 $0x108;
	_ =	swait.ge @!p0 [sflag:s8], $0x0  }
0x24: {  	s3 =	sadd.s32 $0x88, s3;
	s6 =	simm.s32 @!p1 $0x1082;
	[sflag:s4] =	ssyncset.s32 $0xFFFFF086  }
0x25: {  	[simem:s6], [sflag:s4] =	dma.local [hbm:s3], $0xF7A  }
0x26: {  	[smem:$0x3F9B] =	sst s1;
	(tag) =	ssettag s2;
	_ =	strace s9  }
0x27: {  	s1 =	sld [smem:$0x3FAB]  }
0x28: {  	s2 =	sld [smem:$0x3FAC]  }
0x29: {  	s4 =	sld [smem:$0x3FAE]  }
0x2a: {  	p0 =	seq.s32 s5, $0x0;
	s5 =	sld [smem:$0x3FAF]  }
0x2b: {  	s6 =	sld [smem:$0x3FB0]  }
0x2c: {  	s7 =	sld [smem:$0x3FB1]  }
0x2d: {  	s3 =	simm.s32 $0x108;
	s8 =	sld [smem:$0x3FB2]  }
0x2e: {  	s3 =	simm.s32 @!p0 $0x1082;
	s9 =	sld [smem:$0x3FB3]  }
0x2f: {  	lr =	sadd.s32 s0, s3;
	s0 =	sld [smem:$0x3FAA]  }
0x30: {  	s3 =	sld [smem:$0x3FAD]  }
0x31: {  	[smem:$0x3FB6] =	sst s10  }
0x32: {  	s10 =	sld [smem:$0x3FB4];
	_ =	sdelay $0x3  }
0x33: {  	p0 =	seq.s32 s10, $0x1;
	s10 =	sld [smem:$0x3FB6];
	_ =	sdelay $0x3  }
0x34: {  	[smem:$0x3FB6] =	sst s10  }
0x35: {  	s10 =	sld [smem:$0x3FB5];
	_ =	sdelay $0x3  }
0x36: {  	p1 =	seq.s32 s10, $0x1;
	s10 =	sld [smem:$0x3FB6];
	_ =	sdelay $0x3  }
0x37: {  	[smem:$0x3FB6] =	sst s10  }
0x38: {  	s10 =	sld [smem:$0x3FB7]  }
0x39: {  	_ = 	snop;
	(pc) =	sbr.ind lr, $3  }
0x3a: {  	_ = 	snop  }
0x3b: {  	_ = 	snop  }
0x3c: {  	p2 =	seq.s32 s10, $0x1;
	s10 =	sld [smem:$0x3FB6]  }
0x3d: {  	_ =	shalt  }
0x3e: {  	_ =	shalt  }
0x3f: {  	_ =	shalt  }
0x40: {  	_ =	shalt  }
0x41: {  	_ =	shalt  }
0x42: {  	_ =	shalt  }
0x43: {  	_ =	shalt  }
0x44: {  	_ =	shalt  }
0x45: {  	_ =	shalt  }
0x46: {  	_ =	shalt  }
0x47: {  	_ =	shalt  }
0x48: {  	_ =	shalt  }
0x49: {  	_ =	shalt  }
0x4a: {  	_ =	shalt  }
0x4b: {  	_ =	shalt  }
0x4c: {  	_ =	shalt  }
0x4d: {  	_ =	shalt  }
0x4e: {  	_ =	shalt  }
0x4f: {  	_ =	shalt  }
0x50: {  	_ =	shalt  }
0x51: {  	_ =	shalt  }
0x52: {  	_ =	shalt  }
0x53: {  	_ =	shalt  }
0x54: {  	_ =	shalt  }
0x55: {  	_ =	shalt  }
0x56: {  	_ =	shalt  }
0x57: {  	_ =	shalt  }
0x58: {  	_ =	shalt  }
0x59: {  	_ =	shalt  }
0x5a: {  	_ =	shalt  }
0x5b: {  	_ =	shalt  }
0x5c: {  	_ =	shalt  }
0x5d: {  	_ =	shalt  }
0x5e: {  	_ =	shalt  }
0x5f: {  	_ =	shalt  }
0x60: {  	_ =	shalt  }
0x61: {  	_ =	shalt  }
0x62: {  	_ =	shalt  }
0x63: {  	_ =	shalt  }
0x64: {  	_ =	shalt  }
0x65: {  	_ =	shalt  }
0x66: {  	_ =	shalt  }
0x67: {  	_ =	shalt  }
0x68: {  	_ =	shalt  }
0x69: {  	_ =	shalt  }
0x6a: {  	_ =	shalt  }
0x6b: {  	_ =	shalt  }
0x6c: {  	_ =	shalt  }
0x6d: {  	_ =	shalt  }
0x6e: {  	_ =	shalt  }
0x6f: {  	_ =	shalt  }
0x70: {  	_ =	shalt  }
0x71: {  	_ =	shalt  }
0x72: {  	_ =	shalt  }
0x73: {  	_ =	shalt  }
0x74: {  	_ =	shalt  }
0x75: {  	_ =	shalt  }
0x76: {  	_ =	shalt  }
0x77: {  	_ =	shalt  }
0x78: {  	_ =	shalt  }
0x79: {  	_ =	shalt  }
0x7a: {  	_ =	shalt  }
0x7b: {  	_ =	shalt  }
0x7c: {  	_ =	shalt  }
0x7d: {  	_ =	shalt  }
0x7e: {  	_ =	shalt  }
0x7f: {  	_ =	shalt  }
0x80: {  	_ =	shalt  }
0x81: {  	_ =	shalt  }
0x82: {  	_ =	shalt  }
0x83: {  	_ =	shalt  }
0x84: {  	_ =	shalt  }
0x85: {  	_ =	shalt  }
0x86: {  	_ =	shalt  }
0x87: {  	_ =	shalt  }
.Lfunc_end0:
.L_simem_size_0:
called_computation.1_lowered:
.L_overlay_start_0:
0x88: {  	s2 =	sld [smem:$0x3FD9]  }
0x89: {  	s3 =	sld [smem:$0x3FFE];
	_ =	sdelay $0x1  }
0x8a: {  	s1 =	srdreg.scid  }
0x8b: {  	s0 =	sand.u32 $0x1, s1  }
0x8c: {  	s16 =	sshll.u32 s0, $0xA;
	s2 =	sadd.s32 s3, s2  }
0x8d: {  	s2 =	sadd.s32 s2, s16  }
0x8e: {  	[smem:$0x3FC2] =	sst s2  }
0x8f: {  	_ = 	snop  }
0x90: {  	(tm) =	ssettm $0x1  }
0x91: {  	s17 =	sld [smem:$0x3FFB];
	_ =	sdelay $0x3  }
0x92: {  	_ =	strace s17  }
0x93: {  	s2 =	sld [smem:$0x3FFC];
	_ =	sdelay $0x3  }
0x94: {  	_ =	strace s2  }
0x95: {  	s2 =	sld [smem:$0x3FFD];
	_ =	sdelay $0x3  }
0x96: {  	_ =	strace s2  }
0x97: {  	_ =	strace $0x8FFFFFFF  }
0x98: {  	s18 =	sld [smem:$0x3FDB];
	_ =	sdelay $0x1  }
0x99: {  	s19 =	simm.s32 $_scs_section_size  }
0x9a: {  	s4 =	simm.s32 $_size__tile_overlayer_lowered;
	s5 =	simm.s32 $_tile_overlayer_lowered  }
0x9b: {  	s22 =	simm.s32 $0x1BFF;
	s21 =	sshll.u32 s5, $0x1;
	s2 =	sadd.s32 s19, s18  }
0x9c: {  	s6 =	simm.s32 $0x0;
	s20 =	sshll.u32 s4, $0x1;
	s4 =	sadd.s32 s21, s2  }
0x9d: {  	[timem:s6], [sflag:s22] =	dma.local [hbm:s4], s20  }
0x9e: {  	_ =	swait.ge [sflag:s22], s20  }
0x9f: {  	s3 =	ssub.s32 $0x0, s20;
	[sflag:s22] =	ssyncset.done $0x0  }
0xa0: {  	[sflag:s22] =	ssyncadd.s32 s3;
	_ =	sdelay $0x1  }
0xa1: {  	s23 =	simm.s32 $0x1B8B  }
0xa2: {  	_ =	swait.ge [sflag:s23], $0x1  }
0xa3: {  	[sflag:s23] =	ssyncset.done $0x0  }
0xa4: {  	s25 =	simm.s32 $0x1B8E;
	s24 =	sld [smem:$0x3FFE];
	[sflag:s23] =	ssyncadd.s32 $0xFFFFFFFF  }
0xa5: {  	s26 =	simm.s32 $execute0_lowered;
	[smem:$0x3FD2] =	sst s25  }
0xa6: {  	s4 =	sshll.u32 s26, $0x1;
	_ =	strace $0x80000049;
	[dreg:$0x1] =	wrdreg $0xFFFFFFFF  }
0xa7: {  	s28 =	simm.s32 $_size_execute0_lowered;
	s2 =	sadd.s32 s2, s4;
	[dreg:$0x0] =	wrdreg $0x0  }
0xa8: {  	s4 =	sshll.u32 s28, $0x1;
	[dreg:$0x2] =	wrdreg s2  }
0xa9: {  	[dreg:$0x3] =	wrdreg s4  }
0xaa: {  	[dreg:$0x4] =	wrdreg $0xC0  }
0xab: {  	_ =	task [dreg:s6], $0x5FFFF  }
0xac: {  	[dreg:$0x1] =	wrdreg $0xFFFFFFFF  }
0xad: {  	[dreg:$0x0] =	wrdreg $0x60  }
0xae: {  	[dreg:$0x2] =	wrdreg s24  }
0xaf: {  	[dreg:$0x3] =	wrdreg $0x13C400  }
0xb0: {  	[dreg:$0x4] =	wrdreg $0x9  }
0xb1: {  	_ =	task.clear_ibuf [dreg:s6], $0x5FFFF;
	_ =	strace $0x90000049  }
0xb2: {  	s29 =	simm.s32 $0x9;
	_ =	strace $0x8000004B  }
0xb3: {  	_ =	swait.ge [sflag:s29], $0x1  }
0xb4: {  	[sflag:s29] =	ssyncadd.s32 $0xFFFFFFFF  }
0xb5: {  	_ =	strace $0x9000004B  }
0xb6: {  	_ =	sfence  }
0xb7: {  	s30 =	sld [smem:$0x0];
	_ =	sdelay $0x2  }
0xb8: {  	s31 =	sshll.u32 s1, $0xD;
	s1 =	sshrl.u32 s1, $0x2  }
0xb9: {  	s3 =	sand.u32 $0x4000, s31;
	s1 =	sadd.s32 s1, s30  }
0xba: {  	s0 =	sor.u32 s3, s0;
	s1 =	sshll.u32 s1, $0x11  }
0xbb: {  	s0 =	sor.u32 s1, s0  }
0xbc: {  	s0 =	sadd.s32 $0x8F2B, s0  }
0xbd: {  	[sflag:s0] =	ssyncadd.remote.s32 $0x1  }
0xbe: {  	_ =	sfence.sel $0xFFFF  }
0xbf: {  	[dreg:$0x0] =	wrdreg $0xFFFFFFFF;
	(pc) =	sbr.abs _section_cstart, $3  }
0xc0: {  	[dreg:$0x1] =	wrdreg $0xFFFFFFFF  }
0xc1: {  	_ =	task.clear_ibuf [dreg:s6], $0x2FFFF;
	_ =	strace $0x9FFFFFFF  }
0xc2: {  	(tm) =	ssettm $0x7FFFFFFF  }
0xc3: {  	_ =	shalt  }
tec
execute0_lowered:
.L_overlay_start_1:
0x0: {  	(tag) =	ssettag $0x1  }
0x1: {  	s0 =	rddreg [dreg:$0x0]  }
0x2: {  	s2 =	rddreg [dreg:$0x1];
	s1 =	srdreg.scid  }
0x3: {  	s10 =	stileid.u32;
	s3 =	simm.s32 $0x0;
	s12 =	simm.s32 $0x1  }
0x4: {  	s13 =	simm.s32 $0x8;
	s14 =	simm.s32 $0x10;
	s15 =	simm.s32 $0xB  }
0x5: {  	s16 =	simm.s32 $0x5000;
	s17 =	simm.s32 $0x7D;
	s18 =	simm.s32 $0xA000  }
0x6: {  	s20 =	simm.s32 $0xBF40;
	s29 =	simm.s32 $0x11D00;
	s30 =	simm.s32 $0x3  }
0x7: {  	s19 =	simm.s32 $0x4;
	s28 =	simm.s32 $0x5;
	s21 =	simm.s32 $0xA  }
0x8: {  	s1 =	sand.u32 $0x1, s1;
	s4 =	smul.u32 $0x5000, s10;
	[smem:$0x7FF] =	sst s3  }
0x9: {  	s5 =	sadd.s32 $0x2000, s0;
	s7 =	smul.u32 $0x278, s10;
	s25 =	sshll.u32 s10, $0x6  }
0xa: {  	s6 =	smul.u32 $0x50000, s1;
	_ =	strace $0x8000004A;
	[dreg:$0x3] =	wrdreg s5  }
0xb: {  	s5 =	sadd.s32 $0x2C600, s0;
	s22 =	ssub.s32 $0x2, s1;
	s1 =	sshll.u32 s1, $0x3  }
0xc: {  	s9 =	sshrl.u32 s22, $0x1;
	s7 =	smin.u32 s7, $0x2498;
	s6 =	sadd.s32 s4, s6  }
0xd: {  	s4 =	sshrl.u32 s4, $0x3;
	s23 =	ssub.s32 s22, s9;
	s24 =	sshll.u32 s7, $0x6  }
0xe: {  	s26 =	sshll.u32 s7, $0x4;
	s22 =	simm.s32 $0xDE80;
	s6 =	sshrl.u32 s6, $0x3  }
0xf: {  	s4 =	sadd.s32 s4, s0;
	s11 =	sadd.s32 s24, s2;
	s10 =	smax.u32 s23, $0x1  }
0x10: {  	s24 =	simm.s32 $0xFDC0;
	s23 =	simm.s32 $0x7;
	s8 =	sadd.s32 s6, s0  }
0x11: {  	s0 =	sadd.s32 s1, s0;
	s6 =	sor.u32 $0x1C0B, s25;
	s11 =	sshrl.u32 s11, $0x3  }
0x12: {  	s25 =	simm.s32 $0x2;
	s1 =	simm.s32 $0x9;
	s31 =	sadd.s32 $0x18600, s8  }
0x13: {  	s0 =	sadd.s32 s26, s0;
	s8 =	sadd.s32 $0xE600, s4;
	s26 =	simm.s32 $0x0  }
0x14: {  	[dreg:$0x4] =	wrdreg s31;
	s9 =	sadd.s32 $0x7AA00, s0;
	s0 =	simm.s32 $0x6  }
.LBB2_1:
0x15: {  	s4 =	rddreg [dreg:$0x3]  }
0x16: {  	[spmem:s11@s13], [sflag:s6] =	dma.strided [hbm:s4@s14], $0x13C0, s12, $0x8   }
0x17: {  	_ =	swait.ge [sflag:s15], $0x13C0  }
0x18: {  	[sflag:s15] =	ssyncset.done $0x0  }
0x19: {  	s7 =	rddreg [dreg:$0x4];
	[sflag:s15] =	ssyncadd.s32 $0xFFFFEC40  }
0x1a: {  	[tilespmem:s3], [sflag:$0xB] =	stream.linear.gather [hbm4b:s7+s3], $0x5000, $0x38;
	[tilespmem:$0x1D880] =	vst v63  }
0x1b: {  	_ =	swait.ge [sflag:s15], $0x5000  }
0x1c: {  	[sflag:s15] =	ssyncset.done $0x0  }
0x1d: {  	[sflag:s15] =	ssyncadd.s32 $0xFFFFB000  }
0x1e: {  	[tilespmem:s16], [sflag:$0xB] =	stream.linear.gather [hbm4b:s8+s3], $0x5000, $0x38;
	[tilespmem:$0x1D880] =	vst v63  }
0x1f: {  	_ =	swait.ge [sflag:s15], $0x5000  }
0x20: {  	[sflag:s15] =	ssyncset.done $0x0  }
0x21: {  	[sflag:s15] =	ssyncadd.s32 $0xFFFFB000  }
0x22: {  	[bflag:$0x0] =	sbarrier.arrive $0xFFFF  }
0x23: {  	[tilespmem:s18], [sflag:$0x1] =	stream.indirect.gather [hbm4b:s5+s17], $0x40, s3, s17, $0xb8;
	[tilespmem:$0x1D880] =	vst v63  }
0x24: {  	s7 =	simm.s32 $0x80  }
0x25: {  	[tilespmem:s20], [sflag:$0x2] =	stream.indirect.gather [hbm4b:s5+s17], $0x40, s7, s17, $0xb8;
	[tilespmem:$0x1D880] =	vst v63  }
0x26: {  	s7 =	simm.s32 $0x100  }
0x27: {  	[tilespmem:s22], [sflag:$0x3] =	stream.indirect.gather [hbm4b:s5+s17], $0x40, s7, s17, $0xb8;
	[tilespmem:$0x1D880] =	vst v63  }
0x28: {  	_ =	swait.ge [sflag:s12], $0x1F40  }
0x29: {  	[sflag:s12] =	ssyncset.done $0x0  }
0x2a: {  	[sflag:s12] =	ssyncadd.s32 $0xFFFFE0C0  }
0x2b: {  	[spmem:s2] =	stream.indirect.scatter.add.f32 [tilespmem:s18], [sflag:$0x6], $0x40, s16, s17, $0xb8;
	[tilespmem:$0x1D880] =	vst v63  }
0x2c: {  	s7 =	simm.s32 $0x180  }
0x2d: {  	[tilespmem:s24], [sflag:$0x4] =	stream.indirect.gather [hbm4b:s5+s17], $0x40, s7, s17, $0xb8;
	[tilespmem:$0x1D880] =	vst v63  }
0x2e: {  	_ =	swait.ge [sflag:s25], $0x1F40  }
0x2f: {  	[sflag:s25] =	ssyncset.done $0x0  }
0x30: {  	s7 =	simm.s32 $0x5080;
	[sflag:s25] =	ssyncadd.s32 $0xFFFFE0C0  }
0x31: {  	[spmem:s2] =	stream.indirect.scatter.add.f32 [tilespmem:s20], [sflag:$0x7], $0x40, s7, s17, $0xb8;
	[tilespmem:$0x1D880] =	vst v63  }
0x32: {  	s7 =	simm.s32 $0x200  }
0x33: {  	[tilespmem:s29], [sflag:$0x5] =	stream.indirect.gather [hbm4b:s5+s17], $0x40, s7, s17, $0xb8;
	[tilespmem:$0x1D880] =	vst v63  }
0x34: {  	_ =	swait.ge [sflag:s30], $0x1F40  }
0x35: {  	[sflag:s30] =	ssyncset.done $0x0  }
0x36: {  	s7 =	simm.s32 $0x5100;
	[sflag:s30] =	ssyncadd.s32 $0xFFFFE0C0  }
0x37: {  	[spmem:s2] =	stream.indirect.scatter.add.f32 [tilespmem:s22], [sflag:$0x8], $0x40, s7, s17, $0xb8;
	[tilespmem:$0x1D880] =	vst v63  }
0x38: {  	_ =	swait.ge [sflag:s0], $0x1F40  }
0x39: {  	[sflag:s0] =	ssyncset.done $0x0  }
0x3a: {  	s7 =	simm.s32 $0x280;
	[sflag:s0] =	ssyncadd.s32 $0xFFFFE0C0  }
0x3b: {  	[tilespmem:s18], [sflag:$0x1] =	stream.indirect.gather [hbm4b:s5+s17], $0x40, s7, s17, $0xb8;
	[tilespmem:$0x1D880] =	vst v63  }
0x3c: {  	_ =	swait.ge [sflag:s19], $0x1F40  }
0x3d: {  	[sflag:s19] =	ssyncset.done $0x0  }
0x3e: {  	s7 =	simm.s32 $0x5180;
	[sflag:s19] =	ssyncadd.s32 $0xFFFFE0C0  }
0x3f: {  	[spmem:s2] =	stream.indirect.scatter.add.f32 [tilespmem:s24], [sflag:$0x9], $0x40, s7, s17, $0xb8;
	[tilespmem:$0x1D880] =	vst v63  }
0x40: {  	_ =	swait.ge [sflag:s23], $0x1F40  }
0x41: {  	[sflag:s23] =	ssyncset.done $0x0  }
0x42: {  	s7 =	simm.s32 $0x300;
	[sflag:s23] =	ssyncadd.s32 $0xFFFFE0C0  }
0x43: {  	[tilespmem:s20], [sflag:$0x2] =	stream.indirect.gather [hbm4b:s5+s17], $0x40, s7, s17, $0xb8;
	[tilespmem:$0x1D880] =	vst v63  }
0x44: {  	_ =	swait.ge [sflag:s28], $0x1F40  }
0x45: {  	[sflag:s28] =	ssyncset.done $0x0  }
0x46: {  	s7 =	simm.s32 $0x5200;
	[sflag:s28] =	ssyncadd.s32 $0xFFFFE0C0  }
0x47: {  	[spmem:s2] =	stream.indirect.scatter.add.f32 [tilespmem:s29], [sflag:$0xA], $0x40, s7, s17, $0xb8;
	[tilespmem:$0x1D880] =	vst v63  }
0x48: {  	_ =	swait.ge [sflag:s13], $0x1F40  }
0x49: {  	[sflag:s13] =	ssyncset.done $0x0  }
0x4a: {  	s7 =	simm.s32 $0x380;
	[sflag:s13] =	ssyncadd.s32 $0xFFFFE0C0  }
0x4b: {  	[tilespmem:s22], [sflag:$0x3] =	stream.indirect.gather [hbm4b:s5+s17], $0x40, s7, s17, $0xb8;
	[tilespmem:$0x1D880] =	vst v63  }
0x4c: {  	_ =	swait.ge [sflag:s12], $0x1F40  }
0x4d: {  	[sflag:s12] =	ssyncset.done $0x0  }
0x4e: {  	s7 =	simm.s32 $0x5280;
	[sflag:s12] =	ssyncadd.s32 $0xFFFFE0C0  }
0x4f: {  	[spmem:s2] =	stream.indirect.scatter.add.f32 [tilespmem:s18], [sflag:$0x6], $0x40, s7, s17, $0xb8;
	[tilespmem:$0x1D880] =	vst v63  }
0x50: {  	_ =	swait.ge [sflag:s1], $0x1F40  }
0x51: {  	[sflag:s1] =	ssyncset.done $0x0  }
0x52: {  	s7 =	simm.s32 $0x400;
	[sflag:s1] =	ssyncadd.s32 $0xFFFFE0C0  }
0x53: {  	[tilespmem:s24], [sflag:$0x4] =	stream.indirect.gather [hbm4b:s5+s17], $0x40, s7, s17, $0xb8;
	[tilespmem:$0x1D880] =	vst v63  }
0x54: {  	_ =	swait.ge [sflag:s25], $0x1F40  }
0x55: {  	[sflag:s25] =	ssyncset.done $0x0  }
0x56: {  	s7 =	simm.s32 $0x5300;
	[sflag:s25] =	ssyncadd.s32 $0xFFFFE0C0  }
0x57: {  	[spmem:s2] =	stream.indirect.scatter.add.f32 [tilespmem:s20], [sflag:$0x7], $0x40, s7, s17, $0xb8;
	[tilespmem:$0x1D880] =	vst v63  }
0x58: {  	_ =	swait.ge [sflag:s21], $0x1F40  }
0x59: {  	[sflag:s21] =	ssyncset.done $0x0  }
0x5a: {  	s7 =	simm.s32 $0x480;
	[sflag:s21] =	ssyncadd.s32 $0xFFFFE0C0  }
0x5b: {  	[tilespmem:s29], [sflag:$0x5] =	stream.indirect.gather [hbm4b:s5+s17], $0x40, s7, s17, $0xb8;
	[tilespmem:$0x1D880] =	vst v63  }
0x5c: {  	_ =	swait.ge [sflag:s30], $0x1F40  }
0x5d: {  	[sflag:s30] =	ssyncset.done $0x0  }
0x5e: {  	s7 =	simm.s32 $0x5380;
	[sflag:s30] =	ssyncadd.s32 $0xFFFFE0C0  }
0x5f: {  	[spmem:s2] =	stream.indirect.scatter.add.f32 [tilespmem:s22], [sflag:$0x8], $0x40, s7, s17, $0xb8;
	[tilespmem:$0x1D880] =	vst v63  }
0x60: {  	_ =	swait.ge [sflag:s0], $0x1F40  }
0x61: {  	[sflag:s0] =	ssyncset.done $0x0  }
0x62: {  	s7 =	simm.s32 $0x500;
	[sflag:s0] =	ssyncadd.s32 $0xFFFFE0C0  }
0x63: {  	[tilespmem:s18], [sflag:$0x1] =	stream.indirect.gather [hbm4b:s5+s17], $0x40, s7, s17, $0xb8;
	[tilespmem:$0x1D880] =	vst v63  }
0x64: {  	_ =	swait.ge [sflag:s19], $0x1F40  }
0x65: {  	[sflag:s19] =	ssyncset.done $0x0  }
0x66: {  	s7 =	simm.s32 $0x5400;
	[sflag:s19] =	ssyncadd.s32 $0xFFFFE0C0  }
0x67: {  	[spmem:s2] =	stream.indirect.scatter.add.f32 [tilespmem:s24], [sflag:$0x9], $0x40, s7, s17, $0xb8;
	[tilespmem:$0x1D880] =	vst v63  }
0x68: {  	_ =	swait.ge [sflag:s23], $0x1F40  }
0x69: {  	[sflag:s23] =	ssyncset.done $0x0  }
0x6a: {  	s7 =	simm.s32 $0x580;
	[sflag:s23] =	ssyncadd.s32 $0xFFFFE0C0  }
0x6b: {  	[tilespmem:s20], [sflag:$0x2] =	stream.indirect.gather [hbm4b:s5+s17], $0x40, s7, s17, $0xb8;
	[tilespmem:$0x1D880] =	vst v63  }
0x6c: {  	_ =	swait.ge [sflag:s28], $0x1F40  }
0x6d: {  	[sflag:s28] =	ssyncset.done $0x0  }
0x6e: {  	s31 =	simm.s32 $0xA00;
	s4 =	simm.s32 $0x5480;
	[sflag:s28] =	ssyncadd.s32 $0xFFFFE0C0  }
.LBB2_2:
0x6f: {  	[spmem:s2] =	stream.indirect.scatter.add.f32 [tilespmem:s29], [sflag:$0xA], $0x40, s4, s17, $0xb8;
	[tilespmem:$0x1D880] =	vst v63  }
0x70: {  	s4 =	smov.u32 s31;
	s31 =	sadd.s32 $0xA00, s31;
	_ =	swait.ge [sflag:s13], $0x1F40  }
0x71: {  	s4 =	sshra.s32 s4, $0x2;
	p0 =	sne.s32 s31, $0x12C00;
	[sflag:s13] =	ssyncset.done $0x0  }
0x72: {  	s7 =	sadd.s32 $0x380, s4;
	[sflag:s13] =	ssyncadd.s32 $0xFFFFE0C0  }
0x73: {  	[tilespmem:s22], [sflag:$0x3] =	stream.indirect.gather [hbm4b:s5+s17], $0x40, s7, s17, $0xb8;
	[tilespmem:$0x1D880] =	vst v63  }
0x74: {  	_ =	swait.ge [sflag:s12], $0x1F40  }
0x75: {  	[sflag:s12] =	ssyncset.done $0x0  }
0x76: {  	s7 =	sadd.s32 $0x5280, s4;
	[sflag:s12] =	ssyncadd.s32 $0xFFFFE0C0  }
0x77: {  	[spmem:s2] =	stream.indirect.scatter.add.f32 [tilespmem:s18], [sflag:$0x6], $0x40, s7, s17, $0xb8;
	[tilespmem:$0x1D880] =	vst v63  }
0x78: {  	_ =	swait.ge [sflag:s1], $0x1F40  }
0x79: {  	[sflag:s1] =	ssyncset.done $0x0  }
0x7a: {  	s7 =	sadd.s32 $0x400, s4;
	[sflag:s1] =	ssyncadd.s32 $0xFFFFE0C0  }
0x7b: {  	[tilespmem:s24], [sflag:$0x4] =	stream.indirect.gather [hbm4b:s5+s17], $0x40, s7, s17, $0xb8;
	[tilespmem:$0x1D880] =	vst v63  }
0x7c: {  	_ =	swait.ge [sflag:s25], $0x1F40  }
0x7d: {  	[sflag:s25] =	ssyncset.done $0x0  }
0x7e: {  	s7 =	sadd.s32 $0x5300, s4;
	[sflag:s25] =	ssyncadd.s32 $0xFFFFE0C0  }
0x7f: {  	[spmem:s2] =	stream.indirect.scatter.add.f32 [tilespmem:s20], [sflag:$0x7], $0x40, s7, s17, $0xb8;
	[tilespmem:$0x1D880] =	vst v63  }
0x80: {  	_ =	swait.ge [sflag:s21], $0x1F40  }
0x81: {  	[sflag:s21] =	ssyncset.done $0x0  }
0x82: {  	s7 =	sadd.s32 $0x480, s4;
	[sflag:s21] =	ssyncadd.s32 $0xFFFFE0C0  }
0x83: {  	[tilespmem:s29], [sflag:$0x5] =	stream.indirect.gather [hbm4b:s5+s17], $0x40, s7, s17, $0xb8;
	[tilespmem:$0x1D880] =	vst v63  }
0x84: {  	_ =	swait.ge [sflag:s30], $0x1F40  }
0x85: {  	[sflag:s30] =	ssyncset.done $0x0  }
0x86: {  	s7 =	sadd.s32 $0x5380, s4;
	[sflag:s30] =	ssyncadd.s32 $0xFFFFE0C0  }
0x87: {  	[spmem:s2] =	stream.indirect.scatter.add.f32 [tilespmem:s22], [sflag:$0x8], $0x40, s7, s17, $0xb8;
	[tilespmem:$0x1D880] =	vst v63  }
0x88: {  	_ =	swait.ge [sflag:s0], $0x1F40  }
0x89: {  	[sflag:s0] =	ssyncset.done $0x0  }
0x8a: {  	s7 =	sadd.s32 $0x500, s4;
	[sflag:s0] =	ssyncadd.s32 $0xFFFFE0C0  }
0x8b: {  	[tilespmem:s18], [sflag:$0x1] =	stream.indirect.gather [hbm4b:s5+s17], $0x40, s7, s17, $0xb8;
	[tilespmem:$0x1D880] =	vst v63  }
0x8c: {  	_ =	swait.ge [sflag:s19], $0x1F40  }
0x8d: {  	[sflag:s19] =	ssyncset.done $0x0  }
0x8e: {  	s7 =	sadd.s32 $0x5400, s4;
	[sflag:s19] =	ssyncadd.s32 $0xFFFFE0C0  }
0x8f: {  	[spmem:s2] =	stream.indirect.scatter.add.f32 [tilespmem:s24], [sflag:$0x9], $0x40, s7, s17, $0xb8;
	[tilespmem:$0x1D880] =	vst v63  }
0x90: {  	_ =	swait.ge [sflag:s23], $0x1F40  }
0x91: {  	[sflag:s23] =	ssyncset.done $0x0  }
.Ltmp0:
0x92: {  	s7 =	sadd.s32 $0x580, s4;
	[sflag:s23] =	ssyncadd.s32 $0xFFFFE0C0;
	(pc) =	sbr.rel @p0 .LBB2_2-.Ltmp0, $4  }
0x93: {  	[tilespmem:s20], [sflag:$0x2] =	stream.indirect.gather [hbm4b:s5+s17], $0x40, s7, s17, $0xb8;
	[tilespmem:$0x1D880] =	vst v63  }
0x94: {  	_ =	swait.ge [sflag:s28], $0x1F40  }
0x95: {  	[sflag:s28] =	ssyncset.done $0x0  }
0x96: {  	s4 =	sadd.s32 $0x5480, s4;
	[sflag:s28] =	ssyncadd.s32 $0xFFFFE0C0  }
0x97: {  	[spmem:s2] =	stream.indirect.scatter.add.f32 [tilespmem:s29], [sflag:$0xA], $0x40, s4, s17, $0xb8;
	[tilespmem:$0x1D880] =	vst v63  }
0x98: {  	_ =	swait.ge [sflag:s13], $0x1F40  }
0x99: {  	s4 =	sshra.s32 s31, $0x2;
	[sflag:s13] =	ssyncset.done $0x0  }
0x9a: {  	s7 =	sadd.s32 $0x380, s4;
	[sflag:s13] =	ssyncadd.s32 $0xFFFFE0C0  }
0x9b: {  	[tilespmem:s22], [sflag:$0x3] =	stream.indirect.gather [hbm4b:s5+s17], $0x40, s7, s17, $0xb8;
	[tilespmem:$0x1D880] =	vst v63  }
0x9c: {  	_ =	swait.ge [sflag:s12], $0x1F40  }
0x9d: {  	[sflag:s12] =	ssyncset.done $0x0  }
0x9e: {  	s31 =	sadd.s32 $0x5280, s4;
	[sflag:s12] =	ssyncadd.s32 $0xFFFFE0C0  }
0x9f: {  	[spmem:s2] =	stream.indirect.scatter.add.f32 [tilespmem:s18], [sflag:$0x6], $0x40, s31, s17, $0xb8;
	[tilespmem:$0x1D880] =	vst v63  }
0xa0: {  	_ =	swait.ge [sflag:s1], $0x1F40  }
0xa1: {  	[sflag:s1] =	ssyncset.done $0x0  }
0xa2: {  	s31 =	sadd.s32 $0x400, s4;
	[sflag:s1] =	ssyncadd.s32 $0xFFFFE0C0  }
0xa3: {  	[tilespmem:s24], [sflag:$0x4] =	stream.indirect.gather [hbm4b:s5+s17], $0x40, s31, s17, $0xb8;
	[tilespmem:$0x1D880] =	vst v63  }
0xa4: {  	_ =	swait.ge [sflag:s25], $0x1F40  }
0xa5: {  	[sflag:s25] =	ssyncset.done $0x0  }
0xa6: {  	s31 =	sadd.s32 $0x5300, s4;
	[sflag:s25] =	ssyncadd.s32 $0xFFFFE0C0  }
0xa7: {  	[spmem:s2] =	stream.indirect.scatter.add.f32 [tilespmem:s20], [sflag:$0x7], $0x40, s31, s17, $0xb8;
	[tilespmem:$0x1D880] =	vst v63  }
0xa8: {  	_ =	swait.ge [sflag:s21], $0x1F40  }
0xa9: {  	[sflag:s21] =	ssyncset.done $0x0  }
0xaa: {  	s31 =	simm.s32 $0x4F80;
	[sflag:s21] =	ssyncadd.s32 $0xFFFFE0C0  }
0xab: {  	[tilespmem:s29], [sflag:$0x5] =	stream.indirect.gather [hbm4b:s5+s17], $0x40, s31, s17, $0xb8;
	[tilespmem:$0x1D880] =	vst v63  }
0xac: {  	_ =	swait.ge [sflag:s30], $0x1F40  }
0xad: {  	[sflag:s30] =	ssyncset.done $0x0  }
0xae: {  	s31 =	sadd.s32 $0x5380, s4;
	[sflag:s30] =	ssyncadd.s32 $0xFFFFE0C0  }
0xaf: {  	[spmem:s2] =	stream.indirect.scatter.add.f32 [tilespmem:s22], [sflag:$0x8], $0x40, s31, s17, $0xb8;
	[tilespmem:$0x1D880] =	vst v63  }
0xb0: {  	_ =	swait.ge [sflag:s19], $0x1F40  }
0xb1: {  	[sflag:s19] =	ssyncset.done $0x0  }
0xb2: {  	s4 =	sadd.s32 $0x5400, s4;
	[sflag:s19] =	ssyncadd.s32 $0xFFFFE0C0  }
0xb3: {  	[spmem:s2] =	stream.indirect.scatter.add.f32 [tilespmem:s24], [sflag:$0x9], $0x40, s4, s17, $0xb8;
	[tilespmem:$0x1D880] =	vst v63  }
0xb4: {  	_ =	swait.ge [sflag:s28], $0x1F40  }
0xb5: {  	[sflag:s28] =	ssyncset.done $0x0  }
0xb6: {  	s31 =	simm.s32 $0x9F80;
	[sflag:s28] =	ssyncadd.s32 $0xFFFFE0C0  }
0xb7: {  	[spmem:s2] =	stream.indirect.scatter.add.f32 [tilespmem:s29], [sflag:$0xA], $0x40, s31, s17, $0xb8;
	[tilespmem:$0x1D880] =	vst v63  }
0xb8: {  	_ =	swait.ge [sflag:s0], $0x1F40  }
0xb9: {  	[sflag:s0] =	ssyncset.done $0x0  }
0xba: {  	[sflag:s0] =	ssyncadd.s32 $0xFFFFE0C0  }
0xbb: {  	_ =	swait.ge [sflag:s23], $0x1F40  }
0xbc: {  	[sflag:s23] =	ssyncset.done $0x0  }
0xbd: {  	[sflag:s23] =	ssyncadd.s32 $0xFFFFE0C0  }
0xbe: {  	_ =	swait.ge [sflag:s13], $0x1F40  }
0xbf: {  	[sflag:s13] =	ssyncset.done $0x0  }
0xc0: {  	[sflag:s13] =	ssyncadd.s32 $0xFFFFE0C0  }
0xc1: {  	_ =	swait.ge [sflag:s1], $0x1F40  }
0xc2: {  	[sflag:s1] =	ssyncset.done $0x0  }
0xc3: {  	[sflag:s1] =	ssyncadd.s32 $0xFFFFE0C0  }
0xc4: {  	_ =	swait.ge [sflag:s21], $0x1F40  }
0xc5: {  	s26 =	sadd.s32 $0x1, s26;
	[sflag:s21] =	ssyncset.done $0x0  }
0xc6: {  	p0 =	sne.s32 s26, s10;
	[sflag:s21] =	ssyncadd.s32 $0xFFFFE0C0  }
.Ltmp1:
0xc7: {  	[bflag:$0x0] =	sbarrier.arrive $0xFFFF;
	(pc) =	sbr.rel @p0 .LBB2_1-.Ltmp1, $4  }
0xc8: {  	[hbm:s9@s14], [sflag:s6] =	dma.strided [spmem:s11@s13], $0x13C0, s12, $0x8   }
0xc9: {  	_ =	swait.ge [sflag:s15], $0x13C0  }
0xca: {  	[sflag:s15] =	ssyncset.done $0x0  }
0xcb: {  	[sflag:s15] =	ssyncadd.s32 $0xFFFFEC40  }
0xcc: {  	_ =	sfence.sel $0x180000  }
0xcd: {  	[bflag:$0x0] =	sbarrier.arrive $0xFFFF  }
0xce: {  	_ =	strace $0x9000004A  }
0xcf: {  	s0 =	stileid.u32;
	[bflag:$0x2] =	sbarrier.arrive $0xFFFF  }
0xd0: {  	p0 =	sne.s32 s0, $0x0;
	s0 =	rddreg [dreg:$0x2]  }
0xd1: {  	s0 =	sadd.s32 @!p0 $0x100000, s0  }
0xd2: {  	[sflag:s0] =	ssyncadd.tile.s32 @!p0 $0x1;
	_ =	shalt  }
.Lfunc_end2:
_tile_overlayer_lowered:
.L_overlay_start_2:
0xd3: {  	(tag) =	ssettag $0x2  }
0xd4: {  	s0 =	rddreg [dreg:$0x0];
	s2 =	stileid.u32  }
0xd5: {  	s1 =	rddreg [dreg:$0x1];
	p0 =	sne.s32 s2, $0x0  }
0xd6: {  	s3 =	rddreg [dreg:$0x2];
	[bflag:$0x3] =	sbarrier.arrive $0xFFFF;
	s2 =	simm.s32 @!p0 $0x1C0B  }
0xd7: {  	[timem:s3], [sflag:s2] =	dma.local @!p0 [hbm:s0], s1  }
0xd8: {  	s0 =	simm.s32 @!p0 $0xB  }
0xd9: {  	_ =	swait.ge @!p0 [sflag:s0], s1  }
0xda: {  	s1 =	ssub.s32 @!p0 $0x0, s1;
	[sflag:s0] =	ssyncset.done @!p0 $0x0  }
0xdb: {  	[sflag:s0] =	ssyncadd.s32 @!p0 s1  }
0xdc: {  	[bflag:$0x3] =	sbarrier.arrive $0xFFFF  }
0xdd: {  	_ =	shalt  }

// kernel: kernel.13.cloned.1.call-start
scs
__scs_entry_jumppad:
0x0: {  	(pc) =	sbr.rel $0x88, $3  }
0x1: {  	(tag) =	ssettag $0x0;
	lr =	simm.s32 $0x1  }
0x2: {  	[smem:$0x3F9B] =	sst lr;
	_ =	strace $0xD0000000  }
0x3: {  	_ = 	snop  }
0x4: {  	_ = 	snop  }
0x5: {  	_ = 	snop  }
0x6: {  	_ = 	snop  }
0x7: {  	_ = 	snop  }
__scs_overlays_trampoline_lowered:
0x8: {  	[smem:$0x3FAA] =	sst s0  }
0x9: {  	[smem:$0x3FAB] =	sst s1  }
0xa: {  	[smem:$0x3FAC] =	sst s2  }
0xb: {  	[smem:$0x3FAD] =	sst s3  }
0xc: {  	[smem:$0x3FAE] =	sst s4  }
0xd: {  	[smem:$0x3FAF] =	sst s5  }
0xe: {  	[smem:$0x3FB0] =	sst s6  }
0xf: {  	[smem:$0x3FB1] =	sst s7  }
0x10: {  	[smem:$0x3FB2] =	sst s8  }
0x11: {  	[smem:$0x3FB3] =	sst s9;
	s0 =	simm.s32 @!p0 $0x0  }
0x12: {  	s1 =	sld [smem:$0x3F99];
	s0 =	simm.s32 @p0 $0x1  }
0x13: {  	[smem:$0x3FB4] =	sst s0;
	s0 =	simm.s32 @!p1 $0x0  }
0x14: {  	s2 =	sld [smem:$0x3F98];
	s0 =	simm.s32 @p1 $0x1  }
0x15: {  	[smem:$0x3FB5] =	sst s0;
	s0 =	simm.s32 @!p2 $0x0  }
0x16: {  	s3 =	sld [smem:$0x3FDB];
	s0 =	simm.s32 @p2 $0x1  }
0x17: {  	s4 =	simm.s32 $0x1BF5;
	[smem:$0x3FB7] =	sst s0  }
0x18: {  	s0 =	sld [smem:$0x3F9A];
	_ =	swait.ge [sflag:s4], $0x0  }
0x19: {  	s7 =	sld [smem:$0x3F9B]  }
0x1a: {  	s8 =	sadd.s32 $0xFFFFE003, lr  }
0x1b: {  	s9 =	sadd.s32 $0xFFFFFEF7, lr;
	s5 =	simm.s32 $0xFFFFFFFF;
	p2 =	slt.u32 s8, $0xFFFFF086  }
0x1c: {  	p1 =	slt.u32 s9, $0xF7A;
	s5 =	simm.s32 @!p2 $0x0  }
0x1d: {  	s5 =	simm.s32 @p1 $0x1;
	p0 =	seq.s32 s7, s2  }
0x1e: {  	s7 =	smul.u32 @!p0 $0xF7A, s2;
	p2 =	seq.s32 @!p0 s5, $0x0  }
0x1f: {  	s9 =	smul.u32 $0xF7A, s1;
	s8 =	simm.s32 @!p0 $0x1BF5;
	p2 =	por !p2, p0  }
0x20: {  	[sflag:s8] =	ssyncset.s32 @!p0 $0xFFFFF086;
	s6 =	sadd.s32 @!p0 s3, s7;
	s7 =	simm.s32 @!p0 $0x108  }
0x21: {  	s3 =	sadd.s32 s3, s9;
	s6 =	sadd.s32 @!p0 $0x88, s6;
	s7 =	simm.s32 @p2 $0x1082  }
0x22: {  	[simem:s7], [sflag:s8] =	dma.local @!p0 [hbm:s6], $0xF7A  }
0x23: {  	s9 =	sor.u32 $0xD0000000, s2;
	s6 =	simm.s32 $0x108;
	_ =	swait.ge @!p0 [sflag:s8], $0x0  }
0x24: {  	s3 =	sadd.s32 $0x88, s3;
	s6 =	simm.s32 @!p1 $0x1082;
	[sflag:s4] =	ssyncset.s32 $0xFFFFF086  }
0x25: {  	[simem:s6], [sflag:s4] =	dma.local [hbm:s3], $0xF7A  }
0x26: {  	[smem:$0x3F9B] =	sst s1;
	(tag) =	ssettag s2;
	_ =	strace s9  }
0x27: {  	s1 =	sld [smem:$0x3FAB]  }
0x28: {  	s2 =	sld [smem:$0x3FAC]  }
0x29: {  	s4 =	sld [smem:$0x3FAE]  }
0x2a: {  	p0 =	seq.s32 s5, $0x0;
	s5 =	sld [smem:$0x3FAF]  }
0x2b: {  	s6 =	sld [smem:$0x3FB0]  }
0x2c: {  	s7 =	sld [smem:$0x3FB1]  }
0x2d: {  	s3 =	simm.s32 $0x108;
	s8 =	sld [smem:$0x3FB2]  }
0x2e: {  	s3 =	simm.s32 @!p0 $0x1082;
	s9 =	sld [smem:$0x3FB3]  }
0x2f: {  	lr =	sadd.s32 s0, s3;
	s0 =	sld [smem:$0x3FAA]  }
0x30: {  	s3 =	sld [smem:$0x3FAD]  }
0x31: {  	[smem:$0x3FB6] =	sst s10  }
0x32: {  	s10 =	sld [smem:$0x3FB4];
	_ =	sdelay $0x3  }
0x33: {  	p0 =	seq.s32 s10, $0x1;
	s10 =	sld [smem:$0x3FB6];
	_ =	sdelay $0x3  }
0x34: {  	[smem:$0x3FB6] =	sst s10  }
0x35: {  	s10 =	sld [smem:$0x3FB5];
	_ =	sdelay $0x3  }
0x36: {  	p1 =	seq.s32 s10, $0x1;
	s10 =	sld [smem:$0x3FB6];
	_ =	sdelay $0x3  }
0x37: {  	[smem:$0x3FB6] =	sst s10  }
0x38: {  	s10 =	sld [smem:$0x3FB7]  }
0x39: {  	_ = 	snop;
	(pc) =	sbr.ind lr, $3  }
0x3a: {  	_ = 	snop  }
0x3b: {  	_ = 	snop  }
0x3c: {  	p2 =	seq.s32 s10, $0x1;
	s10 =	sld [smem:$0x3FB6]  }
0x3d: {  	_ =	shalt  }
0x3e: {  	_ =	shalt  }
0x3f: {  	_ =	shalt  }
0x40: {  	_ =	shalt  }
0x41: {  	_ =	shalt  }
0x42: {  	_ =	shalt  }
0x43: {  	_ =	shalt  }
0x44: {  	_ =	shalt  }
0x45: {  	_ =	shalt  }
0x46: {  	_ =	shalt  }
0x47: {  	_ =	shalt  }
0x48: {  	_ =	shalt  }
0x49: {  	_ =	shalt  }
0x4a: {  	_ =	shalt  }
0x4b: {  	_ =	shalt  }
0x4c: {  	_ =	shalt  }
0x4d: {  	_ =	shalt  }
0x4e: {  	_ =	shalt  }
0x4f: {  	_ =	shalt  }
0x50: {  	_ =	shalt  }
0x51: {  	_ =	shalt  }
0x52: {  	_ =	shalt  }
0x53: {  	_ =	shalt  }
0x54: {  	_ =	shalt  }
0x55: {  	_ =	shalt  }
0x56: {  	_ =	shalt  }
0x57: {  	_ =	shalt  }
0x58: {  	_ =	shalt  }
0x59: {  	_ =	shalt  }
0x5a: {  	_ =	shalt  }
0x5b: {  	_ =	shalt  }
0x5c: {  	_ =	shalt  }
0x5d: {  	_ =	shalt  }
0x5e: {  	_ =	shalt  }
0x5f: {  	_ =	shalt  }
0x60: {  	_ =	shalt  }
0x61: {  	_ =	shalt  }
0x62: {  	_ =	shalt  }
0x63: {  	_ =	shalt  }
0x64: {  	_ =	shalt  }
0x65: {  	_ =	shalt  }
0x66: {  	_ =	shalt  }
0x67: {  	_ =	shalt  }
0x68: {  	_ =	shalt  }
0x69: {  	_ =	shalt  }
0x6a: {  	_ =	shalt  }
0x6b: {  	_ =	shalt  }
0x6c: {  	_ =	shalt  }
0x6d: {  	_ =	shalt  }
0x6e: {  	_ =	shalt  }
0x6f: {  	_ =	shalt  }
0x70: {  	_ =	shalt  }
0x71: {  	_ =	shalt  }
0x72: {  	_ =	shalt  }
0x73: {  	_ =	shalt  }
0x74: {  	_ =	shalt  }
0x75: {  	_ =	shalt  }
0x76: {  	_ =	shalt  }
0x77: {  	_ =	shalt  }
0x78: {  	_ =	shalt  }
0x79: {  	_ =	shalt  }
0x7a: {  	_ =	shalt  }
0x7b: {  	_ =	shalt  }
0x7c: {  	_ =	shalt  }
0x7d: {  	_ =	shalt  }
0x7e: {  	_ =	shalt  }
0x7f: {  	_ =	shalt  }
0x80: {  	_ =	shalt  }
0x81: {  	_ =	shalt  }
0x82: {  	_ =	shalt  }
0x83: {  	_ =	shalt  }
0x84: {  	_ =	shalt  }
0x85: {  	_ =	shalt  }
0x86: {  	_ =	shalt  }
0x87: {  	_ =	shalt  }
.Lfunc_end0:
.L_simem_size_0:
called_computation.2_lowered:
.L_overlay_start_0:
0x88: {  	s2 =	sld [smem:$0x3FD9]  }
0x89: {  	s3 =	sld [smem:$0x3FFE];
	_ =	sdelay $0x1  }
0x8a: {  	s1 =	srdreg.scid  }
0x8b: {  	s0 =	sand.u32 $0x1, s1  }
0x8c: {  	s17 =	sshll.u32 s0, $0xA;
	s2 =	sadd.s32 s3, s2  }
0x8d: {  	s2 =	sadd.s32 s2, s17  }
0x8e: {  	[smem:$0x3FC2] =	sst s2  }
0x8f: {  	_ = 	snop  }
0x90: {  	s2 =	sld [smem:$0x3FC4]  }
0x91: {  	s18 =	sld [smem:$0x3FD0];
	(tm) =	ssettm $0x1  }
0x92: {  	s4 =	sld [smem:$0x3FFB];
	_ =	sdelay $0x3  }
0x93: {  	_ =	strace s4  }
0x94: {  	s4 =	sld [smem:$0x3FFC];
	_ =	sdelay $0x3  }
0x95: {  	_ =	strace s4  }
0x96: {  	s4 =	sld [smem:$0x3FFD];
	_ =	sdelay $0x3  }
0x97: {  	_ =	strace s4  }
0x98: {  	_ =	strace $0x8FFFFFFF  }
0x99: {  	s19 =	sld [smem:$0x3FDB];
	_ =	sdelay $0x1  }
0x9a: {  	s5 =	simm.s32 $_scs_section_size  }
0x9b: {  	s6 =	simm.s32 $_size__tile_overlayer_lowered;
	s7 =	simm.s32 $_tile_overlayer_lowered  }
0x9c: {  	s22 =	simm.s32 $0x1BFF;
	s21 =	sshll.u32 s7, $0x1;
	s4 =	sadd.s32 s5, s19  }
0x9d: {  	s8 =	simm.s32 $0x0;
	s20 =	sshll.u32 s6, $0x1;
	s6 =	sadd.s32 s21, s4  }
0x9e: {  	[timem:s8], [sflag:s22] =	dma.local [hbm:s6], s20  }
0x9f: {  	_ =	swait.ge [sflag:s22], s20  }
0xa0: {  	s5 =	ssub.s32 $0x0, s20;
	[sflag:s22] =	ssyncset.done $0x0  }
0xa1: {  	[sflag:s22] =	ssyncadd.s32 s5;
	_ =	sdelay $0x1  }
0xa2: {  	s23 =	simm.s32 $0x1B8B  }
0xa3: {  	_ =	swait.ge [sflag:s23], $0x1  }
0xa4: {  	[sflag:s23] =	ssyncset.done $0x0  }
0xa5: {  	s25 =	simm.s32 $0x1B8E;
	s24 =	sld [smem:$0x3FFE];
	[sflag:s23] =	ssyncadd.s32 $0xFFFFFFFF  }
0xa6: {  	s26 =	simm.s32 $execute0_lowered;
	[smem:$0x3FD2] =	sst s25  }
0xa7: {  	s6 =	sshll.u32 s26, $0x1;
	_ =	strace $0x8000004C;
	[dreg:$0x1] =	wrdreg $0xFFFFFFFF  }
0xa8: {  	s28 =	simm.s32 $_size_execute0_lowered;
	s4 =	sadd.s32 s4, s6;
	[dreg:$0x0] =	wrdreg $0x0  }
0xa9: {  	s6 =	sshll.u32 s28, $0x1;
	[dreg:$0x2] =	wrdreg s4  }
0xaa: {  	[dreg:$0x3] =	wrdreg s6  }
0xab: {  	[dreg:$0x4] =	wrdreg $0xC0  }
0xac: {  	_ =	task [dreg:s8], $0x5FFFF  }
0xad: {  	[dreg:$0x1] =	wrdreg $0xFFFFFFFF  }
0xae: {  	[dreg:$0x0] =	wrdreg $0x60  }
0xaf: {  	[dreg:$0x2] =	wrdreg s24  }
0xb0: {  	[dreg:$0x3] =	wrdreg s2  }
0xb1: {  	[dreg:$0x4] =	wrdreg s18  }
0xb2: {  	[dreg:$0x5] =	wrdreg $0x19BA00  }
0xb3: {  	[dreg:$0x6] =	wrdreg $0x9  }
0xb4: {  	_ =	task.clear_ibuf [dreg:s8], $0x7FFFF;
	_ =	strace $0x9000004C  }
0xb5: {  	s29 =	simm.s32 $0x9;
	_ =	strace $0x8000004E  }
0xb6: {  	_ =	swait.ge [sflag:s29], $0x1  }
0xb7: {  	[sflag:s29] =	ssyncadd.s32 $0xFFFFFFFF  }
0xb8: {  	_ =	strace $0x9000004E  }
0xb9: {  	_ =	sfence  }
0xba: {  	s30 =	sld [smem:$0x0];
	_ =	sdelay $0x2  }
0xbb: {  	s31 =	sshll.u32 s1, $0xD;
	s1 =	sshrl.u32 s1, $0x2  }
0xbc: {  	s3 =	sand.u32 $0x4000, s31;
	s1 =	sadd.s32 s1, s30  }
0xbd: {  	s0 =	sor.u32 s3, s0;
	s1 =	sshll.u32 s1, $0x11  }
0xbe: {  	s0 =	sor.u32 s1, s0  }
0xbf: {  	s0 =	sadd.s32 $0x8F2B, s0  }
0xc0: {  	[sflag:s0] =	ssyncadd.remote.s32 $0x1  }
0xc1: {  	_ =	sfence.sel $0xFFFF  }
0xc2: {  	[dreg:$0x0] =	wrdreg $0xFFFFFFFF;
	(pc) =	sbr.abs _section_cstart, $3  }
0xc3: {  	[dreg:$0x1] =	wrdreg $0xFFFFFFFF  }
0xc4: {  	_ =	task.clear_ibuf [dreg:s8], $0x2FFFF;
	_ =	strace $0x9FFFFFFF  }
0xc5: {  	(tm) =	ssettm $0x7FFFFFFF  }
tec
execute0_lowered:
.L_overlay_start_1:
0x0: {  	(tag) =	ssettag $0x1  }
0x1: {  	s0 =	rddreg [dreg:$0x0]  }
0x2: {  	s1 =	rddreg [dreg:$0x1];
	s2 =	srdreg.scid  }
0x3: {  	s11 =	stileid.u32;
	s3 =	rddreg [dreg:$0x2]  }
0x4: {  	s7 =	simm.s32 $0x0;
	s15 =	simm.s32 $0x1;
	s16 =	simm.s32 $0x4  }
0x5: {  	s25 =	simm.s32 $0xE680;
	s26 =	simm.s32 $0x105C0;
	s28 =	simm.s32 $0xD6E0  }
0x6: {  	s29 =	simm.s32 $0xF620;
	s30 =	simm.s32 $0x2;
	s31 =	simm.s32 $0x3  }
0x7: {  	s4 =	sand.u32 $0x1, s2;
	s6 =	smul.u32 $0x5400, s11;
	s2 =	rddreg [dreg:$0x3]  }
0x8: {  	[smem:$0x7FF] =	sst s7;
	s17 =	smul.u32 $0x278, s11;
	s8 =	sadd.s32 $0x2000, s0  }
0x9: {  	s11 =	sshll.u32 s11, $0x6;
	_ =	strace $0x8000004D;
	[dreg:$0x7] =	wrdreg s8  }
0xa: {  	s5 =	smul.u32 $0x54000, s4;
	s10 =	ssub.s32 $0x2, s4;
	[dreg:$0x5] =	wrdreg s25  }
0xb: {  	s11 =	sor.u32 $0x1C11, s11;
	s21 =	sshll.u32 s4, $0x2;
	[dreg:$0x6] =	wrdreg s26  }
0xc: {  	s25 =	simm.s32 $0xC740;
	s4 =	simm.s32 $0x0;
	s7 =	smin.u32 s17, $0x2498  }
0xd: {  	s19 =	sshrl.u32 s10, $0x1;
	[dreg:$0x9] =	wrdreg s11;
	s1 =	sadd.s32 s1, s21  }
0xe: {  	s5 =	sadd.s32 s6, s5;
	s6 =	sshrl.u32 s6, $0x3;
	s9 =	sshll.u32 s7, $0x4  }
0xf: {  	s20 =	sshll.u32 s7, $0x5;
	[dreg:$0xd] =	wrdreg s1;
	s22 =	sshll.u32 s7, $0x3  }
0x10: {  	s18 =	sshrl.u32 s5, $0x3;
	s5 =	sadd.s32 $0x7AA00, s0;
	s6 =	sadd.s32 s6, s0  }
0x11: {  	s8 =	sadd.s32 s18, s0;
	s0 =	sadd.s32 s9, s0;
	s6 =	sadd.s32 $0xA1C00, s6  }
0x12: {  	s9 =	ssub.s32 s10, s19;
	s10 =	sadd.s32 s20, s2;
	[dreg:$0xb] =	wrdreg s6  }
0x13: {  	s7 =	simm.s32 $0x10;
	s8 =	sadd.s32 $0xAC400, s8;
	[dreg:$0x8] =	wrdreg s10  }
0x14: {  	s1 =	simm.s32 $0x11560;
	s0 =	sadd.s32 $0x53800, s0;
	[dreg:$0xa] =	wrdreg s8  }
0x15: {  	s18 =	simm.s32 $0x11;
	s23 =	smax.u32 s9, $0x1;
	[dreg:$0xc] =	wrdreg s0  }
0x16: {  	s20 =	simm.s32 $0x7D;
	s24 =	sshrl.u32 s10, $0x3;
	[dreg:$0xf] =	wrdreg s23  }
0x17: {  	s19 =	simm.s32 $0x8;
	s0 =	sadd.s32 s3, s21;
	[dreg:$0x10] =	wrdreg s24  }
0x18: {  	s21 =	simm.s32 $0xA800;
	s8 =	simm.s32 $0x80;
	s0 =	sadd.s32 s22, s0  }
0x19: {  	s23 =	simm.s32 $0xB7A0;
	[dreg:$0xe] =	wrdreg s0;
	s0 =	simm.s32 $0x6  }
.LBB2_1:
0x1a: {  	[dreg:$0x11] =	wrdreg s4  }
0x1b: {  	s3 =	rddreg [dreg:$0x7]  }
0x1c: {  	s14 =	rddreg [dreg:$0x9]  }
0x1d: {  	s6 =	rddreg [dreg:$0x10]  }
0x1e: {  	[spmem:s6@s16], [sflag:s14] =	dma.strided [hbm:s3@s7], $0x9E0, s15, $0x4   }
0x1f: {  	_ =	swait.ge [sflag:s18], $0x9E0  }
0x20: {  	[sflag:s18] =	ssyncset.done $0x0  }
0x21: {  	s17 =	simm.s32 $0x0;
	s22 =	rddreg [dreg:$0xa];
	[sflag:s18] =	ssyncadd.s32 $0xFFFFF620  }
0x22: {  	[tilespmem:s17], [sflag:$0x11] =	stream.linear.gather [hbm4b:s22+s17], $0x5400, $0x38;
	[tilespmem:$0x1E9C0] =	vst v63  }
0x23: {  	_ =	swait.ge [sflag:s18], $0x5400  }
0x24: {  	[sflag:s18] =	ssyncset.done $0x0  }
0x25: {  	s26 =	simm.s32 $0x5400;
	s24 =	rddreg [dreg:$0xb];
	[sflag:s18] =	ssyncadd.s32 $0xFFFFAC00  }
0x26: {  	[tilespmem:s26], [sflag:$0x11] =	stream.linear.gather [hbm4b:s24+s17], $0x5400, $0x38;
	[tilespmem:$0x1E9C0] =	vst v63  }
0x27: {  	_ =	swait.ge [sflag:s18], $0x5400  }
0x28: {  	[sflag:s18] =	ssyncset.done $0x0  }
0x29: {  	[sflag:s18] =	ssyncadd.s32 $0xFFFFAC00  }
0x2a: {  	[bflag:$0x0] =	sbarrier.arrive $0xFFFF  }
0x2b: {  	[tilespmem:s21], [sflag:$0x1] =	stream.indirect.gather [hbm4b:s5+s20], $0x20, s17, s20, $0xb8;
	[tilespmem:$0x1E9C0] =	vst v63  }
0x2c: {  	_ = 	snop  }
0x2d: {  	[tilespmem:s23], [sflag:$0x2] =	stream.indirect.gather [hbm4b:s5+s20], $0x20, s8, s20, $0xb8;
	[tilespmem:$0x1E9C0] =	vst v63  }
0x2e: {  	p0 =	por $0x1, $0x1;
	s6 =	simm.s32 $0x100  }
0x2f: {  	[tilespmem:s25], [sflag:$0x3] =	stream.indirect.gather [hbm4b:s5+s20], $0x20, s6, s20, $0xb8;
	[tilespmem:$0x1E9C0] =	vst v63  }
0x30: {  	s7 =	simm.s32 $0x180;
	s3 =	simm.s32 @!p0 $0xD  }
0x31: {  	[tilespmem:s28], [sflag:$0x4] =	stream.indirect.gather [hbm4b:s5+s20], $0x20, s7, s20, $0xb8;
	[tilespmem:$0x1E9C0] =	vst v63  }
0x32: {  	_ =	swait.ge @!p0 [sflag:s3], $0xFA0  }
0x33: {  	[sflag:s3] =	ssyncset.done @!p0 $0x0  }
0x34: {  	s9 =	simm.s32 $0x200;
	s8 =	rddreg [dreg:$0x5];
	[sflag:s3] =	ssyncadd.s32 @!p0 $0xFFFFF060  }
0x35: {  	[tilespmem:s8], [sflag:$0x5] =	stream.indirect.gather [hbm4b:s5+s20], $0x20, s9, s20, $0xb8;
	[tilespmem:$0x1E9C0] =	vst v63  }
0x36: {  	_ =	swait.ge [sflag:s15], $0xFA0  }
0x37: {  	[sflag:s15] =	ssyncset.done $0x0  }
0x38: {  	s10 =	simm.s32 $0x5400;
	s6 =	simm.s32 @!p0 $0xE;
	[sflag:s15] =	ssyncadd.s32 $0xFFFFF060  }
0x39: {  	[spmem:s2] =	stream.indirect.scatter.add.f32 [tilespmem:s21], [sflag:$0x9], $0x20, s10, s20, $0xb8;
	[tilespmem:$0x1E9C0] =	vst v63  }
0x3a: {  	_ =	swait.ge @!p0 [sflag:s6], $0xFA0  }
0x3b: {  	[sflag:s6] =	ssyncset.done @!p0 $0x0  }
0x3c: {  	s11 =	simm.s32 $0x280;
	[sflag:s6] =	ssyncadd.s32 @!p0 $0xFFFFF060  }
0x3d: {  	[tilespmem:s29], [sflag:$0x6] =	stream.indirect.gather [hbm4b:s5+s20], $0x20, s11, s20, $0xb8;
	[tilespmem:$0x1E9C0] =	vst v63  }
0x3e: {  	_ =	swait.ge [sflag:s30], $0xFA0  }
0x3f: {  	[sflag:s30] =	ssyncset.done $0x0  }
0x40: {  	s12 =	simm.s32 $0x5480;
	s6 =	simm.s32 @!p0 $0xF;
	[sflag:s30] =	ssyncadd.s32 $0xFFFFF060  }
0x41: {  	[spmem:s2] =	stream.indirect.scatter.add.f32 [tilespmem:s23], [sflag:$0xA], $0x20, s12, s20, $0xb8;
	[tilespmem:$0x1E9C0] =	vst v63  }
0x42: {  	_ =	swait.ge @!p0 [sflag:s6], $0xFA0  }
0x43: {  	[sflag:s6] =	ssyncset.done @!p0 $0x0  }
0x44: {  	s14 =	simm.s32 $0x300;
	s13 =	rddreg [dreg:$0x6];
	[sflag:s6] =	ssyncadd.s32 @!p0 $0xFFFFF060  }
0x45: {  	[tilespmem:s13], [sflag:$0x7] =	stream.indirect.gather [hbm4b:s5+s20], $0x20, s14, s20, $0xb8;
	[tilespmem:$0x1E9C0] =	vst v63  }
0x46: {  	_ =	swait.ge [sflag:s31], $0xFA0  }
0x47: {  	[sflag:s31] =	ssyncset.done $0x0  }
0x48: {  	s17 =	simm.s32 $0x5500;
	s6 =	simm.s32 @!p0 $0x10;
	[sflag:s31] =	ssyncadd.s32 $0xFFFFF060  }
0x49: {  	[spmem:s2] =	stream.indirect.scatter.add.f32 [tilespmem:s25], [sflag:$0xB], $0x20, s17, s20, $0xb8;
	[tilespmem:$0x1E9C0] =	vst v63  }
0x4a: {  	_ =	swait.ge @!p0 [sflag:s6], $0xFA0  }
0x4b: {  	[sflag:s6] =	ssyncset.done @!p0 $0x0  }
0x4c: {  	s22 =	simm.s32 $0x380;
	[sflag:s6] =	ssyncadd.s32 @!p0 $0xFFFFF060  }
0x4d: {  	[tilespmem:s1], [sflag:$0x8] =	stream.indirect.gather [hbm4b:s5+s20], $0x20, s22, s20, $0xb8;
	[tilespmem:$0x1E9C0] =	vst v63  }
0x4e: {  	_ =	swait.ge [sflag:s16], $0xFA0  }
0x4f: {  	p0 =	por $0x0, $0x0;
	[sflag:s16] =	ssyncset.done $0x0  }
0x50: {  	s24 =	simm.s32 $0x5580;
	s6 =	simm.s32 @p0 $0x5;
	[sflag:s16] =	ssyncadd.s32 $0xFFFFF060  }
0x51: {  	[spmem:s2] =	stream.indirect.scatter.add.f32 [tilespmem:s28], [sflag:$0xC], $0x20, s24, s20, $0xb8;
	[tilespmem:$0x1E9C0] =	vst v63  }
0x52: {  	_ =	swait.ge @p0 [sflag:s6], $0xFA0  }
0x53: {  	s3 =	simm.s32 @p0 $0x5600;
	s11 =	simm.s32 @p0 $0x7D;
	[sflag:s6] =	ssyncset.done @p0 $0x0  }
0x54: {  	s13 =	simm.s32 @p0 $0xE680;
	[sflag:s6] =	ssyncadd.s32 @p0 $0xFFFFF060;
	s6 =	simm.s32 @!p0 $0x9  }
0x55: {  	[spmem:s2] =	stream.indirect.scatter.add.f32 @p0 [tilespmem:s13], [sflag:$0xD], $0x20, s3, s11, $0xb8;
	[tilespmem:$0x1E9C0] =	vst v63  }
0x56: {  	_ =	swait.ge @!p0 [sflag:s6], $0xFA0  }
0x57: {  	s3 =	simm.s32 @!p0 $0x400;
	[sflag:s6] =	ssyncset.done @!p0 $0x0  }
0x58: {  	s13 =	simm.s32 @!p0 $0x7D;
	[sflag:s6] =	ssyncadd.s32 @!p0 $0xFFFFF060;
	s6 =	simm.s32 @!p0 $0xA800  }
0x59: {  	[tilespmem:s6], [sflag:$0x1] =	stream.indirect.gather @!p0 [hbm4b:s5+s13], $0x20, s3, s13, $0xb8;
	[tilespmem:$0x1E9C0] =	vst v63  }
0x5a: {  	s3 =	simm.s32 @!p0 $0x5  }
0x5b: {  	_ =	swait.ge @!p0 [sflag:s3], $0xFA0  }
0x5c: {  	[sflag:s3] =	ssyncset.done @!p0 $0x0  }
0x5d: {  	s6 =	simm.s32 @!p0 $0x5600;
	[sflag:s3] =	ssyncadd.s32 @!p0 $0xFFFFF060;
	s3 =	simm.s32 @!p0 $0xE680  }
0x5e: {  	[spmem:s2] =	stream.indirect.scatter.add.f32 @!p0 [tilespmem:s3], [sflag:$0xD], $0x20, s6, s13, $0xb8;
	[tilespmem:$0x1E9C0] =	vst v63  }
0x5f: {  	s3 =	simm.s32 @!p0 $0xA  }
0x60: {  	_ =	swait.ge @!p0 [sflag:s3], $0xFA0  }
0x61: {  	[sflag:s3] =	ssyncset.done @!p0 $0x0  }
0x62: {  	s6 =	simm.s32 @!p0 $0x480;
	[sflag:s3] =	ssyncadd.s32 @!p0 $0xFFFFF060;
	s3 =	simm.s32 @!p0 $0xB7A0  }
0x63: {  	[tilespmem:s3], [sflag:$0x2] =	stream.indirect.gather @!p0 [hbm4b:s5+s13], $0x20, s6, s13, $0xb8;
	[tilespmem:$0x1E9C0] =	vst v63  }
0x64: {  	_ =	swait.ge [sflag:s0], $0xFA0  }
0x65: {  	[sflag:s0] =	ssyncset.done $0x0  }
0x66: {  	s26 =	simm.s32 $0x5680;
	s6 =	simm.s32 @p0 $0x7;
	[sflag:s0] =	ssyncadd.s32 $0xFFFFF060  }
0x67: {  	[spmem:s2] =	stream.indirect.scatter.add.f32 [tilespmem:s29], [sflag:$0xE], $0x20, s26, s20, $0xb8;
	[tilespmem:$0x1E9C0] =	vst v63  }
0x68: {  	_ =	swait.ge @p0 [sflag:s6], $0xFA0  }
0x69: {  	[sflag:s6] =	ssyncset.done @p0 $0x0  }
0x6a: {  	s3 =	simm.s32 @p0 $0x5700;
	[sflag:s6] =	ssyncadd.s32 @p0 $0xFFFFF060;
	s6 =	simm.s32 @p0 $0x105C0  }
0x6b: {  	[spmem:s2] =	stream.indirect.scatter.add.f32 @p0 [tilespmem:s6], [sflag:$0xF], $0x20, s3, s11, $0xb8;
	[tilespmem:$0x1E9C0] =	vst v63  }
0x6c: {  	s3 =	simm.s32 @!p0 $0xB  }
0x6d: {  	_ =	swait.ge @!p0 [sflag:s3], $0xFA0  }
0x6e: {  	[sflag:s3] =	ssyncset.done @!p0 $0x0  }
0x6f: {  	s6 =	simm.s32 @!p0 $0x500;
	[sflag:s3] =	ssyncadd.s32 @!p0 $0xFFFFF060;
	s3 =	simm.s32 @!p0 $0xC740  }
0x70: {  	[tilespmem:s3], [sflag:$0x3] =	stream.indirect.gather @!p0 [hbm4b:s5+s13], $0x20, s6, s13, $0xb8;
	[tilespmem:$0x1E9C0] =	vst v63  }
0x71: {  	s3 =	simm.s32 @!p0 $0x7  }
0x72: {  	_ =	swait.ge @!p0 [sflag:s3], $0xFA0  }
0x73: {  	[sflag:s3] =	ssyncset.done @!p0 $0x0  }
0x74: {  	s6 =	simm.s32 @!p0 $0x5700;
	[sflag:s3] =	ssyncadd.s32 @!p0 $0xFFFFF060;
	s3 =	simm.s32 @!p0 $0x105C0  }
0x75: {  	[spmem:s2] =	stream.indirect.scatter.add.f32 @!p0 [tilespmem:s3], [sflag:$0xF], $0x20, s6, s13, $0xb8;
	[tilespmem:$0x1E9C0] =	vst v63  }
0x76: {  	s3 =	simm.s32 @!p0 $0xC  }
0x77: {  	_ =	swait.ge @!p0 [sflag:s3], $0xFA0  }
0x78: {  	p1 =	por $0x0, $0x0;
	s14 =	simm.s32 $0x5780;
	[sflag:s3] =	ssyncset.done @!p0 $0x0  }
0x79: {  	s6 =	simm.s32 @!p0 $0x580;
	[sflag:s3] =	ssyncadd.s32 @!p0 $0xFFFFF060;
	s3 =	simm.s32 @!p0 $0xD6E0  }
0x7a: {  	[tilespmem:s3], [sflag:$0x4] =	stream.indirect.gather @!p0 [hbm4b:s5+s13], $0x20, s6, s13, $0xb8;
	[tilespmem:$0x1E9C0] =	vst v63  }
0x7b: {  	s22 =	simm.s32 $0x1000;
	s13 =	simm.s32 $0x2000;
	_ =	swait.ge [sflag:s19], $0xFA0  }
.LBB2_2:
0x7c: {  	[sflag:s19] =	ssyncset.done $0x0  }
0x7d: {  	s3 =	simm.s32 @!p1 $0xD;
	[sflag:s19] =	ssyncadd.s32 $0xFFFFF060  }
0x7e: {  	[spmem:s2] =	stream.indirect.scatter.add.f32 [tilespmem:s1], [sflag:$0x10], $0x20, s14, s20, $0xb8;
	[tilespmem:$0x1E9C0] =	vst v63  }
0x7f: {  	_ =	swait.ge @!p1 [sflag:s3], $0xFA0  }
0x80: {  	s6 =	sshra.s32 s22, $0x2;
	[sflag:s3] =	ssyncset.done @!p1 $0x0  }
0x81: {  	s26 =	sadd.s32 $0x200, s6;
	s24 =	rddreg [dreg:$0x5];
	[sflag:s3] =	ssyncadd.s32 @!p1 $0xFFFFF060  }
0x82: {  	[tilespmem:s24], [sflag:$0x5] =	stream.indirect.gather [hbm4b:s5+s20], $0x20, s26, s20, $0xb8;
	[tilespmem:$0x1E9C0] =	vst v63  }
0x83: {  	_ =	swait.ge [sflag:s15], $0xFA0  }
0x84: {  	[sflag:s15] =	ssyncset.done $0x0  }
0x85: {  	s4 =	sadd.s32 $0x5400, s6;
	s24 =	simm.s32 @!p1 $0xE;
	[sflag:s15] =	ssyncadd.s32 $0xFFFFF060  }
0x86: {  	[spmem:s2] =	stream.indirect.scatter.add.f32 [tilespmem:s21], [sflag:$0x9], $0x20, s4, s20, $0xb8;
	[tilespmem:$0x1E9C0] =	vst v63  }
0x87: {  	_ =	swait.ge @!p1 [sflag:s24], $0xFA0  }
0x88: {  	[sflag:s24] =	ssyncset.done @!p1 $0x0  }
0x89: {  	s7 =	sadd.s32 $0x280, s6;
	[sflag:s24] =	ssyncadd.s32 @!p1 $0xFFFFF060  }
0x8a: {  	[tilespmem:s29], [sflag:$0x6] =	stream.indirect.gather [hbm4b:s5+s20], $0x20, s7, s20, $0xb8;
	[tilespmem:$0x1E9C0] =	vst v63  }
0x8b: {  	_ =	swait.ge [sflag:s30], $0xFA0  }
0x8c: {  	[sflag:s30] =	ssyncset.done $0x0  }
0x8d: {  	s8 =	sadd.s32 $0x5480, s6;
	s24 =	simm.s32 @!p1 $0xF;
	[sflag:s30] =	ssyncadd.s32 $0xFFFFF060  }
0x8e: {  	[spmem:s2] =	stream.indirect.scatter.add.f32 [tilespmem:s23], [sflag:$0xA], $0x20, s8, s20, $0xb8;
	[tilespmem:$0x1E9C0] =	vst v63  }
0x8f: {  	_ =	swait.ge @!p1 [sflag:s24], $0xFA0  }
0x90: {  	[sflag:s24] =	ssyncset.done @!p1 $0x0  }
0x91: {  	s10 =	sadd.s32 $0x300, s6;
	s9 =	rddreg [dreg:$0x6];
	[sflag:s24] =	ssyncadd.s32 @!p1 $0xFFFFF060  }
0x92: {  	[tilespmem:s9], [sflag:$0x7] =	stream.indirect.gather [hbm4b:s5+s20], $0x20, s10, s20, $0xb8;
	[tilespmem:$0x1E9C0] =	vst v63  }
0x93: {  	_ =	swait.ge [sflag:s31], $0xFA0  }
0x94: {  	[sflag:s31] =	ssyncset.done $0x0  }
0x95: {  	s12 =	sadd.s32 $0x5500, s6;
	s24 =	simm.s32 @!p1 $0x10;
	[sflag:s31] =	ssyncadd.s32 $0xFFFFF060  }
0x96: {  	[spmem:s2] =	stream.indirect.scatter.add.f32 [tilespmem:s25], [sflag:$0xB], $0x20, s12, s20, $0xb8;
	[tilespmem:$0x1E9C0] =	vst v63  }
0x97: {  	_ =	swait.ge @!p1 [sflag:s24], $0xFA0  }
0x98: {  	[sflag:s24] =	ssyncset.done @!p1 $0x0  }
0x99: {  	s17 =	sadd.s32 $0x380, s6;
	[sflag:s24] =	ssyncadd.s32 @!p1 $0xFFFFF060  }
0x9a: {  	[tilespmem:s1], [sflag:$0x8] =	stream.indirect.gather [hbm4b:s5+s20], $0x20, s17, s20, $0xb8;
	[tilespmem:$0x1E9C0] =	vst v63  }
0x9b: {  	_ =	swait.ge [sflag:s16], $0xFA0  }
0x9c: {  	p1 =	seq.s32 s22, $0x14000;
	[sflag:s16] =	ssyncset.done $0x0  }
0x9d: {  	s24 =	sadd.s32 $0x5580, s6;
	s26 =	simm.s32 @p1 $0x5;
	[sflag:s16] =	ssyncadd.s32 $0xFFFFF060  }
0x9e: {  	[spmem:s2] =	stream.indirect.scatter.add.f32 [tilespmem:s28], [sflag:$0xC], $0x20, s24, s20, $0xb8;
	[tilespmem:$0x1E9C0] =	vst v63  }
0x9f: {  	s4 =	sshra.s32 @p1 s22, $0x2;
	_ =	swait.ge @p1 [sflag:s26], $0xFA0  }
0xa0: {  	s7 =	simm.s32 @p1 $0xE680;
	s3 =	sadd.s32 @p1 $0x5600, s4;
	[sflag:s26] =	ssyncset.done @p1 $0x0  }
0xa1: {  	s24 =	simm.s32 @p1 $0x7D;
	[sflag:s26] =	ssyncadd.s32 @p1 $0xFFFFF060;
	s26 =	simm.s32 @!p1 $0x9  }
0xa2: {  	[spmem:s2] =	stream.indirect.scatter.add.f32 @p1 [tilespmem:s7], [sflag:$0xD], $0x20, s3, s24, $0xb8;
	[tilespmem:$0x1E9C0] =	vst v63  }
0xa3: {  	s22 =	sshra.s32 @!p1 s22, $0x2;
	_ =	swait.ge @!p1 [sflag:s26], $0xFA0  }
0xa4: {  	s10 =	simm.s32 @!p1 $0xA800;
	s17 =	simm.s32 @!p1 $0x5;
	[sflag:s26] =	ssyncset.done @!p1 $0x0  }
0xa5: {  	s8 =	sadd.s32 @!p1 $0x400, s22;
	s3 =	simm.s32 @!p1 $0x7D;
	[sflag:s26] =	ssyncadd.s32 @!p1 $0xFFFFF060  }
0xa6: {  	[tilespmem:s10], [sflag:$0x1] =	stream.indirect.gather @!p1 [hbm4b:s5+s3], $0x20, s8, s3, $0xb8;
	[tilespmem:$0x1E9C0] =	vst v63  }
0xa7: {  	_ =	swait.ge @!p1 [sflag:s17], $0xFA0  }
0xa8: {  	s12 =	simm.s32 @!p1 $0xE680;
	[sflag:s17] =	ssyncset.done @!p1 $0x0  }
0xa9: {  	s7 =	sadd.s32 @!p1 $0x5600, s22;
	[sflag:s17] =	ssyncadd.s32 @!p1 $0xFFFFF060;
	s17 =	simm.s32 @!p1 $0xA  }
0xaa: {  	[spmem:s2] =	stream.indirect.scatter.add.f32 @!p1 [tilespmem:s12], [sflag:$0xD], $0x20, s7, s3, $0xb8;
	[tilespmem:$0x1E9C0] =	vst v63  }
0xab: {  	_ =	swait.ge @!p1 [sflag:s17], $0xFA0  }
0xac: {  	[sflag:s17] =	ssyncset.done @!p1 $0x0  }
0xad: {  	s9 =	sadd.s32 @!p1 $0x480, s22;
	s7 =	simm.s32 @!p1 $0xB7A0;
	[sflag:s17] =	ssyncadd.s32 @!p1 $0xFFFFF060  }
0xae: {  	[tilespmem:s7], [sflag:$0x2] =	stream.indirect.gather @!p1 [hbm4b:s5+s3], $0x20, s9, s3, $0xb8;
	[tilespmem:$0x1E9C0] =	vst v63  }
0xaf: {  	_ =	swait.ge [sflag:s0], $0xFA0  }
0xb0: {  	s14 =	sadd.s32 $0x5780, s6;
	[sflag:s0] =	ssyncset.done $0x0  }
0xb1: {  	s6 =	sadd.s32 $0x5680, s6;
	s7 =	simm.s32 @p1 $0x7;
	[sflag:s0] =	ssyncadd.s32 $0xFFFFF060  }
0xb2: {  	[spmem:s2] =	stream.indirect.scatter.add.f32 [tilespmem:s29], [sflag:$0xE], $0x20, s6, s20, $0xb8;
	[tilespmem:$0x1E9C0] =	vst v63  }
0xb3: {  	_ =	swait.ge @p1 [sflag:s7], $0xFA0  }
0xb4: {  	s4 =	sadd.s32 @p1 $0x5700, s4;
	[sflag:s7] =	ssyncset.done @p1 $0x0  }
0xb5: {  	s6 =	simm.s32 @p1 $0x105C0;
	[sflag:s7] =	ssyncadd.s32 @p1 $0xFFFFF060;
	s7 =	simm.s32 @!p1 $0xB  }
0xb6: {  	[spmem:s2] =	stream.indirect.scatter.add.f32 @p1 [tilespmem:s6], [sflag:$0xF], $0x20, s4, s24, $0xb8;
	[tilespmem:$0x1E9C0] =	vst v63  }
0xb7: {  	_ =	swait.ge @!p1 [sflag:s7], $0xFA0  }
0xb8: {  	s8 =	sadd.s32 @!p1 $0x500, s22;
	[sflag:s7] =	ssyncset.done @!p1 $0x0  }
0xb9: {  	s4 =	simm.s32 @!p1 $0xC740;
	s6 =	simm.s32 @!p1 $0x7;
	[sflag:s7] =	ssyncadd.s32 @!p1 $0xFFFFF060  }
0xba: {  	[tilespmem:s4], [sflag:$0x3] =	stream.indirect.gather @!p1 [hbm4b:s5+s3], $0x20, s8, s3, $0xb8;
	[tilespmem:$0x1E9C0] =	vst v63  }
0xbb: {  	s11 =	smov.u32 s13;
	s13 =	sadd.s32 $0x1000, s13;
	_ =	swait.ge @!p1 [sflag:s6], $0xFA0  }
0xbc: {  	p0 =	sne.s32 s13, $0x15000;
	s10 =	sadd.s32 @!p1 $0x5700, s22;
	[sflag:s6] =	ssyncset.done @!p1 $0x0  }
0xbd: {  	s4 =	simm.s32 @!p1 $0x105C0;
	[sflag:s6] =	ssyncadd.s32 @!p1 $0xFFFFF060;
	s6 =	simm.s32 @!p1 $0xC  }
0xbe: {  	[spmem:s2] =	stream.indirect.scatter.add.f32 @!p1 [tilespmem:s4], [sflag:$0xF], $0x20, s10, s3, $0xb8;
	[tilespmem:$0x1E9C0] =	vst v63  }
.Ltmp0:
0xbf: {  	_ =	swait.ge @!p1 [sflag:s6], $0xFA0;
	(pc) =	sbr.rel @p0 .LBB2_2-.Ltmp0, $4  }
0xc0: {  	s26 =	sadd.s32 @!p1 $0x580, s22;
	[sflag:s6] =	ssyncset.done @!p1 $0x0  }
0xc1: {  	s22 =	smov.u32 s11;
	s4 =	simm.s32 @!p1 $0xD6E0;
	[sflag:s6] =	ssyncadd.s32 @!p1 $0xFFFFF060  }
0xc2: {  	[tilespmem:s4], [sflag:$0x4] =	stream.indirect.gather @!p1 [hbm4b:s5+s3], $0x20, s26, s3, $0xb8;
	[tilespmem:$0x1E9C0] =	vst v63  }
0xc3: {  	p1 =	seq.s32 s22, $0x0;
	_ =	swait.ge [sflag:s19], $0xFA0  }
0xc4: {  	[sflag:s19] =	ssyncset.done $0x0  }
0xc5: {  	s3 =	simm.s32 @!p1 $0xD;
	[sflag:s19] =	ssyncadd.s32 $0xFFFFF060  }
0xc6: {  	[spmem:s2] =	stream.indirect.scatter.add.f32 [tilespmem:s1], [sflag:$0x10], $0x20, s14, s20, $0xb8;
	[tilespmem:$0x1E9C0] =	vst v63  }
0xc7: {  	_ =	swait.ge @!p1 [sflag:s3], $0xFA0  }
0xc8: {  	s6 =	sshra.s32 s22, $0x2;
	[sflag:s3] =	ssyncset.done @!p1 $0x0  }
0xc9: {  	s7 =	sadd.s32 $0x200, s6;
	s4 =	rddreg [dreg:$0x5];
	[sflag:s3] =	ssyncadd.s32 @!p1 $0xFFFFF060  }
0xca: {  	[tilespmem:s4], [sflag:$0x5] =	stream.indirect.gather [hbm4b:s5+s20], $0x20, s7, s20, $0xb8;
	[tilespmem:$0x1E9C0] =	vst v63  }
0xcb: {  	_ =	swait.ge [sflag:s15], $0xFA0  }
0xcc: {  	[sflag:s15] =	ssyncset.done $0x0  }
0xcd: {  	s8 =	sadd.s32 $0x5400, s6;
	s4 =	simm.s32 @!p1 $0xE;
	[sflag:s15] =	ssyncadd.s32 $0xFFFFF060  }
0xce: {  	[spmem:s2] =	stream.indirect.scatter.add.f32 [tilespmem:s21], [sflag:$0x9], $0x20, s8, s20, $0xb8;
	[tilespmem:$0x1E9C0] =	vst v63  }
0xcf: {  	_ =	swait.ge @!p1 [sflag:s4], $0xFA0  }
0xd0: {  	[sflag:s4] =	ssyncset.done @!p1 $0x0  }
0xd1: {  	s9 =	sadd.s32 $0x280, s6;
	[sflag:s4] =	ssyncadd.s32 @!p1 $0xFFFFF060  }
0xd2: {  	[tilespmem:s29], [sflag:$0x6] =	stream.indirect.gather [hbm4b:s5+s20], $0x20, s9, s20, $0xb8;
	[tilespmem:$0x1E9C0] =	vst v63  }
0xd3: {  	_ =	swait.ge [sflag:s30], $0xFA0  }
0xd4: {  	[sflag:s30] =	ssyncset.done $0x0  }
0xd5: {  	s10 =	sadd.s32 $0x5480, s6;
	s4 =	simm.s32 @!p1 $0xF;
	[sflag:s30] =	ssyncadd.s32 $0xFFFFF060  }
0xd6: {  	[spmem:s2] =	stream.indirect.scatter.add.f32 [tilespmem:s23], [sflag:$0xA], $0x20, s10, s20, $0xb8;
	[tilespmem:$0x1E9C0] =	vst v63  }
0xd7: {  	_ =	swait.ge @!p1 [sflag:s4], $0xFA0  }
0xd8: {  	[sflag:s4] =	ssyncset.done @!p1 $0x0  }
0xd9: {  	s12 =	sadd.s32 $0x300, s6;
	s11 =	rddreg [dreg:$0x6];
	[sflag:s4] =	ssyncadd.s32 @!p1 $0xFFFFF060  }
0xda: {  	[tilespmem:s11], [sflag:$0x7] =	stream.indirect.gather [hbm4b:s5+s20], $0x20, s12, s20, $0xb8;
	[tilespmem:$0x1E9C0] =	vst v63  }
0xdb: {  	_ =	swait.ge [sflag:s31], $0xFA0  }
0xdc: {  	[sflag:s31] =	ssyncset.done $0x0  }
0xdd: {  	s13 =	sadd.s32 $0x5500, s6;
	s4 =	simm.s32 @!p1 $0x10;
	[sflag:s31] =	ssyncadd.s32 $0xFFFFF060  }
0xde: {  	[spmem:s2] =	stream.indirect.scatter.add.f32 [tilespmem:s25], [sflag:$0xB], $0x20, s13, s20, $0xb8;
	[tilespmem:$0x1E9C0] =	vst v63  }
0xdf: {  	_ =	swait.ge @!p1 [sflag:s4], $0xFA0  }
0xe0: {  	[sflag:s4] =	ssyncset.done @!p1 $0x0  }
0xe1: {  	s14 =	sadd.s32 $0x380, s6;
	[sflag:s4] =	ssyncadd.s32 @!p1 $0xFFFFF060  }
0xe2: {  	[tilespmem:s1], [sflag:$0x8] =	stream.indirect.gather [hbm4b:s5+s20], $0x20, s14, s20, $0xb8;
	[tilespmem:$0x1E9C0] =	vst v63  }
0xe3: {  	_ =	swait.ge [sflag:s16], $0xFA0  }
0xe4: {  	p0 =	seq.s32 s22, $0x14000;
	[sflag:s16] =	ssyncset.done $0x0  }
0xe5: {  	s17 =	sadd.s32 $0x5580, s6;
	s4 =	simm.s32 @p0 $0x5;
	[sflag:s16] =	ssyncadd.s32 $0xFFFFF060  }
0xe6: {  	[spmem:s2] =	stream.indirect.scatter.add.f32 [tilespmem:s28], [sflag:$0xC], $0x20, s17, s20, $0xb8;
	[tilespmem:$0x1E9C0] =	vst v63  }
0xe7: {  	s3 =	sshra.s32 @p0 s22, $0x2;
	_ =	swait.ge @p0 [sflag:s4], $0xFA0  }
0xe8: {  	s7 =	sadd.s32 @p0 $0x5600, s3;
	s8 =	simm.s32 @p0 $0x7D;
	[sflag:s4] =	ssyncset.done @p0 $0x0  }
0xe9: {  	s9 =	simm.s32 @p0 $0xE680;
	[sflag:s4] =	ssyncadd.s32 @p0 $0xFFFFF060;
	s4 =	simm.s32 @!p0 $0x9  }
0xea: {  	[spmem:s2] =	stream.indirect.scatter.add.f32 @p0 [tilespmem:s9], [sflag:$0xD], $0x20, s7, s8, $0xb8;
	[tilespmem:$0x1E9C0] =	vst v63  }
0xeb: {  	_ =	swait.ge @!p0 [sflag:s4], $0xFA0  }
0xec: {  	s10 =	simm.s32 @!p0 $0x7D;
	s7 =	sshra.s32 @!p0 s22, $0x2;
	[sflag:s4] =	ssyncset.done @!p0 $0x0  }
0xed: {  	s9 =	sadd.s32 @!p0 $0x400, s7;
	[sflag:s4] =	ssyncadd.s32 @!p0 $0xFFFFF060;
	s4 =	simm.s32 @!p0 $0xA800  }
0xee: {  	[tilespmem:s4], [sflag:$0x1] =	stream.indirect.gather @!p0 [hbm4b:s5+s10], $0x20, s9, s10, $0xb8;
	[tilespmem:$0x1E9C0] =	vst v63  }
0xef: {  	s4 =	simm.s32 @!p0 $0x5  }
0xf0: {  	_ =	swait.ge @!p0 [sflag:s4], $0xFA0  }
0xf1: {  	[sflag:s4] =	ssyncset.done @!p0 $0x0  }
0xf2: {  	s9 =	sadd.s32 @!p0 $0x5600, s7;
	[sflag:s4] =	ssyncadd.s32 @!p0 $0xFFFFF060;
	s4 =	simm.s32 @!p0 $0xE680  }
0xf3: {  	[spmem:s2] =	stream.indirect.scatter.add.f32 @!p0 [tilespmem:s4], [sflag:$0xD], $0x20, s9, s10, $0xb8;
	[tilespmem:$0x1E9C0] =	vst v63  }
0xf4: {  	s4 =	simm.s32 @!p0 $0xA  }
0xf5: {  	_ =	swait.ge @!p0 [sflag:s4], $0xFA0  }
0xf6: {  	[sflag:s4] =	ssyncset.done @!p0 $0x0  }
0xf7: {  	s9 =	sadd.s32 @!p0 $0x480, s7;
	[sflag:s4] =	ssyncadd.s32 @!p0 $0xFFFFF060;
	s4 =	simm.s32 @!p0 $0xB7A0  }
0xf8: {  	[tilespmem:s4], [sflag:$0x2] =	stream.indirect.gather @!p0 [hbm4b:s5+s10], $0x20, s9, s10, $0xb8;
	[tilespmem:$0x1E9C0] =	vst v63  }
0xf9: {  	_ =	swait.ge [sflag:s0], $0xFA0  }
0xfa: {  	[sflag:s0] =	ssyncset.done $0x0  }
0xfb: {  	s24 =	sadd.s32 $0x5680, s6;
	s4 =	simm.s32 @p0 $0x7;
	[sflag:s0] =	ssyncadd.s32 $0xFFFFF060  }
0xfc: {  	[spmem:s2] =	stream.indirect.scatter.add.f32 [tilespmem:s29], [sflag:$0xE], $0x20, s24, s20, $0xb8;
	[tilespmem:$0x1E9C0] =	vst v63  }
0xfd: {  	_ =	swait.ge @p0 [sflag:s4], $0xFA0  }
0xfe: {  	[sflag:s4] =	ssyncset.done @p0 $0x0  }
0xff: {  	s3 =	sadd.s32 @p0 $0x5700, s3;
	[sflag:s4] =	ssyncadd.s32 @p0 $0xFFFFF060;
	s4 =	simm.s32 @p0 $0x105C0  }
0x100: {  	[spmem:s2] =	stream.indirect.scatter.add.f32 @p0 [tilespmem:s4], [sflag:$0xF], $0x20, s3, s8, $0xb8;
	[tilespmem:$0x1E9C0] =	vst v63  }
0x101: {  	s3 =	simm.s32 @!p0 $0xB  }
0x102: {  	_ =	swait.ge @!p0 [sflag:s3], $0xFA0  }
0x103: {  	[sflag:s3] =	ssyncset.done @!p0 $0x0  }
0x104: {  	s4 =	sadd.s32 @!p0 $0x500, s7;
	[sflag:s3] =	ssyncadd.s32 @!p0 $0xFFFFF060;
	s3 =	simm.s32 @!p0 $0xC740  }
0x105: {  	[tilespmem:s3], [sflag:$0x3] =	stream.indirect.gather @!p0 [hbm4b:s5+s10], $0x20, s4, s10, $0xb8;
	[tilespmem:$0x1E9C0] =	vst v63  }
0x106: {  	s3 =	simm.s32 @!p0 $0x7  }
0x107: {  	_ =	swait.ge @!p0 [sflag:s3], $0xFA0  }
0x108: {  	[sflag:s3] =	ssyncset.done @!p0 $0x0  }
0x109: {  	s4 =	sadd.s32 @!p0 $0x5700, s7;
	[sflag:s3] =	ssyncadd.s32 @!p0 $0xFFFFF060;
	s3 =	simm.s32 @!p0 $0x105C0  }
0x10a: {  	[spmem:s2] =	stream.indirect.scatter.add.f32 @!p0 [tilespmem:s3], [sflag:$0xF], $0x20, s4, s10, $0xb8;
	[tilespmem:$0x1E9C0] =	vst v63  }
0x10b: {  	s3 =	simm.s32 @!p0 $0xC  }
0x10c: {  	_ =	swait.ge @!p0 [sflag:s3], $0xFA0  }
0x10d: {  	[sflag:s3] =	ssyncset.done @!p0 $0x0  }
0x10e: {  	s4 =	sadd.s32 @!p0 $0x580, s7;
	[sflag:s3] =	ssyncadd.s32 @!p0 $0xFFFFF060;
	s3 =	simm.s32 @!p0 $0xD6E0  }
0x10f: {  	[tilespmem:s3], [sflag:$0x4] =	stream.indirect.gather @!p0 [hbm4b:s5+s10], $0x20, s4, s10, $0xb8;
	[tilespmem:$0x1E9C0] =	vst v63  }
0x110: {  	_ =	swait.ge [sflag:s19], $0xFA0  }
0x111: {  	[sflag:s19] =	ssyncset.done $0x0  }
0x112: {  	s26 =	sadd.s32 $0x5780, s6;
	s4 =	simm.s32 $0x9;
	[sflag:s19] =	ssyncadd.s32 $0xFFFFF060  }
0x113: {  	[spmem:s2] =	stream.indirect.scatter.add.f32 [tilespmem:s1], [sflag:$0x10], $0x20, s26, s20, $0xb8;
	[tilespmem:$0x1E9C0] =	vst v63  }
0x114: {  	_ =	swait.ge [sflag:s4], $0xFA0  }
0x115: {  	[sflag:s4] =	ssyncset.done $0x0  }
0x116: {  	s6 =	simm.s32 $0xA;
	[sflag:s4] =	ssyncadd.s32 $0xFFFFF060  }
0x117: {  	_ =	swait.ge [sflag:s6], $0xFA0  }
0x118: {  	[sflag:s6] =	ssyncset.done $0x0  }
0x119: {  	s7 =	simm.s32 $0xB;
	[sflag:s6] =	ssyncadd.s32 $0xFFFFF060  }
0x11a: {  	_ =	swait.ge [sflag:s7], $0xFA0  }
0x11b: {  	[sflag:s7] =	ssyncset.done $0x0  }
0x11c: {  	s8 =	simm.s32 $0xC;
	[sflag:s7] =	ssyncadd.s32 $0xFFFFF060  }
0x11d: {  	_ =	swait.ge [sflag:s8], $0xFA0  }
0x11e: {  	[sflag:s8] =	ssyncset.done $0x0  }
0x11f: {  	s9 =	simm.s32 $0xD;
	[sflag:s8] =	ssyncadd.s32 $0xFFFFF060  }
0x120: {  	_ =	swait.ge [sflag:s9], $0xFA0  }
0x121: {  	[sflag:s9] =	ssyncset.done $0x0  }
0x122: {  	s10 =	simm.s32 $0xE;
	[sflag:s9] =	ssyncadd.s32 $0xFFFFF060  }
0x123: {  	_ =	swait.ge [sflag:s10], $0xFA0  }
0x124: {  	[sflag:s10] =	ssyncset.done $0x0  }
0x125: {  	s11 =	simm.s32 $0xF;
	[sflag:s10] =	ssyncadd.s32 $0xFFFFF060  }
0x126: {  	_ =	swait.ge [sflag:s11], $0xFA0  }
0x127: {  	[sflag:s11] =	ssyncset.done $0x0  }
0x128: {  	s7 =	simm.s32 $0x10;
	[sflag:s11] =	ssyncadd.s32 $0xFFFFF060  }
0x129: {  	_ =	swait.ge [sflag:s7], $0xFA0  }
0x12a: {  	[sflag:s7] =	ssyncset.done $0x0  }
0x12b: {  	[sflag:s7] =	ssyncadd.s32 $0xFFFFF060  }
0x12c: {  	[bflag:$0x0] =	sbarrier.arrive $0xFFFF  }
0x12d: {  	s9 =	simm.s32 $0x12500;
	s12 =	rddreg [dreg:$0x8]  }
0x12e: {  	[tilespmem:s9], [sflag:$0x11] =	stream.linear.gather [spmem:s12], $0x4F00, $0x38;
	[tilespmem:$0x1E9C0] =	vst v63  }
0x12f: {  	_ =	swait.ge [sflag:s18], $0x4F00  }
0x130: {  	s14 =	simm.s32 $0x17400;
	[sflag:s18] =	ssyncset.done $0x0  }
0x131: {  	s8 =	simm.s32 $0x80;
	s13 =	rddreg [dreg:$0xc];
	[sflag:s18] =	ssyncadd.s32 $0xFFFFB100  }
0x132: {  	[tilespmem:s14], [sflag:$0x11] =	stream.strided.gather [hbm4b:s13+s7], $0x2780, s8, s7, $0x38;
	[tilespmem:$0x1E9C0] =	vst v63  }
0x133: {  	_ =	swait.ge [sflag:s18], $0x2780  }
0x134: {  	s17 =	simm.s32 $0x0;
	[sflag:s18] =	ssyncset.done $0x0  }
0x135: {  	s24 =	simm.s32 $0x19B80;
	s22 =	rddreg [dreg:$0xd];
	[sflag:s18] =	ssyncadd.s32 $0xFFFFD880  }
0x136: {  	[tilespmem:s24], [sflag:$0x11] =	stream.linear.gather [hbm4b:s22+s17], $0x20, $0x38;
	[tilespmem:$0x1E9C0] =	vst v63  }
0x137: {  	_ =	swait.ge [sflag:s18], $0x20  }
0x138: {  	[sflag:s18] =	ssyncset.done $0x0  }
0x139: {  	s3 =	simm.s32 $0x12510;
	[sflag:s18] =	ssyncadd.s32 $0xFFFFFFE0  }
0x13a: {  	s26 =	simm.s32 $0x0;
	v2 =	vld [tilespmem:s3+$0xFFFFFFF0]  }
0x13b: {  	v3 =	vld [tilespmem:s26+$0x17400]  }
0x13c: {  	v4 =	vld [tilespmem:s3+$0x0]  }
0x13d: {  	v0 =	vld [tilespmem:$0x19B80]  }
0x13e: {  	v1 =	vld [tilespmem:$0x19B90];
	_ =	sdelay $0x2  }
0x13f: {  	v2 =	vmul.f32 v2, v3;
	v4 =	vmul.f32 v4, v3;
	_ =	sdelay $0x1  }
0x140: {  	s6 =	simm.s32 $0x40;
	s11 =	simm.s32 $0x12510;
	v3 =	vadd.f32 v2, v0;
	v2 =	vadd.f32 v4, v1  }
.LBB2_4:
0x141: {  	p0 =	sne.s32 s6, $0x9DC0  }
0x142: {  	[tilespmem:s3+$0xFFFFFFF0] =	vst v3;
	s11 =	sadd.s32 $0x20, s11;
	s4 =	smov.u32 s6;
	s6 =	sadd.s32 $0x40, s6  }
0x143: {  	s4 =	sshra.s32 s4, $0x2;
	v3 =	vld [tilespmem:s11+$0xFFFFFFF0];
	[tilespmem:s3+$0x0] =	vst v2;
	s3 =	smov.u32 s11  }
0x144: {  	v2 =	vld [tilespmem:s4+$0x17400]  }
0x145: {  	v4 =	vld [tilespmem:s11+$0x0];
	_ =	sdelay $0x2  }
.Ltmp1:
0x146: {  	(pc) =	sbr.rel @p0 .LBB2_4-.Ltmp1, $4  }
0x147: {  	v3 =	vmul.f32 v3, v2  }
0x148: {  	v2 =	vmul.f32 v4, v2  }
0x149: {  	v3 =	vadd.f32 v3, v0  }
0x14a: {  	v2 =	vadd.f32 v2, v1  }
0x14b: {  	[tilespmem:s3+$0xFFFFFFF0] =	vst v3  }
0x14c: {  	s22 =	rddreg [dreg:$0xe];
	s4 =	simm.s32 $0x20;
	s6 =	simm.s32 $0x40;
	[tilespmem:s3+$0x0] =	vst v2  }
0x14d: {  	[hbm4b:s22+s4] =	stream.strided.scatter [tilespmem:s9], [sflag:$0x11], $0x4F00, s6, s4, $0x38;
	[tilespmem:$0x1E9C0] =	vst v63  }
0x14e: {  	_ =	swait.ge [sflag:s18], $0x4F00  }
0x14f: {  	s24 =	rddreg [dreg:$0x11]  }
0x150: {  	s26 =	rddreg [dreg:$0xf];
	s4 =	sadd.s32 $0x1, s24  }
0x151: {  	p0 =	sne.s32 s4, s26  }
.Ltmp2:
0x152: {  	_ = 	snop;
	(pc) =	sbr.rel @p0 .LBB2_1-.Ltmp2, $3  }
0x153: {  	_ =	sdelay $0x1  }
0x154: {  	[sflag:s18] =	ssyncset.done $0x0  }
0x155: {  	[sflag:s18] =	ssyncadd.s32 $0xFFFFB100  }
0x156: {  	_ =	sfence.sel $0x180000  }
0x157: {  	[bflag:$0x0] =	sbarrier.arrive $0xFFFF  }
0x158: {  	_ =	strace $0x9000004D  }
0x159: {  	s0 =	stileid.u32;
	[bflag:$0x2] =	sbarrier.arrive $0xFFFF  }
0x15a: {  	p0 =	sne.s32 s0, $0x0;
	s0 =	rddreg [dreg:$0x4]  }
0x15b: {  	s0 =	sadd.s32 @!p0 $0x100000, s0  }
0x15c: {  	[sflag:s0] =	ssyncadd.tile.s32 @!p0 $0x1;
	_ =	shalt  }
.Lfunc_end2:
_tile_overlayer_lowered:
.L_overlay_start_2:
0x15d: {  	(tag) =	ssettag $0x2  }
0x15e: {  	s0 =	rddreg [dreg:$0x0];
	s2 =	stileid.u32  }
0x15f: {  	s1 =	rddreg [dreg:$0x1];
	p0 =	sne.s32 s2, $0x0  }
0x160: {  	s3 =	rddreg [dreg:$0x2];
	[bflag:$0x3] =	sbarrier.arrive $0xFFFF;
	s2 =	simm.s32 @!p0 $0x1C11  }
0x161: {  	[timem:s3], [sflag:s2] =	dma.local @!p0 [hbm:s0], s1  }
0x162: {  	s0 =	simm.s32 @!p0 $0x11  }
0x163: {  	_ =	swait.ge @!p0 [sflag:s0], s1  }
0x164: {  	s1 =	ssub.s32 @!p0 $0x0, s1;
	[sflag:s0] =	ssyncset.done @!p0 $0x0  }
0x165: {  	[sflag:s0] =	ssyncadd.s32 @!p0 s1  }
0x166: {  	[bflag:$0x3] =	sbarrier.arrive $0xFFFF  }
0x167: {  	_ =	shalt  }

// kernel: kernel.7.cloned.1.call-start
scs
__scs_entry_jumppad:
0x0: {  	(pc) =	sbr.rel $0x88, $3  }
0x1: {  	(tag) =	ssettag $0x0;
	lr =	simm.s32 $0x1  }
0x2: {  	[smem:$0x3F9B] =	sst lr;
	_ =	strace $0xD0000000  }
0x3: {  	_ = 	snop  }
0x4: {  	_ = 	snop  }
0x5: {  	_ = 	snop  }
0x6: {  	_ = 	snop  }
0x7: {  	_ = 	snop  }
__scs_overlays_trampoline_lowered:
0x8: {  	[smem:$0x3FAA] =	sst s0  }
0x9: {  	[smem:$0x3FAB] =	sst s1  }
0xa: {  	[smem:$0x3FAC] =	sst s2  }
0xb: {  	[smem:$0x3FAD] =	sst s3  }
0xc: {  	[smem:$0x3FAE] =	sst s4  }
0xd: {  	[smem:$0x3FAF] =	sst s5  }
0xe: {  	[smem:$0x3FB0] =	sst s6  }
0xf: {  	[smem:$0x3FB1] =	sst s7  }
0x10: {  	[smem:$0x3FB2] =	sst s8  }
0x11: {  	[smem:$0x3FB3] =	sst s9;
	s0 =	simm.s32 @!p0 $0x0  }
0x12: {  	s1 =	sld [smem:$0x3F99];
	s0 =	simm.s32 @p0 $0x1  }
0x13: {  	[smem:$0x3FB4] =	sst s0;
	s0 =	simm.s32 @!p1 $0x0  }
0x14: {  	s2 =	sld [smem:$0x3F98];
	s0 =	simm.s32 @p1 $0x1  }
0x15: {  	[smem:$0x3FB5] =	sst s0;
	s0 =	simm.s32 @!p2 $0x0  }
0x16: {  	s3 =	sld [smem:$0x3FDB];
	s0 =	simm.s32 @p2 $0x1  }
0x17: {  	s4 =	simm.s32 $0x1BF5;
	[smem:$0x3FB7] =	sst s0  }
0x18: {  	s0 =	sld [smem:$0x3F9A];
	_ =	swait.ge [sflag:s4], $0x0  }
0x19: {  	s7 =	sld [smem:$0x3F9B]  }
0x1a: {  	s8 =	sadd.s32 $0xFFFFE003, lr  }
0x1b: {  	s9 =	sadd.s32 $0xFFFFFEF7, lr;
	s5 =	simm.s32 $0xFFFFFFFF;
	p2 =	slt.u32 s8, $0xFFFFF086  }
0x1c: {  	p1 =	slt.u32 s9, $0xF7A;
	s5 =	simm.s32 @!p2 $0x0  }
0x1d: {  	s5 =	simm.s32 @p1 $0x1;
	p0 =	seq.s32 s7, s2  }
0x1e: {  	s7 =	smul.u32 @!p0 $0xF7A, s2;
	p2 =	seq.s32 @!p0 s5, $0x0  }
0x1f: {  	s9 =	smul.u32 $0xF7A, s1;
	s8 =	simm.s32 @!p0 $0x1BF5;
	p2 =	por !p2, p0  }
0x20: {  	[sflag:s8] =	ssyncset.s32 @!p0 $0xFFFFF086;
	s6 =	sadd.s32 @!p0 s3, s7;
	s7 =	simm.s32 @!p0 $0x108  }
0x21: {  	s3 =	sadd.s32 s3, s9;
	s6 =	sadd.s32 @!p0 $0x88, s6;
	s7 =	simm.s32 @p2 $0x1082  }
0x22: {  	[simem:s7], [sflag:s8] =	dma.local @!p0 [hbm:s6], $0xF7A  }
0x23: {  	s9 =	sor.u32 $0xD0000000, s2;
	s6 =	simm.s32 $0x108;
	_ =	swait.ge @!p0 [sflag:s8], $0x0  }
0x24: {  	s3 =	sadd.s32 $0x88, s3;
	s6 =	simm.s32 @!p1 $0x1082;
	[sflag:s4] =	ssyncset.s32 $0xFFFFF086  }
0x25: {  	[simem:s6], [sflag:s4] =	dma.local [hbm:s3], $0xF7A  }
0x26: {  	[smem:$0x3F9B] =	sst s1;
	(tag) =	ssettag s2;
	_ =	strace s9  }
0x27: {  	s1 =	sld [smem:$0x3FAB]  }
0x28: {  	s2 =	sld [smem:$0x3FAC]  }
0x29: {  	s4 =	sld [smem:$0x3FAE]  }
0x2a: {  	p0 =	seq.s32 s5, $0x0;
	s5 =	sld [smem:$0x3FAF]  }
0x2b: {  	s6 =	sld [smem:$0x3FB0]  }
0x2c: {  	s7 =	sld [smem:$0x3FB1]  }
0x2d: {  	s3 =	simm.s32 $0x108;
	s8 =	sld [smem:$0x3FB2]  }
0x2e: {  	s3 =	simm.s32 @!p0 $0x1082;
	s9 =	sld [smem:$0x3FB3]  }
0x2f: {  	lr =	sadd.s32 s0, s3;
	s0 =	sld [smem:$0x3FAA]  }
0x30: {  	s3 =	sld [smem:$0x3FAD]  }
0x31: {  	[smem:$0x3FB6] =	sst s10  }
0x32: {  	s10 =	sld [smem:$0x3FB4];
	_ =	sdelay $0x3  }
0x33: {  	p0 =	seq.s32 s10, $0x1;
	s10 =	sld [smem:$0x3FB6];
	_ =	sdelay $0x3  }
0x34: {  	[smem:$0x3FB6] =	sst s10  }
0x35: {  	s10 =	sld [smem:$0x3FB5];
	_ =	sdelay $0x3  }
0x36: {  	p1 =	seq.s32 s10, $0x1;
	s10 =	sld [smem:$0x3FB6];
	_ =	sdelay $0x3  }
0x37: {  	[smem:$0x3FB6] =	sst s10  }
0x38: {  	s10 =	sld [smem:$0x3FB7]  }
0x39: {  	_ = 	snop;
	(pc) =	sbr.ind lr, $3  }
0x3a: {  	_ = 	snop  }
0x3b: {  	_ = 	snop  }
0x3c: {  	p2 =	seq.s32 s10, $0x1;
	s10 =	sld [smem:$0x3FB6]  }
0x3d: {  	_ =	shalt  }
0x3e: {  	_ =	shalt  }
0x3f: {  	_ =	shalt  }
0x40: {  	_ =	shalt  }
0x41: {  	_ =	shalt  }
0x42: {  	_ =	shalt  }
0x43: {  	_ =	shalt  }
0x44: {  	_ =	shalt  }
0x45: {  	_ =	shalt  }
0x46: {  	_ =	shalt  }
0x47: {  	_ =	shalt  }
0x48: {  	_ =	shalt  }
0x49: {  	_ =	shalt  }
0x4a: {  	_ =	shalt  }
0x4b: {  	_ =	shalt  }
0x4c: {  	_ =	shalt  }
0x4d: {  	_ =	shalt  }
0x4e: {  	_ =	shalt  }
0x4f: {  	_ =	shalt  }
0x50: {  	_ =	shalt  }
0x51: {  	_ =	shalt  }
0x52: {  	_ =	shalt  }
0x53: {  	_ =	shalt  }
0x54: {  	_ =	shalt  }
0x55: {  	_ =	shalt  }
0x56: {  	_ =	shalt  }
0x57: {  	_ =	shalt  }
0x58: {  	_ =	shalt  }
0x59: {  	_ =	shalt  }
0x5a: {  	_ =	shalt  }
0x5b: {  	_ =	shalt  }
0x5c: {  	_ =	shalt  }
0x5d: {  	_ =	shalt  }
0x5e: {  	_ =	shalt  }
0x5f: {  	_ =	shalt  }
0x60: {  	_ =	shalt  }
0x61: {  	_ =	shalt  }
0x62: {  	_ =	shalt  }
0x63: {  	_ =	shalt  }
0x64: {  	_ =	shalt  }
0x65: {  	_ =	shalt  }
0x66: {  	_ =	shalt  }
0x67: {  	_ =	shalt  }
0x68: {  	_ =	shalt  }
0x69: {  	_ =	shalt  }
0x6a: {  	_ =	shalt  }
0x6b: {  	_ =	shalt  }
0x6c: {  	_ =	shalt  }
0x6d: {  	_ =	shalt  }
0x6e: {  	_ =	shalt  }
0x6f: {  	_ =	shalt  }
0x70: {  	_ =	shalt  }
0x71: {  	_ =	shalt  }
0x72: {  	_ =	shalt  }
0x73: {  	_ =	shalt  }
0x74: {  	_ =	shalt  }
0x75: {  	_ =	shalt  }
0x76: {  	_ =	shalt  }
0x77: {  	_ =	shalt  }
0x78: {  	_ =	shalt  }
0x79: {  	_ =	shalt  }
0x7a: {  	_ =	shalt  }
0x7b: {  	_ =	shalt  }
0x7c: {  	_ =	shalt  }
0x7d: {  	_ =	shalt  }
0x7e: {  	_ =	shalt  }
0x7f: {  	_ =	shalt  }
0x80: {  	_ =	shalt  }
0x81: {  	_ =	shalt  }
0x82: {  	_ =	shalt  }
0x83: {  	_ =	shalt  }
0x84: {  	_ =	shalt  }
0x85: {  	_ =	shalt  }
0x86: {  	_ =	shalt  }
0x87: {  	_ =	shalt  }
.Lfunc_end0:
.L_simem_size_0:
called_computation_lowered:
.L_overlay_start_0:
0x88: {  	s2 =	sld [smem:$0x3FD9]  }
0x89: {  	s3 =	sld [smem:$0x3FFE];
	_ =	sdelay $0x1  }
0x8a: {  	s1 =	srdreg.scid  }
0x8b: {  	s0 =	sand.u32 $0x1, s1  }
0x8c: {  	s17 =	sshll.u32 s0, $0xA;
	s2 =	sadd.s32 s3, s2  }
0x8d: {  	s2 =	sadd.s32 s2, s17  }
0x8e: {  	[smem:$0x3FC2] =	sst s2  }
0x8f: {  	_ = 	snop  }
0x90: {  	s2 =	sld [smem:$0x3FD0];
	(tm) =	ssettm $0x1  }
0x91: {  	s18 =	sld [smem:$0x3FFB];
	_ =	sdelay $0x3  }
0x92: {  	_ =	strace s18  }
0x93: {  	s3 =	sld [smem:$0x3FFC];
	_ =	sdelay $0x3  }
0x94: {  	_ =	strace s3  }
0x95: {  	s3 =	sld [smem:$0x3FFD];
	_ =	sdelay $0x3  }
0x96: {  	_ =	strace s3  }
0x97: {  	_ =	strace $0x8FFFFFFF  }
0x98: {  	s19 =	sld [smem:$0x3FDB];
	_ =	sdelay $0x1  }
0x99: {  	s4 =	simm.s32 $_scs_section_size  }
0x9a: {  	s5 =	simm.s32 $_size__tile_overlayer_lowered;
	s6 =	simm.s32 $_tile_overlayer_lowered  }
0x9b: {  	s22 =	simm.s32 $0x1BFF;
	s21 =	sshll.u32 s6, $0x1;
	s3 =	sadd.s32 s4, s19  }
0x9c: {  	s7 =	simm.s32 $0x0;
	s20 =	sshll.u32 s5, $0x1;
	s5 =	sadd.s32 s21, s3  }
0x9d: {  	[timem:s7], [sflag:s22] =	dma.local [hbm:s5], s20  }
0x9e: {  	_ =	swait.ge [sflag:s22], s20  }
0x9f: {  	s4 =	ssub.s32 $0x0, s20;
	[sflag:s22] =	ssyncset.done $0x0  }
0xa0: {  	[sflag:s22] =	ssyncadd.s32 s4;
	_ =	sdelay $0x1  }
0xa1: {  	s23 =	simm.s32 $0x1B8B  }
0xa2: {  	_ =	swait.ge [sflag:s23], $0x1  }
0xa3: {  	[sflag:s23] =	ssyncset.done $0x0  }
0xa4: {  	s25 =	simm.s32 $0x1B8E;
	s24 =	sld [smem:$0x3FFE];
	[sflag:s23] =	ssyncadd.s32 $0xFFFFFFFF  }
0xa5: {  	s26 =	simm.s32 $execute0_lowered;
	[smem:$0x3FD2] =	sst s25  }
0xa6: {  	s5 =	sshll.u32 s26, $0x1;
	_ =	strace $0x80000046;
	[dreg:$0x1] =	wrdreg $0xFFFFFFFF  }
0xa7: {  	s28 =	simm.s32 $_size_execute0_lowered;
	s3 =	sadd.s32 s3, s5;
	[dreg:$0x0] =	wrdreg $0x0  }
0xa8: {  	s5 =	sshll.u32 s28, $0x1;
	[dreg:$0x2] =	wrdreg s3  }
0xa9: {  	[dreg:$0x3] =	wrdreg s5  }
0xaa: {  	[dreg:$0x4] =	wrdreg $0xC0  }
0xab: {  	_ =	task [dreg:s7], $0x5FFFF  }
0xac: {  	[dreg:$0x1] =	wrdreg $0xFFFFFFFF  }
0xad: {  	[dreg:$0x0] =	wrdreg $0x60  }
0xae: {  	[dreg:$0x2] =	wrdreg s2  }
0xaf: {  	[dreg:$0x3] =	wrdreg s24  }
0xb0: {  	[dreg:$0x4] =	wrdreg $0x2FD00  }
0xb1: {  	[dreg:$0x5] =	wrdreg $0x9  }
0xb2: {  	_ =	task.clear_ibuf [dreg:s7], $0x6FFFF;
	_ =	strace $0x90000046  }
0xb3: {  	s29 =	simm.s32 $0x9;
	_ =	strace $0x80000048  }
0xb4: {  	_ =	swait.ge [sflag:s29], $0x1  }
0xb5: {  	[sflag:s29] =	ssyncadd.s32 $0xFFFFFFFF  }
0xb6: {  	_ =	strace $0x90000048  }
0xb7: {  	_ =	sfence  }
0xb8: {  	s30 =	sld [smem:$0x0];
	_ =	sdelay $0x2  }
0xb9: {  	s31 =	sshll.u32 s1, $0xD;
	s1 =	sshrl.u32 s1, $0x2  }
0xba: {  	s3 =	sand.u32 $0x4000, s31;
	s1 =	sadd.s32 s1, s30  }
0xbb: {  	s0 =	sor.u32 s3, s0;
	s1 =	sshll.u32 s1, $0x11  }
0xbc: {  	s0 =	sor.u32 s1, s0  }
0xbd: {  	s0 =	sadd.s32 $0x8F2B, s0  }
0xbe: {  	[sflag:s0] =	ssyncadd.remote.s32 $0x1  }
0xbf: {  	_ =	sfence.sel $0xFFFF  }
0xc0: {  	[dreg:$0x0] =	wrdreg $0xFFFFFFFF;
	(pc) =	sbr.abs _section_cstart, $3  }
0xc1: {  	[dreg:$0x1] =	wrdreg $0xFFFFFFFF  }
0xc2: {  	_ =	task.clear_ibuf [dreg:s7], $0x2FFFF;
	_ =	strace $0x9FFFFFFF  }
0xc3: {  	(tm) =	ssettm $0x7FFFFFFF  }
tec
execute0_lowered:
.L_overlay_start_1:
0x0: {  	(tag) =	ssettag $0x1  }
0x1: {  	s7 =	rddreg [dreg:$0x0]  }
0x2: {  	s6 =	rddreg [dreg:$0x1]  }
0x3: {  	s2 =	rddreg [dreg:$0x2]  }
0x4: {  	s0 =	rddreg [dreg:$0x3];
	s3 =	simm.s32 $0x0  }
0x5: {  	s1 =	stileid.u32;
	s4 =	srdreg.scid;
	s13 =	simm.s32 $0x10  }
0x6: {  	s14 =	simm.s32 $0x5;
	s15 =	simm.s32 $0x2800;
	s16 =	simm.s32 $0x7D  }
0x7: {  	s17 =	simm.s32 $0x80;
	s18 =	simm.s32 $0x100;
	s19 =	simm.s32 $0x180  }
0x8: {  	s20 =	simm.s32 $0x3;
	s21 =	simm.s32 $0x4;
	s22 =	simm.s32 $0x0  }
0x9: {  	[smem:$0x7FF] =	sst s3;
	s5 =	smul.u32 $0x278, s1;
	s8 =	sand.u32 $0x1, s4  }
0xa: {  	s4 =	sadd.s32 $0x2000, s6;
	s11 =	sshll.u32 s1, $0x1;
	s30 =	sshll.u32 s1, $0x6  }
0xb: {  	_ =	strace $0x80000047;
	s10 =	smul.u32 $0x27100, s8;
	s12 =	ssub.s32 $0x2, s8  }
0xc: {  	s8 =	sor.u32 s8, s11;
	s9 =	smin.u32 s5, $0x2498;
	s5 =	sadd.s32 $0x1E00, s6  }
0xd: {  	s29 =	sshrl.u32 s12, $0x1;
	s8 =	smul.u32 $0x500, s8;
	s9 =	sshll.u32 s9, $0x4  }
0xe: {  	s11 =	ssub.s32 s12, s29;
	s12 =	simm.s32 $0x2;
	s10 =	sadd.s32 s10, s9  }
0xf: {  	s31 =	sadd.s32 s9, s2;
	s7 =	sadd.s32 s7, s8;
	s10 =	sshrl.u32 s10, $0x3  }
0x10: {  	s9 =	smax.u32 s11, $0x1;
	s11 =	simm.s32 $0x1;
	s10 =	sadd.s32 s10, s6  }
0x11: {  	s6 =	sor.u32 $0x1C05, s30;
	s8 =	sadd.s32 $0x4800, s10;
	s10 =	sshrl.u32 s31, $0x3  }
.LBB2_1:
0x12: {  	[spmem:s10@s12], [sflag:s6] =	dma.strided [hbm:s4@s13], $0x4F0, s11, $0x2   }
0x13: {  	_ =	swait.ge [sflag:s14], $0x4F0  }
0x14: {  	[sflag:s14] =	ssyncset.done $0x0  }
0x15: {  	[sflag:s14] =	ssyncadd.s32 $0xFFFFFB10  }
0x16: {  	[tilespmem:s3], [sflag:$0x5] =	stream.linear.gather [hbm4b:s7+s3], $0x2800, $0x38;
	[tilespmem:$0x56E0] =	vst v63  }
0x17: {  	_ =	swait.ge [sflag:s14], $0x2800  }
0x18: {  	[sflag:s14] =	ssyncset.done $0x0  }
0x19: {  	[sflag:s14] =	ssyncadd.s32 $0xFFFFD800  }
0x1a: {  	[tilespmem:s15], [sflag:$0x5] =	stream.linear.gather [hbm4b:s5+s3], $0x7D0, $0x38;
	[tilespmem:$0x56E0] =	vst v63  }
0x1b: {  	_ =	swait.ge [sflag:s14], $0x7D0  }
0x1c: {  	[sflag:s14] =	ssyncset.done $0x0  }
0x1d: {  	[sflag:s14] =	ssyncadd.s32 $0xFFFFF830  }
0x1e: {  	[bflag:$0x0] =	sbarrier.arrive $0xFFFF  }
0x1f: {  	[spmem:s2] =	stream.indirect.scatter.add.f32 [tilespmem:s15], [sflag:$0x1], $0x10, s3, s16, $0xb8;
	[tilespmem:$0x56E0] =	vst v63  }
0x20: {  	_ = 	snop  }
0x21: {  	[spmem:s2] =	stream.indirect.scatter.add.f32 [tilespmem:s15], [sflag:$0x2], $0x10, s17, s16, $0xb8;
	[tilespmem:$0x56E0] =	vst v63  }
0x22: {  	_ = 	snop  }
0x23: {  	[spmem:s2] =	stream.indirect.scatter.add.f32 [tilespmem:s15], [sflag:$0x3], $0x10, s18, s16, $0xb8;
	[tilespmem:$0x56E0] =	vst v63  }
0x24: {  	_ = 	snop  }
0x25: {  	[spmem:s2] =	stream.indirect.scatter.add.f32 [tilespmem:s15], [sflag:$0x4], $0x10, s19, s16, $0xb8;
	[tilespmem:$0x56E0] =	vst v63  }
0x26: {  	_ =	swait.ge [sflag:s11], $0x7D0  }
0x27: {  	[sflag:s11] =	ssyncset.done $0x0  }
0x28: {  	s23 =	simm.s32 $0x200;
	[sflag:s11] =	ssyncadd.s32 $0xFFFFF830  }
0x29: {  	[spmem:s2] =	stream.indirect.scatter.add.f32 [tilespmem:s15], [sflag:$0x1], $0x10, s23, s16, $0xb8;
	[tilespmem:$0x56E0] =	vst v63  }
0x2a: {  	_ =	swait.ge [sflag:s12], $0x7D0  }
0x2b: {  	[sflag:s12] =	ssyncset.done $0x0  }
0x2c: {  	s30 =	simm.s32 $0x280;
	[sflag:s12] =	ssyncadd.s32 $0xFFFFF830  }
0x2d: {  	[spmem:s2] =	stream.indirect.scatter.add.f32 [tilespmem:s15], [sflag:$0x2], $0x10, s30, s16, $0xb8;
	[tilespmem:$0x56E0] =	vst v63  }
0x2e: {  	_ =	swait.ge [sflag:s20], $0x7D0  }
0x2f: {  	[sflag:s20] =	ssyncset.done $0x0  }
0x30: {  	s31 =	simm.s32 $0x300;
	[sflag:s20] =	ssyncadd.s32 $0xFFFFF830  }
0x31: {  	[spmem:s2] =	stream.indirect.scatter.add.f32 [tilespmem:s15], [sflag:$0x3], $0x10, s31, s16, $0xb8;
	[tilespmem:$0x56E0] =	vst v63  }
0x32: {  	_ =	swait.ge [sflag:s21], $0x7D0  }
0x33: {  	[sflag:s21] =	ssyncset.done $0x0  }
0x34: {  	s24 =	simm.s32 $0x380;
	s23 =	simm.s32 $0xFFFF7000;
	[sflag:s21] =	ssyncadd.s32 $0xFFFFF830  }
.LBB2_2:
0x35: {  	[spmem:s2] =	stream.indirect.scatter.add.f32 [tilespmem:s15], [sflag:$0x4], $0x10, s24, s16, $0xb8;
	[tilespmem:$0x56E0] =	vst v63  }
0x36: {  	s24 =	smov.u32 s23  }
0x37: {  	p0 =	sne.s32 s23, $0xFFFFF800;
	s23 =	sadd.s32 $0x800, s23;
	_ =	swait.ge [sflag:s11], $0x7D0  }
0x38: {  	s24 =	sshra.s32 s24, $0x2;
	[sflag:s11] =	ssyncset.done $0x0  }
0x39: {  	s25 =	sadd.s32 $0x2800, s24;
	[sflag:s11] =	ssyncadd.s32 $0xFFFFF830  }
0x3a: {  	[spmem:s2] =	stream.indirect.scatter.add.f32 [tilespmem:s15], [sflag:$0x1], $0x10, s25, s16, $0xb8;
	[tilespmem:$0x56E0] =	vst v63  }
0x3b: {  	_ =	swait.ge [sflag:s12], $0x7D0  }
0x3c: {  	[sflag:s12] =	ssyncset.done $0x0  }
0x3d: {  	s25 =	sadd.s32 $0x2880, s24;
	[sflag:s12] =	ssyncadd.s32 $0xFFFFF830  }
0x3e: {  	[spmem:s2] =	stream.indirect.scatter.add.f32 [tilespmem:s15], [sflag:$0x2], $0x10, s25, s16, $0xb8;
	[tilespmem:$0x56E0] =	vst v63  }
0x3f: {  	_ =	swait.ge [sflag:s20], $0x7D0  }
0x40: {  	[sflag:s20] =	ssyncset.done $0x0  }
.Ltmp0:
0x41: {  	s25 =	sadd.s32 $0x2900, s24;
	[sflag:s20] =	ssyncadd.s32 $0xFFFFF830;
	(pc) =	sbr.rel @p0 .LBB2_2-.Ltmp0, $4  }
0x42: {  	[spmem:s2] =	stream.indirect.scatter.add.f32 [tilespmem:s15], [sflag:$0x3], $0x10, s25, s16, $0xb8;
	[tilespmem:$0x56E0] =	vst v63  }
0x43: {  	_ =	swait.ge [sflag:s21], $0x7D0  }
0x44: {  	[sflag:s21] =	ssyncset.done $0x0  }
0x45: {  	s24 =	sadd.s32 $0x2980, s24;
	[sflag:s21] =	ssyncadd.s32 $0xFFFFF830  }
0x46: {  	[spmem:s2] =	stream.indirect.scatter.add.f32 [tilespmem:s15], [sflag:$0x4], $0x10, s24, s16, $0xb8;
	[tilespmem:$0x56E0] =	vst v63  }
0x47: {  	_ =	swait.ge [sflag:s11], $0x7D0  }
0x48: {  	[sflag:s11] =	ssyncset.done $0x0  }
0x49: {  	[sflag:s11] =	ssyncadd.s32 $0xFFFFF830  }
0x4a: {  	_ =	swait.ge [sflag:s12], $0x7D0  }
0x4b: {  	[sflag:s12] =	ssyncset.done $0x0  }
0x4c: {  	[sflag:s12] =	ssyncadd.s32 $0xFFFFF830  }
0x4d: {  	_ =	swait.ge [sflag:s20], $0x7D0  }
0x4e: {  	[sflag:s20] =	ssyncset.done $0x0  }
0x4f: {  	[sflag:s20] =	ssyncadd.s32 $0xFFFFF830  }
0x50: {  	_ =	swait.ge [sflag:s21], $0x7D0  }
0x51: {  	s22 =	sadd.s32 $0x1, s22;
	[sflag:s21] =	ssyncset.done $0x0  }
0x52: {  	p0 =	sne.s32 s22, s9;
	[sflag:s21] =	ssyncadd.s32 $0xFFFFF830  }
.Ltmp1:
0x53: {  	[bflag:$0x0] =	sbarrier.arrive $0xFFFF;
	(pc) =	sbr.rel @p0 .LBB2_1-.Ltmp1, $4  }
0x54: {  	[hbm:s8], [sflag:s6] =	dma.local [spmem:s10], $0x4F0  }
0x55: {  	_ =	swait.ge [sflag:s14], $0x4F0  }
0x56: {  	[sflag:s14] =	ssyncset.done $0x0  }
0x57: {  	[sflag:s14] =	ssyncadd.s32 $0xFFFFFB10  }
0x58: {  	_ =	sfence.sel $0x180000  }
0x59: {  	[bflag:$0x0] =	sbarrier.arrive $0xFFFF  }
0x5a: {  	p0 =	sne.s32 s1, $0x0;
	_ =	strace $0x90000047  }
0x5b: {  	s0 =	sadd.s32 @!p0 $0x100000, s0;
	[bflag:$0x2] =	sbarrier.arrive $0xFFFF  }
0x5c: {  	[sflag:s0] =	ssyncadd.tile.s32 @!p0 $0x1;
	_ =	shalt  }
.Lfunc_end2:
_tile_overlayer_lowered:
.L_overlay_start_2:
0x5d: {  	(tag) =	ssettag $0x2  }
0x5e: {  	s0 =	rddreg [dreg:$0x0];
	s2 =	stileid.u32  }
0x5f: {  	s1 =	rddreg [dreg:$0x1];
	p0 =	sne.s32 s2, $0x0  }
0x60: {  	s3 =	rddreg [dreg:$0x2];
	[bflag:$0x3] =	sbarrier.arrive $0xFFFF;
	s2 =	simm.s32 @!p0 $0x1C05  }
0x61: {  	[timem:s3], [sflag:s2] =	dma.local @!p0 [hbm:s0], s1  }
0x62: {  	s0 =	simm.s32 @!p0 $0x5  }
0x63: {  	_ =	swait.ge @!p0 [sflag:s0], s1  }
0x64: {  	s1 =	ssub.s32 @!p0 $0x0, s1;
	[sflag:s0] =	ssyncset.done @!p0 $0x0  }
0x65: {  	[sflag:s0] =	ssyncadd.s32 @!p0 s1  }
0x66: {  	[bflag:$0x3] =	sbarrier.arrive $0xFFFF  }
0x67: {  	_ =	shalt  }

</sc_bundles>
